<compile_context>
chip_gen: v7x
topology: tpu7x:2x2x1
jax: 0.10.2.dev20260603
libtpu: 0.0.44.dev20260713+nightly
codegen_flags: <defaults>
</compile_context>

<pallas_src>
import functools

import jax
import jax.numpy as jnp
from jax import lax
from jax.experimental import pallas as pl
from jax.experimental.pallas import tpu as pltpu
from jax.experimental.pallas import tpu_sc as plsc

_NC, _NS, _NL = 2, 16, 16
_NW = _NC * _NS
_PADW = 640


def _simtopk_body(tq_ref, dq_ref, idx_ref, cand_v, cand_i, *, bd, k, nd):
    bt = tq_ref.shape[0]
    j = pl.program_id(1)
    blk = lax.dot_general(
        tq_ref[...], dq_ref[...],
        dimension_numbers=(((1,), (1,)), ((), ())),
        preferred_element_type=jnp.float32,
    )
    colio = lax.broadcasted_iota(jnp.int32, (bt, bd), 1)
    kio = lax.broadcasted_iota(jnp.int32, (bt, k), 1)
    ninf = jnp.float32(-jnp.inf)

    def it(r, state):
        work, vals, idxs = state
        m = jnp.max(work, axis=1, keepdims=True)
        am = jnp.min(jnp.where(work == m, colio, bd), axis=1, keepdims=True)
        sel_k = kio == r
        vals = jnp.where(sel_k, m, vals)
        idxs = jnp.where(sel_k, am + j * bd, idxs)
        work = jnp.where(colio == am, ninf, work)
        return work, vals, idxs

    _, vals, idxs = lax.fori_loop(
        0, k, it,
        (blk, jnp.zeros((bt, k), jnp.float32), jnp.zeros((bt, k), jnp.int32)),
        unroll=4)
    cand_v[j] = vals
    cand_i[j] = idxs

    @pl.when(j == nd - 1)
    def _final():
        nc = nd * k
        w0 = cand_v[...]
        civ = cand_i[...]
        posio = (lax.broadcasted_iota(jnp.int32, (nd, bt, k), 0) * k
                 + lax.broadcasted_iota(jnp.int32, (nd, bt, k), 2))
        bigi = jnp.int32(2**30)

        def it2(r, state):
            w, oidx = state
            m = jnp.max(jnp.max(w, axis=0), axis=1)
            mb = m[None, :, None]
            am = jnp.min(jnp.min(jnp.where(w == mb, posio, nc), axis=0),
                         axis=1)
            sel = posio == am[None, :, None]
            gidx = jnp.min(jnp.min(jnp.where(sel, civ, bigi), axis=0),
                           axis=1)
            oidx = jnp.where(kio == r, gidx[:, None], oidx)
            w = jnp.where(sel, ninf, w)
            return w, oidx

        _, oidx = lax.fori_loop(0, k, it2,
                                (w0, jnp.zeros((bt, k), jnp.int32)),
                                unroll=4)
        idx_ref[...] = oidx


def _sim_topk(tq, dq, k, bt, bd):
    t, dim = tq.shape
    d = dq.shape[0]
    nd = d // bd
    body = functools.partial(_simtopk_body, bd=bd, k=k, nd=nd)
    return pl.pallas_call(
        body,
        grid=(t // bt, nd),
        in_specs=[
            pl.BlockSpec((bt, dim), lambda i, j: (i, 0)),
            pl.BlockSpec((bd, dim), lambda i, j: (j, 0)),
        ],
        out_specs=pl.BlockSpec((bt, k), lambda i, j: (i, 0)),
        out_shape=jax.ShapeDtypeStruct((t, k), jnp.int32),
        scratch_shapes=[
            pltpu.VMEM((nd, bt, k), jnp.float32),
            pltpu.VMEM((nd, bt, k), jnp.int32),
        ],
    )(tq, dq)


def _convert_position(pos):
    cx = 0.5 * (pos[:, 0] + pos[:, 2])
    cy = 0.5 * (pos[:, 1] + pos[:, 3])
    w = jnp.maximum(pos[:, 2] - pos[:, 0], 1e-6)
    h = jnp.maximum(pos[:, 3] - pos[:, 1], 1e-6)
    return jnp.stack([cx, cy, w, h], axis=1)


def _normalize(x):
    n = jnp.maximum(jnp.linalg.norm(x, axis=1, keepdims=True), 1e-12)
    return x / n


def _make_edge_kernel(t, d, dim, k, e):
    epw = e // _NW
    bsz = 32
    nb = epw // bsz
    row_w = dim + 4
    nch = row_w // _NL + 1

    def body(tp_hbm, dp_hbm, idx_hbm, out_hbm,
             idx0, idx1, det0, det1, tf0, tf1,
             st1a, st1b, st2a, st2b, gs0, gs1, os0, os1):
        wid = lax.axis_index("s") * _NC + lax.axis_index("c")
        wbase = wid * epw
        lanes = lax.iota(jnp.int32, _NL)
        mneg = jnp.where(lanes < 4, -1.0, 1.0)
        idxs, dets, tfs = (idx0, idx1), (det0, det1), (tf0, tf1)
        s1s, s2s = (st1a, st1b), (st2a, st2b)
        gss, oss = (gs0, gs1), (os0, os1)
        nw = bsz * row_w

        def prefetch(b, ph):
            gb = wbase + b * bsz
            pltpu.sync_copy(idx_hbm.at[pl.ds(gb, bsz)], idxs[ph])
            pltpu.async_copy(dp_hbm.at[idxs[ph]], dets[ph], gss[ph])

        prefetch(0, 0)

        def pair_body(g2, carry):
            for ph in range(2):
                b = g2 * 2 + ph
                gbase = wbase + b * bsz
                src0 = gbase // k

                @pl.when(b < nb - 1)
                def _():
                    prefetch(b + 1, 1 - ph)

                pltpu.sync_copy(tp_hbm.at[pl.ds(src0 * _PADW, _PADW)],
                                tfs[ph])
                pltpu.make_async_copy(dp_hbm.at[idxs[ph]], dets[ph],
                                      gss[ph]).wait()

                @pl.when(b >= 2)
                def _():
                    pltpu.make_async_copy(
                        s1s[ph].at[pl.ds(0, nw)],
                        out_hbm.at[pl.ds(0, nw)], oss[ph]).wait()
                    pltpu.make_async_copy(
                        s1s[ph].at[pl.ds(0, nw)],
                        out_hbm.at[pl.ds(0, nw)], oss[ph]).wait()

                tvals = [tfs[ph][pl.ds(_NL * m, _NL)] for m in range(nch)]

                def edge_body(ei, c2):
                    rbase = ei * row_w
                    for m in range(nch):
                        v = dets[ph][ei, pl.ds(_NL * m, _NL)] + tvals[m]
                        s1s[ph][pl.ds(rbase + _NL * m, _NL)] = v
                        s2s[ph][pl.ds(rbase + _NL * m, _NL)] = (
                            v * mneg if m == 0 else v)
                    return c2

                lax.fori_loop(0, bsz, edge_body, 0)
                pltpu.async_copy(s1s[ph].at[pl.ds(0, nw)],
                                 out_hbm.at[pl.ds(gbase * row_w, nw)],
                                 oss[ph])
                pltpu.async_copy(s2s[ph].at[pl.ds(0, nw)],
                                 out_hbm.at[pl.ds((e + gbase) * row_w, nw)],
                                 oss[ph])
            return carry

        lax.fori_loop(0, nb // 2, pair_body, 0)
        for ph in range(2):
            for _u in range(2):
                pltpu.make_async_copy(s1s[ph].at[pl.ds(0, nw)],
                                      out_hbm.at[pl.ds(0, nw)],
                                      oss[ph]).wait()

    mesh = plsc.VectorSubcoreMesh(core_axis_name="c", subcore_axis_name="s")
    return pl.kernel(
        body,
        out_type=jax.ShapeDtypeStruct((2 * e * row_w,), jnp.float32),
        mesh=mesh,
        scratch_types=[
            pltpu.VMEM((bsz,), jnp.int32),
            pltpu.VMEM((bsz,), jnp.int32),
            pltpu.VMEM((bsz, _PADW), jnp.float32),
            pltpu.VMEM((bsz, _PADW), jnp.float32),
            pltpu.VMEM((_PADW,), jnp.float32),
            pltpu.VMEM((_PADW,), jnp.float32),
            pltpu.VMEM((bsz * row_w + _NL,), jnp.float32),
            pltpu.VMEM((bsz * row_w + _NL,), jnp.float32),
            pltpu.VMEM((bsz * row_w + _NL,), jnp.float32),
            pltpu.VMEM((bsz * row_w + _NL,), jnp.float32),
            pltpu.SemaphoreType.DMA,
            pltpu.SemaphoreType.DMA,
            pltpu.SemaphoreType.DMA,
            pltpu.SemaphoreType.DMA,
        ],
    )


def kernel(tracklet_feat, det_feat, tracklet_pos, det_pos, img_w, img_h):
    t, dim = tracklet_feat.shape
    d = det_feat.shape[0]
    k = min(32, d)
    e = t * k
    tq = _normalize(tracklet_feat)
    dq = _normalize(det_feat)
    idx = _sim_topk(tq, dq, k, min(256, t), min(2048, d))

    tp = _convert_position(tracklet_pos)
    dp = _convert_position(det_pos)
    iw = jnp.asarray(img_w, jnp.float32)
    ih = jnp.asarray(img_h, jnp.float32)
    ta = jnp.stack([tp[:, 0] / iw, tp[:, 1] / ih,
                    jnp.log(tp[:, 2]), jnp.log(tp[:, 3])], axis=1)
    da = jnp.stack([dp[:, 0] / iw, dp[:, 1] / ih,
                    jnp.log(dp[:, 2]), jnp.log(dp[:, 3])], axis=1)
    tpack = jnp.concatenate(
        [ta, 0.5 * tracklet_feat,
         jnp.zeros((t, _PADW - dim - 4), jnp.float32)], axis=1)
    dpack = jnp.concatenate(
        [-da, 0.5 * det_feat,
         jnp.zeros((d, _PADW - dim - 4), jnp.float32)], axis=1)

    edge_fn = _make_edge_kernel(t, d, dim, k, e)
    flat = edge_fn(tpack.reshape(-1), dpack, idx.reshape(-1))
    return flat.reshape(2 * e, dim + 4)

# --- scband reference (transcript-rebuilt; emitter-appended) ---
"""Pipeline reference for scband-association-graph-5059471474810 (READ-ONLY COPY).

The authoritative reference and input builder live on the scoring server;
editing this copy changes nothing except your own understanding.
"""

import jax, jax.numpy as jnp
import numpy as np

T, D, DIM, K = 4096, 16384, 512, 32

def _make_boxes(key, n, img_w, img_h):
    ka, kb = jax.random.split(key)
    xy = jax.random.uniform(ka, (n, 2), dtype=jnp.float32) * jnp.array([img_w - 120.0, img_h - 120.0], dtype=jnp.float32)
    wh = jax.random.uniform(kb, (n, 2), dtype=jnp.float32) * 90.0 + 10.0
    return jnp.concatenate([xy, xy + wh], axis=1)  # tlbr

def setup_inputs(seed: int = 0) -> dict:
    key = jax.random.key(seed)
    k1, k2, k3, k4 = jax.random.split(key, 4)
    return {
        "tracklet_feat": jax.random.normal(k1, (T, DIM), dtype=jnp.float32),
        "det_feat": jax.random.normal(k2, (D, DIM), dtype=jnp.float32),
        "tracklet_pos": _make_boxes(k3, T, 1920.0, 1080.0),
        "det_pos": _make_boxes(k4, D, 1920.0, 1080.0),
        "img_w": 1920,
        "img_h": 1080,
    }

def _convert_position(pos):
    # tlbr -> (cx, cy, w, h)
    cx = 0.5 * (pos[:, 0] + pos[:, 2])
    cy = 0.5 * (pos[:, 1] + pos[:, 3])
    w = jnp.maximum(pos[:, 2] - pos[:, 0], 1e-6)
    h = jnp.maximum(pos[:, 3] - pos[:, 1], 1e-6)
    return jnp.stack([cx, cy, w, h], axis=1)

def _normalize(x):
    n = jnp.maximum(jnp.linalg.norm(x, axis=1, keepdims=True), 1e-12)
    return x / n

def reference(tracklet_feat, det_feat, tracklet_pos, det_pos, img_w, img_h):
    k = min(K, det_feat.shape[0])
    # sim_dist edge building: cosine similarity KNN (compute-heavy matmul)
    tq = _normalize(tracklet_feat)
    dq = _normalize(det_feat)
    sim = jnp.matmul(tq, dq.T)  # [T, D]
    _, idx = jax.lax.top_k(sim, k)  # [T, k]
    src = jnp.repeat(jnp.arange(tracklet_feat.shape[0]), k)  # [T*k]
    dst = idx.reshape(-1)  # [T*k]
    tp = _convert_position(tracklet_pos)
    dp = _convert_position(det_pos)
    # xy_diff
    x_diff = (tp[src, 0] - dp[dst, 0]) / jnp.asarray(img_w, jnp.float32)
    y_diff = (tp[src, 1] - dp[dst, 1]) / jnp.asarray(img_h, jnp.float32)
    x_full = jnp.concatenate([x_diff, -x_diff], axis=0)
    y_full = jnp.concatenate([y_diff, -y_diff], axis=0)
    # log_wh
    log_wh = jnp.stack([
        jnp.log(tp[src, 2] / dp[dst, 2]),
        jnp.log(tp[src, 3] / dp[dst, 3]),
    ], axis=1)
    log_wh_full = jnp.concatenate([log_wh, -log_wh], axis=0)
    # feature merge (avg)
    feat_merge = 0.5 * (tracklet_feat[src] + det_feat[dst])
    feat_full = jnp.concatenate([feat_merge, feat_merge], axis=0)
    edge_attr = jnp.concatenate([x_full[:, None], y_full[:, None], log_wh_full, feat_full], axis=1)
    return edge_attr

if __name__ == "__main__":
    import jax
    _d = setup_inputs()
    print(jax.jit(kernel)(*tuple(_d.values())))

</pallas_src>

<mosaic_0001>
#map = affine_map<(d0, d1) -> (0)>
#map1 = affine_map<(d0, d1) -> (0, 0)>
module attributes {stable_mosaic.version = 14 : i64} {
  func.func @body(%arg0: i32, %arg1: i32, %arg2: memref<2621440xf32, #tpu.memory_space<hbm>>, %arg3: memref<16384x640xf32, #tpu.memory_space<hbm>>, %arg4: memref<131072xi32, #tpu.memory_space<hbm>>, %arg5: memref<135266304xf32, #tpu.memory_space<hbm>>, %arg6: memref<32xi32, #tpu.memory_space<vmem>>, %arg7: memref<32xi32, #tpu.memory_space<vmem>>, %arg8: memref<32x640xf32, #tpu.memory_space<vmem>>, %arg9: memref<32x640xf32, #tpu.memory_space<vmem>>, %arg10: memref<640xf32, #tpu.memory_space<vmem>>, %arg11: memref<640xf32, #tpu.memory_space<vmem>>, %arg12: memref<16528xf32, #tpu.memory_space<vmem>>, %arg13: memref<16528xf32, #tpu.memory_space<vmem>>, %arg14: memref<16528xf32, #tpu.memory_space<vmem>>, %arg15: memref<16528xf32, #tpu.memory_space<vmem>>, %arg16: memref<!tpu.dma_semaphore, #tpu.memory_space<semaphore_mem>>, %arg17: memref<!tpu.dma_semaphore, #tpu.memory_space<semaphore_mem>>, %arg18: memref<!tpu.dma_semaphore, #tpu.memory_space<semaphore_mem>>, %arg19: memref<!tpu.dma_semaphore, #tpu.memory_space<semaphore_mem>>) attributes {dimension_semantics = [#tpu.dimension_semantics<core_parallel>, #tpu.dimension_semantics<subcore_parallel>], iteration_bounds = array<i64: 2, 16>, scalar_prefetch = 0 : i64, scratch_operands = 14 : i64, tpu.core_type = #tpu.core_type<sc_vector_subcore>, window_params = [{transform_indices = #map}, {transform_indices = #map1}, {transform_indices = #map}, {transform_indices = #map}]} {
    %mul3A = arith.constant 2 : i32
    %mul3A_0 = arith.muli %arg1, %mul3A : i32
    %add3A = arith.addi %mul3A_0, %arg0 : i32
    %mul3A_1 = arith.constant 4096 : i32
    %mul3A_2 = arith.muli %add3A, %mul3A_1 : i32
    %iota3A = tpu.iota {dimensions = array<i32: 0>} : vector<16xi32>
    %lt3A = arith.constant 4 : i32
    %lt3A_3 = vector.broadcast %lt3A : i32 to vector<16xi32>
    %lt3A_4 = arith.cmpi slt, %iota3A, %lt3A_3 : vector<16xi32>
    %jit3A = arith.constant -1.000000e+00 : f32
    %jit3A_5 = arith.constant 1.000000e+00 : f32
    %broadcast_in_dim3A = vector.broadcast %jit3A : f32 to vector<16xf32>
    %broadcast_in_dim3A_6 = vector.broadcast %jit3A_5 : f32 to vector<16xf32>
    %select_n3A = arith.select %lt3A_4, %broadcast_in_dim3A, %broadcast_in_dim3A_6 : vector<16xi1>, vector<16xf32>
    %add3A_7 = arith.constant 0 : i32
    %add3A_8 = arith.addi %mul3A_2, %add3A_7 : i32
    "tpu.region"() ({
      %run_scoped3A = tpu.sem_alloc : memref<!tpu.dma_semaphore, #tpu.memory_space<semaphore_mem>>
      %dma_start3A_47 = tpu.memref_slice %arg4[%add3A_8] : memref<131072xi32, #tpu.memory_space<hbm>> -> memref<32xi32, #tpu.memory_space<hbm>>
      %dma_start3A_48 = tpu.memref_slice %arg4[%add3A_8] : memref<131072xi32, #tpu.memory_space<hbm>> -> memref<32xi32, #tpu.memory_space<hbm>>
      tpu.enqueue_dma source(%dma_start3A_48 : memref<32xi32, #tpu.memory_space<hbm>>) target(%arg6 : memref<32xi32, #tpu.memory_space<vmem>>) target_semaphore(%run_scoped3A : memref<!tpu.dma_semaphore, #tpu.memory_space<semaphore_mem>>)
      %dma_wait3A_49 = tpu.memref_slice %arg4[%add3A_8] : memref<131072xi32, #tpu.memory_space<hbm>> -> memref<32xi32, #tpu.memory_space<hbm>>
      %dma_wait3A_50 = tpu.memref_slice %arg4[%add3A_8] : memref<131072xi32, #tpu.memory_space<hbm>> -> memref<32xi32, #tpu.memory_space<hbm>>
      tpu.wait_dma2 semaphore(%run_scoped3A : memref<!tpu.dma_semaphore, #tpu.memory_space<semaphore_mem>>) src(%dma_wait3A_50 : memref<32xi32, #tpu.memory_space<hbm>>) dst(%arg6 : memref<32xi32, #tpu.memory_space<vmem>>)
      tpu.yield
    }) : () -> ()
    %dma_start3A = arith.constant 0 : i32
    %dma_start3A_9 = arith.constant 0 : i32
    %dma_start3A_10 = tpu.memref_slice %arg3[%dma_start3A, %dma_start3A_9] : memref<16384x640xf32, #tpu.memory_space<hbm>> -> memref<16384x640xf32, #tpu.memory_space<hbm>>
    tpu.enqueue_indirect_dma source(%dma_start3A_10 : memref<16384x640xf32, #tpu.memory_space<hbm>>) target(%arg8 : memref<32x640xf32, #tpu.memory_space<vmem>>) offsets(%arg6 : memref<32xi32, #tpu.memory_space<vmem>>) semaphore(%arg16 : memref<!tpu.dma_semaphore, #tpu.memory_space<semaphore_mem>>)
    %scan3A = arith.constant 0 : i32
    %scan3A_11 = arith.constant 0 : i32
    %scan3A_12 = arith.constant 64 : i32
    %scan3A_13 = arith.addi %scan3A_11, %scan3A_12 : i32
    %scan3A_14 = arith.constant 1 : i32
    scf.for %scan3A_47 = %scan3A_11 to %scan3A_13 step %scan3A_14  : i32 {
      %mul3A_48 = arith.constant 2 : i32
      %mul3A_49 = arith.muli %scan3A_47, %mul3A_48 : i32
      %add3A_50 = arith.constant 0 : i32
      %add3A_51 = arith.addi %mul3A_49, %add3A_50 : i32
      %mul3A_52 = arith.constant 32 : i32
      %mul3A_53 = arith.muli %add3A_51, %mul3A_52 : i32
      %add3A_54 = arith.addi %mul3A_2, %mul3A_53 : i32
      %jit3A_55 = arith.constant 32 : i32
      %div3A = arith.divsi %add3A_54, %jit3A_55 : i32
      %sign3A = arith.constant 0 : i32
      %sign3A_56 = arith.cmpi sgt, %add3A_54, %sign3A : i32
      %sign3A_57 = arith.extui %sign3A_56 : i1 to i32
      %sign3A_58 = arith.constant 0 : i32
      %sign3A_59 = arith.cmpi slt, %add3A_54, %sign3A_58 : i32
      %sign3A_60 = arith.extui %sign3A_59 : i1 to i32
      %sign3A_61 = arith.subi %sign3A_57, %sign3A_60 : i32
      %sign3A_62 = arith.constant 0 : i32
      %sign3A_63 = arith.cmpi sgt, %jit3A_55, %sign3A_62 : i32
      %sign3A_64 = arith.extui %sign3A_63 : i1 to i32
      %sign3A_65 = arith.constant 0 : i32
      %sign3A_66 = arith.cmpi slt, %jit3A_55, %sign3A_65 : i32
      %sign3A_67 = arith.extui %sign3A_66 : i1 to i32
      %sign3A_68 = arith.subi %sign3A_64, %sign3A_67 : i32
      %ne3A = arith.cmpi ne, %sign3A_61, %sign3A_68 : i32
      %rem3A = arith.remsi %add3A_54, %jit3A_55 : i32
      %ne3A_69 = arith.constant 0 : i32
      %ne3A_70 = arith.cmpi ne, %rem3A, %ne3A_69 : i32
      %and3A = arith.andi %ne3A, %ne3A_70 : i1
      %sub3A = arith.constant 1 : i32
      %sub3A_71 = arith.subi %div3A, %sub3A : i32
      %select_n3A_72 = arith.select %and3A, %sub3A_71, %div3A : i32
      %lt3A_73 = arith.constant 127 : i32
      %lt3A_74 = arith.cmpi slt, %add3A_51, %lt3A_73 : i32
      %convert_element_type3A = arith.extui %lt3A_74 : i1 to i32
      %cond3A = arith.constant 0 : i32
      %cond3A_75 = arith.cmpi ne, %convert_element_type3A, %cond3A : i32
      scf.if %cond3A_75 {
        %add3A_376 = arith.constant 1 : i32
        %add3A_377 = arith.addi %add3A_51, %add3A_376 : i32
        %mul3A_378 = arith.constant 32 : i32
        %mul3A_379 = arith.muli %add3A_377, %mul3A_378 : i32
        %add3A_380 = arith.addi %mul3A_2, %mul3A_379 : i32
        "tpu.region"() ({
          %run_scoped3A = tpu.sem_alloc : memref<!tpu.dma_semaphore, #tpu.memory_space<semaphore_mem>>
          %dma_start3A_384 = tpu.memref_slice %arg4[%add3A_380] : memref<131072xi32, #tpu.memory_space<hbm>> -> memref<32xi32, #tpu.memory_space<hbm>>
          %dma_start3A_385 = tpu.memref_slice %arg4[%add3A_380] : memref<131072xi32, #tpu.memory_space<hbm>> -> memref<32xi32, #tpu.memory_space<hbm>>
          tpu.enqueue_dma source(%dma_start3A_385 : memref<32xi32, #tpu.memory_space<hbm>>) target(%arg7 : memref<32xi32, #tpu.memory_space<vmem>>) target_semaphore(%run_scoped3A : memref<!tpu.dma_semaphore, #tpu.memory_space<semaphore_mem>>)
          %dma_wait3A_386 = tpu.memref_slice %arg4[%add3A_380] : memref<131072xi32, #tpu.memory_space<hbm>> -> memref<32xi32, #tpu.memory_space<hbm>>
          %dma_wait3A_387 = tpu.memref_slice %arg4[%add3A_380] : memref<131072xi32, #tpu.memory_space<hbm>> -> memref<32xi32, #tpu.memory_space<hbm>>
          tpu.wait_dma2 semaphore(%run_scoped3A : memref<!tpu.dma_semaphore, #tpu.memory_space<semaphore_mem>>) src(%dma_wait3A_387 : memref<32xi32, #tpu.memory_space<hbm>>) dst(%arg7 : memref<32xi32, #tpu.memory_space<vmem>>)
          tpu.yield
        }) : () -> ()
        %dma_start3A_381 = arith.constant 0 : i32
        %dma_start3A_382 = arith.constant 0 : i32
        %dma_start3A_383 = tpu.memref_slice %arg3[%dma_start3A_381, %dma_start3A_382] : memref<16384x640xf32, #tpu.memory_space<hbm>> -> memref<16384x640xf32, #tpu.memory_space<hbm>>
        tpu.enqueue_indirect_dma source(%dma_start3A_383 : memref<16384x640xf32, #tpu.memory_space<hbm>>) target(%arg9 : memref<32x640xf32, #tpu.memory_space<vmem>>) offsets(%arg7 : memref<32xi32, #tpu.memory_space<vmem>>) semaphore(%arg17 : memref<!tpu.dma_semaphore, #tpu.memory_space<semaphore_mem>>)
      } else {
      }
      %mul3A_76 = arith.constant 640 : i32
      %mul3A_77 = arith.muli %select_n3A_72, %mul3A_76 : i32
      "tpu.region"() ({
        %run_scoped3A = tpu.sem_alloc : memref<!tpu.dma_semaphore, #tpu.memory_space<semaphore_mem>>
        %dma_start3A_376 = tpu.memref_slice %arg2[%mul3A_77] : memref<2621440xf32, #tpu.memory_space<hbm>> -> memref<640xf32, #tpu.memory_space<hbm>>
        %dma_start3A_377 = tpu.memref_slice %arg2[%mul3A_77] : memref<2621440xf32, #tpu.memory_space<hbm>> -> memref<640xf32, #tpu.memory_space<hbm>>
        tpu.enqueue_dma source(%dma_start3A_377 : memref<640xf32, #tpu.memory_space<hbm>>) target(%arg10 : memref<640xf32, #tpu.memory_space<vmem>>) target_semaphore(%run_scoped3A : memref<!tpu.dma_semaphore, #tpu.memory_space<semaphore_mem>>)
        %dma_wait3A_378 = tpu.memref_slice %arg2[%mul3A_77] : memref<2621440xf32, #tpu.memory_space<hbm>> -> memref<640xf32, #tpu.memory_space<hbm>>
        %dma_wait3A_379 = tpu.memref_slice %arg2[%mul3A_77] : memref<2621440xf32, #tpu.memory_space<hbm>> -> memref<640xf32, #tpu.memory_space<hbm>>
        tpu.wait_dma2 semaphore(%run_scoped3A : memref<!tpu.dma_semaphore, #tpu.memory_space<semaphore_mem>>) src(%dma_wait3A_379 : memref<640xf32, #tpu.memory_space<hbm>>) dst(%arg10 : memref<640xf32, #tpu.memory_space<vmem>>)
        tpu.yield
      }) : () -> ()
      %dma_wait3A_78 = arith.constant 0 : i32
      %dma_wait3A_79 = arith.constant 0 : i32
      %dma_wait3A_80 = tpu.memref_slice %arg3[%dma_wait3A_78, %dma_wait3A_79] : memref<16384x640xf32, #tpu.memory_space<hbm>> -> memref<16384x640xf32, #tpu.memory_space<hbm>>
      tpu.wait_indirect_dma semaphore(%arg16 : memref<!tpu.dma_semaphore, #tpu.memory_space<semaphore_mem>>) src(%dma_wait3A_80 : memref<16384x640xf32, #tpu.memory_space<hbm>>) dst(%arg8 : memref<32x640xf32, #tpu.memory_space<vmem>>)
      %ge3A = arith.constant 2 : i32
      %ge3A_81 = arith.cmpi sge, %add3A_51, %ge3A : i32
      %convert_element_type3A_82 = arith.extui %ge3A_81 : i1 to i32
      %cond3A_83 = arith.constant 0 : i32
      %cond3A_84 = arith.cmpi ne, %convert_element_type3A_82, %cond3A_83 : i32
      scf.if %cond3A_84 {
        %dma_wait3A_376 = arith.constant 0 : i32
        %dma_wait3A_377 = tpu.memref_slice %arg12[%dma_wait3A_376] : memref<16528xf32, #tpu.memory_space<vmem>> -> memref<16512xf32, #tpu.memory_space<vmem>>
        %dma_wait3A_378 = arith.constant 0 : i32
        %dma_wait3A_379 = tpu.memref_slice %arg5[%dma_wait3A_378] : memref<135266304xf32, #tpu.memory_space<hbm>> -> memref<16512xf32, #tpu.memory_space<hbm>>
        %dma_wait3A_380 = arith.constant 0 : i32
        %dma_wait3A_381 = tpu.memref_slice %arg5[%dma_wait3A_380] : memref<135266304xf32, #tpu.memory_space<hbm>> -> memref<16512xf32, #tpu.memory_space<hbm>>
        %dma_wait3A_382 = arith.constant 0 : i32
        %dma_wait3A_383 = tpu.memref_slice %arg12[%dma_wait3A_382] : memref<16528xf32, #tpu.memory_space<vmem>> -> memref<16512xf32, #tpu.memory_space<vmem>>
        tpu.wait_dma2 semaphore(%arg18 : memref<!tpu.dma_semaphore, #tpu.memory_space<semaphore_mem>>) src(%dma_wait3A_383 : memref<16512xf32, #tpu.memory_space<vmem>>) dst(%dma_wait3A_381 : memref<16512xf32, #tpu.memory_space<hbm>>)
        %dma_wait3A_384 = arith.constant 0 : i32
        %dma_wait3A_385 = tpu.memref_slice %arg12[%dma_wait3A_384] : memref<16528xf32, #tpu.memory_space<vmem>> -> memref<16512xf32, #tpu.memory_space<vmem>>
        %dma_wait3A_386 = arith.constant 0 : i32
        %dma_wait3A_387 = tpu.memref_slice %arg5[%dma_wait3A_386] : memref<135266304xf32, #tpu.memory_space<hbm>> -> memref<16512xf32, #tpu.memory_space<hbm>>
        %dma_wait3A_388 = arith.constant 0 : i32
        %dma_wait3A_389 = tpu.memref_slice %arg5[%dma_wait3A_388] : memref<135266304xf32, #tpu.memory_space<hbm>> -> memref<16512xf32, #tpu.memory_space<hbm>>
        %dma_wait3A_390 = arith.constant 0 : i32
        %dma_wait3A_391 = tpu.memref_slice %arg12[%dma_wait3A_390] : memref<16528xf32, #tpu.memory_space<vmem>> -> memref<16512xf32, #tpu.memory_space<vmem>>
        tpu.wait_dma2 semaphore(%arg18 : memref<!tpu.dma_semaphore, #tpu.memory_space<semaphore_mem>>) src(%dma_wait3A_391 : memref<16512xf32, #tpu.memory_space<vmem>>) dst(%dma_wait3A_389 : memref<16512xf32, #tpu.memory_space<hbm>>)
      } else {
      }
      %get3A = arith.constant 0 : index
      %get3A_85 = tpu.vector_load %arg10[%get3A] {strides = array<i32>} : memref<640xf32, #tpu.memory_space<vmem>>, vector<16xf32>,
      %get3A_86 = vector.shape_cast %get3A_85 : vector<16xf32> to vector<16xf32>
      %get3A_87 = arith.constant 16 : index
      %get3A_88 = tpu.vector_load %arg10[%get3A_87] {strides = array<i32>} : memref<640xf32, #tpu.memory_space<vmem>>, vector<16xf32>,
      %get3A_89 = vector.shape_cast %get3A_88 : vector<16xf32> to vector<16xf32>
      %get3A_90 = arith.constant 32 : index
      %get3A_91 = tpu.vector_load %arg10[%get3A_90] {strides = array<i32>} : memref<640xf32, #tpu.memory_space<vmem>>, vector<16xf32>,
      %get3A_92 = vector.shape_cast %get3A_91 : vector<16xf32> to vector<16xf32>
      %get3A_93 = arith.constant 48 : index
      %get3A_94 = tpu.vector_load %arg10[%get3A_93] {strides = array<i32>} : memref<640xf32, #tpu.memory_space<vmem>>, vector<16xf32>,
      %get3A_95 = vector.shape_cast %get3A_94 : vector<16xf32> to vector<16xf32>
      %get3A_96 = arith.constant 64 : index
      %get3A_97 = tpu.vector_load %arg10[%get3A_96] {strides = array<i32>} : memref<640xf32, #tpu.memory_space<vmem>>, vector<16xf32>,
      %get3A_98 = vector.shape_cast %get3A_97 : vector<16xf32> to vector<16xf32>
      %get3A_99 = arith.constant 80 : index
      %get3A_100 = tpu.vector_load %arg10[%get3A_99] {strides = array<i32>} : memref<640xf32, #tpu.memory_space<vmem>>, vector<16xf32>,
      %get3A_101 = vector.shape_cast %get3A_100 : vector<16xf32> to vector<16xf32>
      %get3A_102 = arith.constant 96 : index
      %get3A_103 = tpu.vector_load %arg10[%get3A_102] {strides = array<i32>} : memref<640xf32, #tpu.memory_space<vmem>>, vector<16xf32>,
      %get3A_104 = vector.shape_cast %get3A_103 : vector<16xf32> to vector<16xf32>
      %get3A_105 = arith.constant 112 : index
      %get3A_106 = tpu.vector_load %arg10[%get3A_105] {strides = array<i32>} : memref<640xf32, #tpu.memory_space<vmem>>, vector<16xf32>,
      %get3A_107 = vector.shape_cast %get3A_106 : vector<16xf32> to vector<16xf32>
      %get3A_108 = arith.constant 128 : index
      %get3A_109 = tpu.vector_load %arg10[%get3A_108] {strides = array<i32>} : memref<640xf32, #tpu.memory_space<vmem>>, vector<16xf32>,
      %get3A_110 = vector.shape_cast %get3A_109 : vector<16xf32> to vector<16xf32>
      %get3A_111 = arith.constant 144 : index
      %get3A_112 = tpu.vector_load %arg10[%get3A_111] {strides = array<i32>} : memref<640xf32, #tpu.memory_space<vmem>>, vector<16xf32>,
      %get3A_113 = vector.shape_cast %get3A_112 : vector<16xf32> to vector<16xf32>
      %get3A_114 = arith.constant 160 : index
      %get3A_115 = tpu.vector_load %arg10[%get3A_114] {strides = array<i32>} : memref<640xf32, #tpu.memory_space<vmem>>, vector<16xf32>,
      %get3A_116 = vector.shape_cast %get3A_115 : vector<16xf32> to vector<16xf32>
      %get3A_117 = arith.constant 176 : index
      %get3A_118 = tpu.vector_load %arg10[%get3A_117] {strides = array<i32>} : memref<640xf32, #tpu.memory_space<vmem>>, vector<16xf32>,
      %get3A_119 = vector.shape_cast %get3A_118 : vector<16xf32> to vector<16xf32>
      %get3A_120 = arith.constant 192 : index
      %get3A_121 = tpu.vector_load %arg10[%get3A_120] {strides = array<i32>} : memref<640xf32, #tpu.memory_space<vmem>>, vector<16xf32>,
      %get3A_122 = vector.shape_cast %get3A_121 : vector<16xf32> to vector<16xf32>
      %get3A_123 = arith.constant 208 : index
      %get3A_124 = tpu.vector_load %arg10[%get3A_123] {strides = array<i32>} : memref<640xf32, #tpu.memory_space<vmem>>, vector<16xf32>,
      %get3A_125 = vector.shape_cast %get3A_124 : vector<16xf32> to vector<16xf32>
      %get3A_126 = arith.constant 224 : index
      %get3A_127 = tpu.vector_load %arg10[%get3A_126] {strides = array<i32>} : memref<640xf32, #tpu.memory_space<vmem>>, vector<16xf32>,
      %get3A_128 = vector.shape_cast %get3A_127 : vector<16xf32> to vector<16xf32>
      %get3A_129 = arith.constant 240 : index
      %get3A_130 = tpu.vector_load %arg10[%get3A_129] {strides = array<i32>} : memref<640xf32, #tpu.memory_space<vmem>>, vector<16xf32>,
      %get3A_131 = vector.shape_cast %get3A_130 : vector<16xf32> to vector<16xf32>
      %get3A_132 = arith.constant 256 : index
      %get3A_133 = tpu.vector_load %arg10[%get3A_132] {strides = array<i32>} : memref<640xf32, #tpu.memory_space<vmem>>, vector<16xf32>,
      %get3A_134 = vector.shape_cast %get3A_133 : vector<16xf32> to vector<16xf32>
      %get3A_135 = arith.constant 272 : index
      %get3A_136 = tpu.vector_load %arg10[%get3A_135] {strides = array<i32>} : memref<640xf32, #tpu.memory_space<vmem>>, vector<16xf32>,
      %get3A_137 = vector.shape_cast %get3A_136 : vector<16xf32> to vector<16xf32>
      %get3A_138 = arith.constant 288 : index
      %get3A_139 = tpu.vector_load %arg10[%get3A_138] {strides = array<i32>} : memref<640xf32, #tpu.memory_space<vmem>>, vector<16xf32>,
      %get3A_140 = vector.shape_cast %get3A_139 : vector<16xf32> to vector<16xf32>
      %get3A_141 = arith.constant 304 : index
      %get3A_142 = tpu.vector_load %arg10[%get3A_141] {strides = array<i32>} : memref<640xf32, #tpu.memory_space<vmem>>, vector<16xf32>,
      %get3A_143 = vector.shape_cast %get3A_142 : vector<16xf32> to vector<16xf32>
      %get3A_144 = arith.constant 320 : index
      %get3A_145 = tpu.vector_load %arg10[%get3A_144] {strides = array<i32>} : memref<640xf32, #tpu.memory_space<vmem>>, vector<16xf32>,
      %get3A_146 = vector.shape_cast %get3A_145 : vector<16xf32> to vector<16xf32>
      %get3A_147 = arith.constant 336 : index
      %get3A_148 = tpu.vector_load %arg10[%get3A_147] {strides = array<i32>} : memref<640xf32, #tpu.memory_space<vmem>>, vector<16xf32>,
      %get3A_149 = vector.shape_cast %get3A_148 : vector<16xf32> to vector<16xf32>
      %get3A_150 = arith.constant 352 : index
      %get3A_151 = tpu.vector_load %arg10[%get3A_150] {strides = array<i32>} : memref<640xf32, #tpu.memory_space<vmem>>, vector<16xf32>,
      %get3A_152 = vector.shape_cast %get3A_151 : vector<16xf32> to vector<16xf32>
      %get3A_153 = arith.constant 368 : index
      %get3A_154 = tpu.vector_load %arg10[%get3A_153] {strides = array<i32>} : memref<640xf32, #tpu.memory_space<vmem>>, vector<16xf32>,
      %get3A_155 = vector.shape_cast %get3A_154 : vector<16xf32> to vector<16xf32>
      %get3A_156 = arith.constant 384 : index
      %get3A_157 = tpu.vector_load %arg10[%get3A_156] {strides = array<i32>} : memref<640xf32, #tpu.memory_space<vmem>>, vector<16xf32>,
      %get3A_158 = vector.shape_cast %get3A_157 : vector<16xf32> to vector<16xf32>
      %get3A_159 = arith.constant 400 : index
      %get3A_160 = tpu.vector_load %arg10[%get3A_159] {strides = array<i32>} : memref<640xf32, #tpu.memory_space<vmem>>, vector<16xf32>,
      %get3A_161 = vector.shape_cast %get3A_160 : vector<16xf32> to vector<16xf32>
      %get3A_162 = arith.constant 416 : index
      %get3A_163 = tpu.vector_load %arg10[%get3A_162] {strides = array<i32>} : memref<640xf32, #tpu.memory_space<vmem>>, vector<16xf32>,
      %get3A_164 = vector.shape_cast %get3A_163 : vector<16xf32> to vector<16xf32>
      %get3A_165 = arith.constant 432 : index
      %get3A_166 = tpu.vector_load %arg10[%get3A_165] {strides = array<i32>} : memref<640xf32, #tpu.memory_space<vmem>>, vector<16xf32>,
      %get3A_167 = vector.shape_cast %get3A_166 : vector<16xf32> to vector<16xf32>
      %get3A_168 = arith.constant 448 : index
      %get3A_169 = tpu.vector_load %arg10[%get3A_168] {strides = array<i32>} : memref<640xf32, #tpu.memory_space<vmem>>, vector<16xf32>,
      %get3A_170 = vector.shape_cast %get3A_169 : vector<16xf32> to vector<16xf32>
      %get3A_171 = arith.constant 464 : index
      %get3A_172 = tpu.vector_load %arg10[%get3A_171] {strides = array<i32>} : memref<640xf32, #tpu.memory_space<vmem>>, vector<16xf32>,
      %get3A_173 = vector.shape_cast %get3A_172 : vector<16xf32> to vector<16xf32>
      %get3A_174 = arith.constant 480 : index
      %get3A_175 = tpu.vector_load %arg10[%get3A_174] {strides = array<i32>} : memref<640xf32, #tpu.memory_space<vmem>>, vector<16xf32>,
      %get3A_176 = vector.shape_cast %get3A_175 : vector<16xf32> to vector<16xf32>
      %get3A_177 = arith.constant 496 : index
      %get3A_178 = tpu.vector_load %arg10[%get3A_177] {strides = array<i32>} : memref<640xf32, #tpu.memory_space<vmem>>, vector<16xf32>,
      %get3A_179 = vector.shape_cast %get3A_178 : vector<16xf32> to vector<16xf32>
      %get3A_180 = arith.constant 512 : index
      %get3A_181 = tpu.vector_load %arg10[%get3A_180] {strides = array<i32>} : memref<640xf32, #tpu.memory_space<vmem>>, vector<16xf32>,
      %get3A_182 = vector.shape_cast %get3A_181 : vector<16xf32> to vector<16xf32>
      %scan3A_183 = arith.constant 0 : i32
      %scan3A_184 = arith.constant 0 : i32
      %scan3A_185 = arith.constant 32 : i32
      %scan3A_186 = arith.addi %scan3A_184, %scan3A_185 : i32
      %scan3A_187 = arith.constant 1 : i32
      scf.for %scan3A_376 = %scan3A_184 to %scan3A_186 step %scan3A_187  : i32 {
        %mul3A_377 = arith.constant 516 : i32
        %mul3A_378 = arith.muli %scan3A_376, %mul3A_377 : i32
        %get3A_379 = arith.index_cast %scan3A_376 : i32 to index
        %get3A_380 = arith.constant 0 : index
        %get3A_381 = tpu.vector_load %arg8[%get3A_379, %get3A_380] {strides = array<i32>} : memref<32x640xf32, #tpu.memory_space<vmem>>, vector<1x16xf32>,
        %get3A_382 = vector.shape_cast %get3A_381 : vector<1x16xf32> to vector<16xf32>
        %add3A_383 = arith.addf %get3A_382, %get3A_86 : vector<16xf32>
        %add3A_384 = arith.constant 0 : i32
        %add3A_385 = arith.addi %mul3A_378, %add3A_384 : i32
        %swap3A = arith.index_cast %add3A_385 : i32 to index
        %swap3A_386 = tpu.vector_load %arg12[%swap3A] {strides = array<i32>} : memref<16528xf32, #tpu.memory_space<vmem>>, vector<16xf32>,
        %swap3A_387 = vector.shape_cast %swap3A_386 : vector<16xf32> to vector<16xf32>
        %swap3A_388 = vector.shape_cast %add3A_383 : vector<16xf32> to vector<16xf32>
        tpu.vector_store %arg12[%swap3A], %swap3A_388 {strides = array<i32>} : memref<16528xf32, #tpu.memory_space<vmem>>, vector<16xf32>,
        %mul3A_389 = arith.mulf %add3A_383, %select_n3A : vector<16xf32>
        %add3A_390 = arith.constant 0 : i32
        %add3A_391 = arith.addi %mul3A_378, %add3A_390 : i32
        %swap3A_392 = arith.index_cast %add3A_391 : i32 to index
        %swap3A_393 = tpu.vector_load %arg14[%swap3A_392] {strides = array<i32>} : memref<16528xf32, #tpu.memory_space<vmem>>, vector<16xf32>,
        %swap3A_394 = vector.shape_cast %swap3A_393 : vector<16xf32> to vector<16xf32>
        %swap3A_395 = vector.shape_cast %mul3A_389 : vector<16xf32> to vector<16xf32>
        tpu.vector_store %arg14[%swap3A_392], %swap3A_395 {strides = array<i32>} : memref<16528xf32, #tpu.memory_space<vmem>>, vector<16xf32>,
        %get3A_396 = arith.index_cast %scan3A_376 : i32 to index
        %get3A_397 = arith.constant 16 : index
        %get3A_398 = tpu.vector_load %arg8[%get3A_396, %get3A_397] {strides = array<i32>} : memref<32x640xf32, #tpu.memory_space<vmem>>, vector<1x16xf32>,
        %get3A_399 = vector.shape_cast %get3A_398 : vector<1x16xf32> to vector<16xf32>
        %add3A_400 = arith.addf %get3A_399, %get3A_89 : vector<16xf32>
        %add3A_401 = arith.constant 16 : i32
        %add3A_402 = arith.addi %mul3A_378, %add3A_401 : i32
        %swap3A_403 = arith.index_cast %add3A_402 : i32 to index
        %swap3A_404 = tpu.vector_load %arg12[%swap3A_403] {strides = array<i32>} : memref<16528xf32, #tpu.memory_space<vmem>>, vector<16xf32>,
        %swap3A_405 = vector.shape_cast %swap3A_404 : vector<16xf32> to vector<16xf32>
        %swap3A_406 = vector.shape_cast %add3A_400 : vector<16xf32> to vector<16xf32>
        tpu.vector_store %arg12[%swap3A_403], %swap3A_406 {strides = array<i32>} : memref<16528xf32, #tpu.memory_space<vmem>>, vector<16xf32>,
        %add3A_407 = arith.constant 16 : i32
        %add3A_408 = arith.addi %mul3A_378, %add3A_407 : i32
        %swap3A_409 = arith.index_cast %add3A_408 : i32 to index
        %swap3A_410 = tpu.vector_load %arg14[%swap3A_409] {strides = array<i32>} : memref<16528xf32, #tpu.memory_space<vmem>>, vector<16xf32>,
        %swap3A_411 = vector.shape_cast %swap3A_410 : vector<16xf32> to vector<16xf32>
        %swap3A_412 = vector.shape_cast %add3A_400 : vector<16xf32> to vector<16xf32>
        tpu.vector_store %arg14[%swap3A_409], %swap3A_412 {strides = array<i32>} : memref<16528xf32, #tpu.memory_space<vmem>>, vector<16xf32>,
        %get3A_413 = arith.index_cast %scan3A_376 : i32 to index
        %get3A_414 = arith.constant 32 : index
        %get3A_415 = tpu.vector_load %arg8[%get3A_413, %get3A_414] {strides = array<i32>} : memref<32x640xf32, #tpu.memory_space<vmem>>, vector<1x16xf32>,
        %get3A_416 = vector.shape_cast %get3A_415 : vector<1x16xf32> to vector<16xf32>
        %add3A_417 = arith.addf %get3A_416, %get3A_92 : vector<16xf32>
        %add3A_418 = arith.constant 32 : i32
        %add3A_419 = arith.addi %mul3A_378, %add3A_418 : i32
        %swap3A_420 = arith.index_cast %add3A_419 : i32 to index
        %swap3A_421 = tpu.vector_load %arg12[%swap3A_420] {strides = array<i32>} : memref<16528xf32, #tpu.memory_space<vmem>>, vector<16xf32>,
        %swap3A_422 = vector.shape_cast %swap3A_421 : vector<16xf32> to vector<16xf32>
        %swap3A_423 = vector.shape_cast %add3A_417 : vector<16xf32> to vector<16xf32>
        tpu.vector_store %arg12[%swap3A_420], %swap3A_423 {strides = array<i32>} : memref<16528xf32, #tpu.memory_space<vmem>>, vector<16xf32>,
        %add3A_424 = arith.constant 32 : i32
        %add3A_425 = arith.addi %mul3A_378, %add3A_424 : i32
        %swap3A_426 = arith.index_cast %add3A_425 : i32 to index
        %swap3A_427 = tpu.vector_load %arg14[%swap3A_426] {strides = array<i32>} : memref<16528xf32, #tpu.memory_space<vmem>>, vector<16xf32>,
        %swap3A_428 = vector.shape_cast %swap3A_427 : vector<16xf32> to vector<16xf32>
        %swap3A_429 = vector.shape_cast %add3A_417 : vector<16xf32> to vector<16xf32>
        tpu.vector_store %arg14[%swap3A_426], %swap3A_429 {strides = array<i32>} : memref<16528xf32, #tpu.memory_space<vmem>>, vector<16xf32>,
        %get3A_430 = arith.index_cast %scan3A_376 : i32 to index
        %get3A_431 = arith.constant 48 : index
        %get3A_432 = tpu.vector_load %arg8[%get3A_430, %get3A_431] {strides = array<i32>} : memref<32x640xf32, #tpu.memory_space<vmem>>, vector<1x16xf32>,
        %get3A_433 = vector.shape_cast %get3A_432 : vector<1x16xf32> to vector<16xf32>
        %add3A_434 = arith.addf %get3A_433, %get3A_95 : vector<16xf32>
        %add3A_435 = arith.constant 48 : i32
        %add3A_436 = arith.addi %mul3A_378, %add3A_435 : i32
        %swap3A_437 = arith.index_cast %add3A_436 : i32 to index
        %swap3A_438 = tpu.vector_load %arg12[%swap3A_437] {strides = array<i32>} : memref<16528xf32, #tpu.memory_space<vmem>>, vector<16xf32>,
        %swap3A_439 = vector.shape_cast %swap3A_438 : vector<16xf32> to vector<16xf32>
        %swap3A_440 = vector.shape_cast %add3A_434 : vector<16xf32> to vector<16xf32>
        tpu.vector_store %arg12[%swap3A_437], %swap3A_440 {strides = array<i32>} : memref<16528xf32, #tpu.memory_space<vmem>>, vector<16xf32>,
        %add3A_441 = arith.constant 48 : i32
        %add3A_442 = arith.addi %mul3A_378, %add3A_441 : i32
        %swap3A_443 = arith.index_cast %add3A_442 : i32 to index
        %swap3A_444 = tpu.vector_load %arg14[%swap3A_443] {strides = array<i32>} : memref<16528xf32, #tpu.memory_space<vmem>>, vector<16xf32>,
        %swap3A_445 = vector.shape_cast %swap3A_444 : vector<16xf32> to vector<16xf32>
        %swap3A_446 = vector.shape_cast %add3A_434 : vector<16xf32> to vector<16xf32>
        tpu.vector_store %arg14[%swap3A_443], %swap3A_446 {strides = array<i32>} : memref<16528xf32, #tpu.memory_space<vmem>>, vector<16xf32>,
        %get3A_447 = arith.index_cast %scan3A_376 : i32 to index
        %get3A_448 = arith.constant 64 : index
        %get3A_449 = tpu.vector_load %arg8[%get3A_447, %get3A_448] {strides = array<i32>} : memref<32x640xf32, #tpu.memory_space<vmem>>, vector<1x16xf32>,
        %get3A_450 = vector.shape_cast %get3A_449 : vector<1x16xf32> to vector<16xf32>
        %add3A_451 = arith.addf %get3A_450, %get3A_98 : vector<16xf32>
        %add3A_452 = arith.constant 64 : i32
        %add3A_453 = arith.addi %mul3A_378, %add3A_452 : i32
        %swap3A_454 = arith.index_cast %add3A_453 : i32 to index
        %swap3A_455 = tpu.vector_load %arg12[%swap3A_454] {strides = array<i32>} : memref<16528xf32, #tpu.memory_space<vmem>>, vector<16xf32>,
        %swap3A_456 = vector.shape_cast %swap3A_455 : vector<16xf32> to vector<16xf32>
        %swap3A_457 = vector.shape_cast %add3A_451 : vector<16xf32> to vector<16xf32>
        tpu.vector_store %arg12[%swap3A_454], %swap3A_457 {strides = array<i32>} : memref<16528xf32, #tpu.memory_space<vmem>>, vector<16xf32>,
        %add3A_458 = arith.constant 64 : i32
        %add3A_459 = arith.addi %mul3A_378, %add3A_458 : i32
        %swap3A_460 = arith.index_cast %add3A_459 : i32 to index
        %swap3A_461 = tpu.vector_load %arg14[%swap3A_460] {strides = array<i32>} : memref<16528xf32, #tpu.memory_space<vmem>>, vector<16xf32>,
        %swap3A_462 = vector.shape_cast %swap3A_461 : vector<16xf32> to vector<16xf32>
        %swap3A_463 = vector.shape_cast %add3A_451 : vector<16xf32> to vector<16xf32>
        tpu.vector_store %arg14[%swap3A_460], %swap3A_463 {strides = array<i32>} : memref<16528xf32, #tpu.memory_space<vmem>>, vector<16xf32>,
        %get3A_464 = arith.index_cast %scan3A_376 : i32 to index
        %get3A_465 = arith.constant 80 : index
        %get3A_466 = tpu.vector_load %arg8[%get3A_464, %get3A_465] {strides = array<i32>} : memref<32x640xf32, #tpu.memory_space<vmem>>, vector<1x16xf32>,
        %get3A_467 = vector.shape_cast %get3A_466 : vector<1x16xf32> to vector<16xf32>
        %add3A_468 = arith.addf %get3A_467, %get3A_101 : vector<16xf32>
        %add3A_469 = arith.constant 80 : i32
        %add3A_470 = arith.addi %mul3A_378, %add3A_469 : i32
        %swap3A_471 = arith.index_cast %add3A_470 : i32 to index
        %swap3A_472 = tpu.vector_load %arg12[%swap3A_471] {strides = array<i32>} : memref<16528xf32, #tpu.memory_space<vmem>>, vector<16xf32>,
        %swap3A_473 = vector.shape_cast %swap3A_472 : vector<16xf32> to vector<16xf32>
        %swap3A_474 = vector.shape_cast %add3A_468 : vector<16xf32> to vector<16xf32>
        tpu.vector_store %arg12[%swap3A_471], %swap3A_474 {strides = array<i32>} : memref<16528xf32, #tpu.memory_space<vmem>>, vector<16xf32>,
        %add3A_475 = arith.constant 80 : i32
        %add3A_476 = arith.addi %mul3A_378, %add3A_475 : i32
        %swap3A_477 = arith.index_cast %add3A_476 : i32 to index
        %swap3A_478 = tpu.vector_load %arg14[%swap3A_477] {strides = array<i32>} : memref<16528xf32, #tpu.memory_space<vmem>>, vector<16xf32>,
        %swap3A_479 = vector.shape_cast %swap3A_478 : vector<16xf32> to vector<16xf32>
        %swap3A_480 = vector.shape_cast %add3A_468 : vector<16xf32> to vector<16xf32>
        tpu.vector_store %arg14[%swap3A_477], %swap3A_480 {strides = array<i32>} : memref<16528xf32, #tpu.memory_space<vmem>>, vector<16xf32>,
        %get3A_481 = arith.index_cast %scan3A_376 : i32 to index
        %get3A_482 = arith.constant 96 : index
        %get3A_483 = tpu.vector_load %arg8[%get3A_481, %get3A_482] {strides = array<i32>} : memref<32x640xf32, #tpu.memory_space<vmem>>, vector<1x16xf32>,
        %get3A_484 = vector.shape_cast %get3A_483 : vector<1x16xf32> to vector<16xf32>
        %add3A_485 = arith.addf %get3A_484, %get3A_104 : vector<16xf32>
        %add3A_486 = arith.constant 96 : i32
        %add3A_487 = arith.addi %mul3A_378, %add3A_486 : i32
        %swap3A_488 = arith.index_cast %add3A_487 : i32 to index
        %swap3A_489 = tpu.vector_load %arg12[%swap3A_488] {strides = array<i32>} : memref<16528xf32, #tpu.memory_space<vmem>>, vector<16xf32>,
        %swap3A_490 = vector.shape_cast %swap3A_489 : vector<16xf32> to vector<16xf32>
        %swap3A_491 = vector.shape_cast %add3A_485 : vector<16xf32> to vector<16xf32>
        tpu.vector_store %arg12[%swap3A_488], %swap3A_491 {strides = array<i32>} : memref<16528xf32, #tpu.memory_space<vmem>>, vector<16xf32>,
        %add3A_492 = arith.constant 96 : i32
        %add3A_493 = arith.addi %mul3A_378, %add3A_492 : i32
        %swap3A_494 = arith.index_cast %add3A_493 : i32 to index
        %swap3A_495 = tpu.vector_load %arg14[%swap3A_494] {strides = array<i32>} : memref<16528xf32, #tpu.memory_space<vmem>>, vector<16xf32>,
        %swap3A_496 = vector.shape_cast %swap3A_495 : vector<16xf32> to vector<16xf32>
        %swap3A_497 = vector.shape_cast %add3A_485 : vector<16xf32> to vector<16xf32>
        tpu.vector_store %arg14[%swap3A_494], %swap3A_497 {strides = array<i32>} : memref<16528xf32, #tpu.memory_space<vmem>>, vector<16xf32>,
        %get3A_498 = arith.index_cast %scan3A_376 : i32 to index
        %get3A_499 = arith.constant 112 : index
        %get3A_500 = tpu.vector_load %arg8[%get3A_498, %get3A_499] {strides = array<i32>} : memref<32x640xf32, #tpu.memory_space<vmem>>, vector<1x16xf32>,
        %get3A_501 = vector.shape_cast %get3A_500 : vector<1x16xf32> to vector<16xf32>
        %add3A_502 = arith.addf %get3A_501, %get3A_107 : vector<16xf32>
        %add3A_503 = arith.constant 112 : i32
        %add3A_504 = arith.addi %mul3A_378, %add3A_503 : i32
        %swap3A_505 = arith.index_cast %add3A_504 : i32 to index
        %swap3A_506 = tpu.vector_load %arg12[%swap3A_505] {strides = array<i32>} : memref<16528xf32, #tpu.memory_space<vmem>>, vector<16xf32>,
        %swap3A_507 = vector.shape_cast %swap3A_506 : vector<16xf32> to vector<16xf32>
        %swap3A_508 = vector.shape_cast %add3A_502 : vector<16xf32> to vector<16xf32>
        tpu.vector_store %arg12[%swap3A_505], %swap3A_508 {strides = array<i32>} : memref<16528xf32, #tpu.memory_space<vmem>>, vector<16xf32>,
        %add3A_509 = arith.constant 112 : i32
        %add3A_510 = arith.addi %mul3A_378, %add3A_509 : i32
        %swap3A_511 = arith.index_cast %add3A_510 : i32 to index
        %swap3A_512 = tpu.vector_load %arg14[%swap3A_511] {strides = array<i32>} : memref<16528xf32, #tpu.memory_space<vmem>>, vector<16xf32>,
        %swap3A_513 = vector.shape_cast %swap3A_512 : vector<16xf32> to vector<16xf32>
        %swap3A_514 = vector.shape_cast %add3A_502 : vector<16xf32> to vector<16xf32>
        tpu.vector_store %arg14[%swap3A_511], %swap3A_514 {strides = array<i32>} : memref<16528xf32, #tpu.memory_space<vmem>>, vector<16xf32>,
        %get3A_515 = arith.index_cast %scan3A_376 : i32 to index
        %get3A_516 = arith.constant 128 : index
        %get3A_517 = tpu.vector_load %arg8[%get3A_515, %get3A_516] {strides = array<i32>} : memref<32x640xf32, #tpu.memory_space<vmem>>, vector<1x16xf32>,
        %get3A_518 = vector.shape_cast %get3A_517 : vector<1x16xf32> to vector<16xf32>
        %add3A_519 = arith.addf %get3A_518, %get3A_110 : vector<16xf32>
        %add3A_520 = arith.constant 128 : i32
        %add3A_521 = arith.addi %mul3A_378, %add3A_520 : i32
        %swap3A_522 = arith.index_cast %add3A_521 : i32 to index
        %swap3A_523 = tpu.vector_load %arg12[%swap3A_522] {strides = array<i32>} : memref<16528xf32, #tpu.memory_space<vmem>>, vector<16xf32>,
        %swap3A_524 = vector.shape_cast %swap3A_523 : vector<16xf32> to vector<16xf32>
        %swap3A_525 = vector.shape_cast %add3A_519 : vector<16xf32> to vector<16xf32>
        tpu.vector_store %arg12[%swap3A_522], %swap3A_525 {strides = array<i32>} : memref<16528xf32, #tpu.memory_space<vmem>>, vector<16xf32>,
        %add3A_526 = arith.constant 128 : i32
        %add3A_527 = arith.addi %mul3A_378, %add3A_526 : i32
        %swap3A_528 = arith.index_cast %add3A_527 : i32 to index
        %swap3A_529 = tpu.vector_load %arg14[%swap3A_528] {strides = array<i32>} : memref<16528xf32, #tpu.memory_space<vmem>>, vector<16xf32>,
        %swap3A_530 = vector.shape_cast %swap3A_529 : vector<16xf32> to vector<16xf32>
        %swap3A_531 = vector.shape_cast %add3A_519 : vector<16xf32> to vector<16xf32>
        tpu.vector_store %arg14[%swap3A_528], %swap3A_531 {strides = array<i32>} : memref<16528xf32, #tpu.memory_space<vmem>>, vector<16xf32>,
        %get3A_532 = arith.index_cast %scan3A_376 : i32 to index
        %get3A_533 = arith.constant 144 : index
        %get3A_534 = tpu.vector_load %arg8[%get3A_532, %get3A_533] {strides = array<i32>} : memref<32x640xf32, #tpu.memory_space<vmem>>, vector<1x16xf32>,
        %get3A_535 = vector.shape_cast %get3A_534 : vector<1x16xf32> to vector<16xf32>
        %add3A_536 = arith.addf %get3A_535, %get3A_113 : vector<16xf32>
        %add3A_537 = arith.constant 144 : i32
        %add3A_538 = arith.addi %mul3A_378, %add3A_537 : i32
        %swap3A_539 = arith.index_cast %add3A_538 : i32 to index
        %swap3A_540 = tpu.vector_load %arg12[%swap3A_539] {strides = array<i32>} : memref<16528xf32, #tpu.memory_space<vmem>>, vector<16xf32>,
        %swap3A_541 = vector.shape_cast %swap3A_540 : vector<16xf32> to vector<16xf32>
        %swap3A_542 = vector.shape_cast %add3A_536 : vector<16xf32> to vector<16xf32>
        tpu.vector_store %arg12[%swap3A_539], %swap3A_542 {strides = array<i32>} : memref<16528xf32, #tpu.memory_space<vmem>>, vector<16xf32>,
        %add3A_543 = arith.constant 144 : i32
        %add3A_544 = arith.addi %mul3A_378, %add3A_543 : i32
        %swap3A_545 = arith.index_cast %add3A_544 : i32 to index
        %swap3A_546 = tpu.vector_load %arg14[%swap3A_545] {strides = array<i32>} : memref<16528xf32, #tpu.memory_space<vmem>>, vector<16xf32>,
        %swap3A_547 = vector.shape_cast %swap3A_546 : vector<16xf32> to vector<16xf32>
        %swap3A_548 = vector.shape_cast %add3A_536 : vector<16xf32> to vector<16xf32>
        tpu.vector_store %arg14[%swap3A_545], %swap3A_548 {strides = array<i32>} : memref<16528xf32, #tpu.memory_space<vmem>>, vector<16xf32>,
        %get3A_549 = arith.index_cast %scan3A_376 : i32 to index
        %get3A_550 = arith.constant 160 : index
        %get3A_551 = tpu.vector_load %arg8[%get3A_549, %get3A_550] {strides = array<i32>} : memref<32x640xf32, #tpu.memory_space<vmem>>, vector<1x16xf32>,
        %get3A_552 = vector.shape_cast %get3A_551 : vector<1x16xf32> to vector<16xf32>
        %add3A_553 = arith.addf %get3A_552, %get3A_116 : vector<16xf32>
        %add3A_554 = arith.constant 160 : i32
        %add3A_555 = arith.addi %mul3A_378, %add3A_554 : i32
        %swap3A_556 = arith.index_cast %add3A_555 : i32 to index
        %swap3A_557 = tpu.vector_load %arg12[%swap3A_556] {strides = array<i32>} : memref<16528xf32, #tpu.memory_space<vmem>>, vector<16xf32>,
        %swap3A_558 = vector.shape_cast %swap3A_557 : vector<16xf32> to vector<16xf32>
        %swap3A_559 = vector.shape_cast %add3A_553 : vector<16xf32> to vector<16xf32>
        tpu.vector_store %arg12[%swap3A_556], %swap3A_559 {strides = array<i32>} : memref<16528xf32, #tpu.memory_space<vmem>>, vector<16xf32>,
        %add3A_560 = arith.constant 160 : i32
        %add3A_561 = arith.addi %mul3A_378, %add3A_560 : i32
        %swap3A_562 = arith.index_cast %add3A_561 : i32 to index
        %swap3A_563 = tpu.vector_load %arg14[%swap3A_562] {strides = array<i32>} : memref<16528xf32, #tpu.memory_space<vmem>>, vector<16xf32>,
        %swap3A_564 = vector.shape_cast %swap3A_563 : vector<16xf32> to vector<16xf32>
        %swap3A_565 = vector.shape_cast %add3A_553 : vector<16xf32> to vector<16xf32>
        tpu.vector_store %arg14[%swap3A_562], %swap3A_565 {strides = array<i32>} : memref<16528xf32, #tpu.memory_space<vmem>>, vector<16xf32>,
        %get3A_566 = arith.index_cast %scan3A_376 : i32 to index
        %get3A_567 = arith.constant 176 : index
        %get3A_568 = tpu.vector_load %arg8[%get3A_566, %get3A_567] {strides = array<i32>} : memref<32x640xf32, #tpu.memory_space<vmem>>, vector<1x16xf32>,
        %get3A_569 = vector.shape_cast %get3A_568 : vector<1x16xf32> to vector<16xf32>
        %add3A_570 = arith.addf %get3A_569, %get3A_119 : vector<16xf32>
        %add3A_571 = arith.constant 176 : i32
        %add3A_572 = arith.addi %mul3A_378, %add3A_571 : i32
        %swap3A_573 = arith.index_cast %add3A_572 : i32 to index
        %swap3A_574 = tpu.vector_load %arg12[%swap3A_573] {strides = array<i32>} : memref<16528xf32, #tpu.memory_space<vmem>>, vector<16xf32>,
        %swap3A_575 = vector.shape_cast %swap3A_574 : vector<16xf32> to vector<16xf32>
        %swap3A_576 = vector.shape_cast %add3A_570 : vector<16xf32> to vector<16xf32>
        tpu.vector_store %arg12[%swap3A_573], %swap3A_576 {strides = array<i32>} : memref<16528xf32, #tpu.memory_space<vmem>>, vector<16xf32>,
        %add3A_577 = arith.constant 176 : i32
        %add3A_578 = arith.addi %mul3A_378, %add3A_577 : i32
        %swap3A_579 = arith.index_cast %add3A_578 : i32 to index
        %swap3A_580 = tpu.vector_load %arg14[%swap3A_579] {strides = array<i32>} : memref<16528xf32, #tpu.memory_space<vmem>>, vector<16xf32>,
        %swap3A_581 = vector.shape_cast %swap3A_580 : vector<16xf32> to vector<16xf32>
        %swap3A_582 = vector.shape_cast %add3A_570 : vector<16xf32> to vector<16xf32>
        tpu.vector_store %arg14[%swap3A_579], %swap3A_582 {strides = array<i32>} : memref<16528xf32, #tpu.memory_space<vmem>>, vector<16xf32>,
        %get3A_583 = arith.index_cast %scan3A_376 : i32 to index
        %get3A_584 = arith.constant 192 : index
        %get3A_585 = tpu.vector_load %arg8[%get3A_583, %get3A_584] {strides = array<i32>} : memref<32x640xf32, #tpu.memory_space<vmem>>, vector<1x16xf32>,
        %get3A_586 = vector.shape_cast %get3A_585 : vector<1x16xf32> to vector<16xf32>
        %add3A_587 = arith.addf %get3A_586, %get3A_122 : vector<16xf32>
        %add3A_588 = arith.constant 192 : i32
        %add3A_589 = arith.addi %mul3A_378, %add3A_588 : i32
        %swap3A_590 = arith.index_cast %add3A_589 : i32 to index
        %swap3A_591 = tpu.vector_load %arg12[%swap3A_590] {strides = array<i32>} : memref<16528xf32, #tpu.memory_space<vmem>>, vector<16xf32>,
        %swap3A_592 = vector.shape_cast %swap3A_591 : vector<16xf32> to vector<16xf32>
        %swap3A_593 = vector.shape_cast %add3A_587 : vector<16xf32> to vector<16xf32>
        tpu.vector_store %arg12[%swap3A_590], %swap3A_593 {strides = array<i32>} : memref<16528xf32, #tpu.memory_space<vmem>>, vector<16xf32>,
        %add3A_594 = arith.constant 192 : i32
        %add3A_595 = arith.addi %mul3A_378, %add3A_594 : i32
        %swap3A_596 = arith.index_cast %add3A_595 : i32 to index
        %swap3A_597 = tpu.vector_load %arg14[%swap3A_596] {strides = array<i32>} : memref<16528xf32, #tpu.memory_space<vmem>>, vector<16xf32>,
        %swap3A_598 = vector.shape_cast %swap3A_597 : vector<16xf32> to vector<16xf32>
        %swap3A_599 = vector.shape_cast %add3A_587 : vector<16xf32> to vector<16xf32>
        tpu.vector_store %arg14[%swap3A_596], %swap3A_599 {strides = array<i32>} : memref<16528xf32, #tpu.memory_space<vmem>>, vector<16xf32>,
        %get3A_600 = arith.index_cast %scan3A_376 : i32 to index
        %get3A_601 = arith.constant 208 : index
        %get3A_602 = tpu.vector_load %arg8[%get3A_600, %get3A_601] {strides = array<i32>} : memref<32x640xf32, #tpu.memory_space<vmem>>, vector<1x16xf32>,
        %get3A_603 = vector.shape_cast %get3A_602 : vector<1x16xf32> to vector<16xf32>
        %add3A_604 = arith.addf %get3A_603, %get3A_125 : vector<16xf32>
        %add3A_605 = arith.constant 208 : i32
        %add3A_606 = arith.addi %mul3A_378, %add3A_605 : i32
        %swap3A_607 = arith.index_cast %add3A_606 : i32 to index
        %swap3A_608 = tpu.vector_load %arg12[%swap3A_607] {strides = array<i32>} : memref<16528xf32, #tpu.memory_space<vmem>>, vector<16xf32>,
        %swap3A_609 = vector.shape_cast %swap3A_608 : vector<16xf32> to vector<16xf32>
        %swap3A_610 = vector.shape_cast %add3A_604 : vector<16xf32> to vector<16xf32>
        tpu.vector_store %arg12[%swap3A_607], %swap3A_610 {strides = array<i32>} : memref<16528xf32, #tpu.memory_space<vmem>>, vector<16xf32>,
        %add3A_611 = arith.constant 208 : i32
        %add3A_612 = arith.addi %mul3A_378, %add3A_611 : i32
        %swap3A_613 = arith.index_cast %add3A_612 : i32 to index
        %swap3A_614 = tpu.vector_load %arg14[%swap3A_613] {strides = array<i32>} : memref<16528xf32, #tpu.memory_space<vmem>>, vector<16xf32>,
        %swap3A_615 = vector.shape_cast %swap3A_614 : vector<16xf32> to vector<16xf32>
        %swap3A_616 = vector.shape_cast %add3A_604 : vector<16xf32> to vector<16xf32>
        tpu.vector_store %arg14[%swap3A_613], %swap3A_616 {strides = array<i32>} : memref<16528xf32, #tpu.memory_space<vmem>>, vector<16xf32>,
        %get3A_617 = arith.index_cast %scan3A_376 : i32 to index
        %get3A_618 = arith.constant 224 : index
        %get3A_619 = tpu.vector_load %arg8[%get3A_617, %get3A_618] {strides = array<i32>} : memref<32x640xf32, #tpu.memory_space<vmem>>, vector<1x16xf32>,
        %get3A_620 = vector.shape_cast %get3A_619 : vector<1x16xf32> to vector<16xf32>
        %add3A_621 = arith.addf %get3A_620, %get3A_128 : vector<16xf32>
        %add3A_622 = arith.constant 224 : i32
        %add3A_623 = arith.addi %mul3A_378, %add3A_622 : i32
        %swap3A_624 = arith.index_cast %add3A_623 : i32 to index
        %swap3A_625 = tpu.vector_load %arg12[%swap3A_624] {strides = array<i32>} : memref<16528xf32, #tpu.memory_space<vmem>>, vector<16xf32>,
        %swap3A_626 = vector.shape_cast %swap3A_625 : vector<16xf32> to vector<16xf32>
        %swap3A_627 = vector.shape_cast %add3A_621 : vector<16xf32> to vector<16xf32>
        tpu.vector_store %arg12[%swap3A_624], %swap3A_627 {strides = array<i32>} : memref<16528xf32, #tpu.memory_space<vmem>>, vector<16xf32>,
        %add3A_628 = arith.constant 224 : i32
        %add3A_629 = arith.addi %mul3A_378, %add3A_628 : i32
        %swap3A_630 = arith.index_cast %add3A_629 : i32 to index
        %swap3A_631 = tpu.vector_load %arg14[%swap3A_630] {strides = array<i32>} : memref<16528xf32, #tpu.memory_space<vmem>>, vector<16xf32>,
        %swap3A_632 = vector.shape_cast %swap3A_631 : vector<16xf32> to vector<16xf32>
        %swap3A_633 = vector.shape_cast %add3A_621 : vector<16xf32> to vector<16xf32>
        tpu.vector_store %arg14[%swap3A_630], %swap3A_633 {strides = array<i32>} : memref<16528xf32, #tpu.memory_space<vmem>>, vector<16xf32>,
        %get3A_634 = arith.index_cast %scan3A_376 : i32 to index
        %get3A_635 = arith.constant 240 : index
        %get3A_636 = tpu.vector_load %arg8[%get3A_634, %get3A_635] {strides = array<i32>} : memref<32x640xf32, #tpu.memory_space<vmem>>, vector<1x16xf32>,
        %get3A_637 = vector.shape_cast %get3A_636 : vector<1x16xf32> to vector<16xf32>
        %add3A_638 = arith.addf %get3A_637, %get3A_131 : vector<16xf32>
        %add3A_639 = arith.constant 240 : i32
        %add3A_640 = arith.addi %mul3A_378, %add3A_639 : i32
        %swap3A_641 = arith.index_cast %add3A_640 : i32 to index
        %swap3A_642 = tpu.vector_load %arg12[%swap3A_641] {strides = array<i32>} : memref<16528xf32, #tpu.memory_space<vmem>>, vector<16xf32>,
        %swap3A_643 = vector.shape_cast %swap3A_642 : vector<16xf32> to vector<16xf32>
        %swap3A_644 = vector.shape_cast %add3A_638 : vector<16xf32> to vector<16xf32>
        tpu.vector_store %arg12[%swap3A_641], %swap3A_644 {strides = array<i32>} : memref<16528xf32, #tpu.memory_space<vmem>>, vector<16xf32>,
        %add3A_645 = arith.constant 240 : i32
        %add3A_646 = arith.addi %mul3A_378, %add3A_645 : i32
        %swap3A_647 = arith.index_cast %add3A_646 : i32 to index
        %swap3A_648 = tpu.vector_load %arg14[%swap3A_647] {strides = array<i32>} : memref<16528xf32, #tpu.memory_space<vmem>>, vector<16xf32>,
        %swap3A_649 = vector.shape_cast %swap3A_648 : vector<16xf32> to vector<16xf32>
        %swap3A_650 = vector.shape_cast %add3A_638 : vector<16xf32> to vector<16xf32>
        tpu.vector_store %arg14[%swap3A_647], %swap3A_650 {strides = array<i32>} : memref<16528xf32, #tpu.memory_space<vmem>>, vector<16xf32>,
        %get3A_651 = arith.index_cast %scan3A_376 : i32 to index
        %get3A_652 = arith.constant 256 : index
        %get3A_653 = tpu.vector_load %arg8[%get3A_651, %get3A_652] {strides = array<i32>} : memref<32x640xf32, #tpu.memory_space<vmem>>, vector<1x16xf32>,
        %get3A_654 = vector.shape_cast %get3A_653 : vector<1x16xf32> to vector<16xf32>
        %add3A_655 = arith.addf %get3A_654, %get3A_134 : vector<16xf32>
        %add3A_656 = arith.constant 256 : i32
        %add3A_657 = arith.addi %mul3A_378, %add3A_656 : i32
        %swap3A_658 = arith.index_cast %add3A_657 : i32 to index
        %swap3A_659 = tpu.vector_load %arg12[%swap3A_658] {strides = array<i32>} : memref<16528xf32, #tpu.memory_space<vmem>>, vector<16xf32>,
        %swap3A_660 = vector.shape_cast %swap3A_659 : vector<16xf32> to vector<16xf32>
        %swap3A_661 = vector.shape_cast %add3A_655 : vector<16xf32> to vector<16xf32>
        tpu.vector_store %arg12[%swap3A_658], %swap3A_661 {strides = array<i32>} : memref<16528xf32, #tpu.memory_space<vmem>>, vector<16xf32>,
        %add3A_662 = arith.constant 256 : i32
        %add3A_663 = arith.addi %mul3A_378, %add3A_662 : i32
        %swap3A_664 = arith.index_cast %add3A_663 : i32 to index
        %swap3A_665 = tpu.vector_load %arg14[%swap3A_664] {strides = array<i32>} : memref<16528xf32, #tpu.memory_space<vmem>>, vector<16xf32>,
        %swap3A_666 = vector.shape_cast %swap3A_665 : vector<16xf32> to vector<16xf32>
        %swap3A_667 = vector.shape_cast %add3A_655 : vector<16xf32> to vector<16xf32>
        tpu.vector_store %arg14[%swap3A_664], %swap3A_667 {strides = array<i32>} : memref<16528xf32, #tpu.memory_space<vmem>>, vector<16xf32>,
        %get3A_668 = arith.index_cast %scan3A_376 : i32 to index
        %get3A_669 = arith.constant 272 : index
        %get3A_670 = tpu.vector_load %arg8[%get3A_668, %get3A_669] {strides = array<i32>} : memref<32x640xf32, #tpu.memory_space<vmem>>, vector<1x16xf32>,
        %get3A_671 = vector.shape_cast %get3A_670 : vector<1x16xf32> to vector<16xf32>
        %add3A_672 = arith.addf %get3A_671, %get3A_137 : vector<16xf32>
        %add3A_673 = arith.constant 272 : i32
        %add3A_674 = arith.addi %mul3A_378, %add3A_673 : i32
        %swap3A_675 = arith.index_cast %add3A_674 : i32 to index
        %swap3A_676 = tpu.vector_load %arg12[%swap3A_675] {strides = array<i32>} : memref<16528xf32, #tpu.memory_space<vmem>>, vector<16xf32>,
        %swap3A_677 = vector.shape_cast %swap3A_676 : vector<16xf32> to vector<16xf32>
        %swap3A_678 = vector.shape_cast %add3A_672 : vector<16xf32> to vector<16xf32>
        tpu.vector_store %arg12[%swap3A_675], %swap3A_678 {strides = array<i32>} : memref<16528xf32, #tpu.memory_space<vmem>>, vector<16xf32>,
        %add3A_679 = arith.constant 272 : i32
        %add3A_680 = arith.addi %mul3A_378, %add3A_679 : i32
        %swap3A_681 = arith.index_cast %add3A_680 : i32 to index
        %swap3A_682 = tpu.vector_load %arg14[%swap3A_681] {strides = array<i32>} : memref<16528xf32, #tpu.memory_space<vmem>>, vector<16xf32>,
        %swap3A_683 = vector.shape_cast %swap3A_682 : vector<16xf32> to vector<16xf32>
        %swap3A_684 = vector.shape_cast %add3A_672 : vector<16xf32> to vector<16xf32>
        tpu.vector_store %arg14[%swap3A_681], %swap3A_684 {strides = array<i32>} : memref<16528xf32, #tpu.memory_space<vmem>>, vector<16xf32>,
        %get3A_685 = arith.index_cast %scan3A_376 : i32 to index
        %get3A_686 = arith.constant 288 : index
        %get3A_687 = tpu.vector_load %arg8[%get3A_685, %get3A_686] {strides = array<i32>} : memref<32x640xf32, #tpu.memory_space<vmem>>, vector<1x16xf32>,
        %get3A_688 = vector.shape_cast %get3A_687 : vector<1x16xf32> to vector<16xf32>
        %add3A_689 = arith.addf %get3A_688, %get3A_140 : vector<16xf32>
        %add3A_690 = arith.constant 288 : i32
        %add3A_691 = arith.addi %mul3A_378, %add3A_690 : i32
        %swap3A_692 = arith.index_cast %add3A_691 : i32 to index
        %swap3A_693 = tpu.vector_load %arg12[%swap3A_692] {strides = array<i32>} : memref<16528xf32, #tpu.memory_space<vmem>>, vector<16xf32>,
        %swap3A_694 = vector.shape_cast %swap3A_693 : vector<16xf32> to vector<16xf32>
        %swap3A_695 = vector.shape_cast %add3A_689 : vector<16xf32> to vector<16xf32>
        tpu.vector_store %arg12[%swap3A_692], %swap3A_695 {strides = array<i32>} : memref<16528xf32, #tpu.memory_space<vmem>>, vector<16xf32>,
        %add3A_696 = arith.constant 288 : i32
        %add3A_697 = arith.addi %mul3A_378, %add3A_696 : i32
        %swap3A_698 = arith.index_cast %add3A_697 : i32 to index
        %swap3A_699 = tpu.vector_load %arg14[%swap3A_698] {strides = array<i32>} : memref<16528xf32, #tpu.memory_space<vmem>>, vector<16xf32>,
        %swap3A_700 = vector.shape_cast %swap3A_699 : vector<16xf32> to vector<16xf32>
        %swap3A_701 = vector.shape_cast %add3A_689 : vector<16xf32> to vector<16xf32>
        tpu.vector_store %arg14[%swap3A_698], %swap3A_701 {strides = array<i32>} : memref<16528xf32, #tpu.memory_space<vmem>>, vector<16xf32>,
        %get3A_702 = arith.index_cast %scan3A_376 : i32 to index
        %get3A_703 = arith.constant 304 : index
        %get3A_704 = tpu.vector_load %arg8[%get3A_702, %get3A_703] {strides = array<i32>} : memref<32x640xf32, #tpu.memory_space<vmem>>, vector<1x16xf32>,
        %get3A_705 = vector.shape_cast %get3A_704 : vector<1x16xf32> to vector<16xf32>
        %add3A_706 = arith.addf %get3A_705, %get3A_143 : vector<16xf32>
        %add3A_707 = arith.constant 304 : i32
        %add3A_708 = arith.addi %mul3A_378, %add3A_707 : i32
        %swap3A_709 = arith.index_cast %add3A_708 : i32 to index
        %swap3A_710 = tpu.vector_load %arg12[%swap3A_709] {strides = array<i32>} : memref<16528xf32, #tpu.memory_space<vmem>>, vector<16xf32>,
        %swap3A_711 = vector.shape_cast %swap3A_710 : vector<16xf32> to vector<16xf32>
        %swap3A_712 = vector.shape_cast %add3A_706 : vector<16xf32> to vector<16xf32>
        tpu.vector_store %arg12[%swap3A_709], %swap3A_712 {strides = array<i32>} : memref<16528xf32, #tpu.memory_space<vmem>>, vector<16xf32>,
        %add3A_713 = arith.constant 304 : i32
        %add3A_714 = arith.addi %mul3A_378, %add3A_713 : i32
        %swap3A_715 = arith.index_cast %add3A_714 : i32 to index
        %swap3A_716 = tpu.vector_load %arg14[%swap3A_715] {strides = array<i32>} : memref<16528xf32, #tpu.memory_space<vmem>>, vector<16xf32>,
        %swap3A_717 = vector.shape_cast %swap3A_716 : vector<16xf32> to vector<16xf32>
        %swap3A_718 = vector.shape_cast %add3A_706 : vector<16xf32> to vector<16xf32>
        tpu.vector_store %arg14[%swap3A_715], %swap3A_718 {strides = array<i32>} : memref<16528xf32, #tpu.memory_space<vmem>>, vector<16xf32>,
        %get3A_719 = arith.index_cast %scan3A_376 : i32 to index
        %get3A_720 = arith.constant 320 : index
        %get3A_721 = tpu.vector_load %arg8[%get3A_719, %get3A_720] {strides = array<i32>} : memref<32x640xf32, #tpu.memory_space<vmem>>, vector<1x16xf32>,
        %get3A_722 = vector.shape_cast %get3A_721 : vector<1x16xf32> to vector<16xf32>
        %add3A_723 = arith.addf %get3A_722, %get3A_146 : vector<16xf32>
        %add3A_724 = arith.constant 320 : i32
        %add3A_725 = arith.addi %mul3A_378, %add3A_724 : i32
        %swap3A_726 = arith.index_cast %add3A_725 : i32 to index
        %swap3A_727 = tpu.vector_load %arg12[%swap3A_726] {strides = array<i32>} : memref<16528xf32, #tpu.memory_space<vmem>>, vector<16xf32>,
        %swap3A_728 = vector.shape_cast %swap3A_727 : vector<16xf32> to vector<16xf32>
        %swap3A_729 = vector.shape_cast %add3A_723 : vector<16xf32> to vector<16xf32>
        tpu.vector_store %arg12[%swap3A_726], %swap3A_729 {strides = array<i32>} : memref<16528xf32, #tpu.memory_space<vmem>>, vector<16xf32>,
        %add3A_730 = arith.constant 320 : i32
        %add3A_731 = arith.addi %mul3A_378, %add3A_730 : i32
        %swap3A_732 = arith.index_cast %add3A_731 : i32 to index
        %swap3A_733 = tpu.vector_load %arg14[%swap3A_732] {strides = array<i32>} : memref<16528xf32, #tpu.memory_space<vmem>>, vector<16xf32>,
        %swap3A_734 = vector.shape_cast %swap3A_733 : vector<16xf32> to vector<16xf32>
        %swap3A_735 = vector.shape_cast %add3A_723 : vector<16xf32> to vector<16xf32>
        tpu.vector_store %arg14[%swap3A_732], %swap3A_735 {strides = array<i32>} : memref<16528xf32, #tpu.memory_space<vmem>>, vector<16xf32>,
        %get3A_736 = arith.index_cast %scan3A_376 : i32 to index
        %get3A_737 = arith.constant 336 : index
        %get3A_738 = tpu.vector_load %arg8[%get3A_736, %get3A_737] {strides = array<i32>} : memref<32x640xf32, #tpu.memory_space<vmem>>, vector<1x16xf32>,
        %get3A_739 = vector.shape_cast %get3A_738 : vector<1x16xf32> to vector<16xf32>
        %add3A_740 = arith.addf %get3A_739, %get3A_149 : vector<16xf32>
        %add3A_741 = arith.constant 336 : i32
        %add3A_742 = arith.addi %mul3A_378, %add3A_741 : i32
        %swap3A_743 = arith.index_cast %add3A_742 : i32 to index
        %swap3A_744 = tpu.vector_load %arg12[%swap3A_743] {strides = array<i32>} : memref<16528xf32, #tpu.memory_space<vmem>>, vector<16xf32>,
        %swap3A_745 = vector.shape_cast %swap3A_744 : vector<16xf32> to vector<16xf32>
        %swap3A_746 = vector.shape_cast %add3A_740 : vector<16xf32> to vector<16xf32>
        tpu.vector_store %arg12[%swap3A_743], %swap3A_746 {strides = array<i32>} : memref<16528xf32, #tpu.memory_space<vmem>>, vector<16xf32>,
        %add3A_747 = arith.constant 336 : i32
        %add3A_748 = arith.addi %mul3A_378, %add3A_747 : i32
        %swap3A_749 = arith.index_cast %add3A_748 : i32 to index
        %swap3A_750 = tpu.vector_load %arg14[%swap3A_749] {strides = array<i32>} : memref<16528xf32, #tpu.memory_space<vmem>>, vector<16xf32>,
        %swap3A_751 = vector.shape_cast %swap3A_750 : vector<16xf32> to vector<16xf32>
        %swap3A_752 = vector.shape_cast %add3A_740 : vector<16xf32> to vector<16xf32>
        tpu.vector_store %arg14[%swap3A_749], %swap3A_752 {strides = array<i32>} : memref<16528xf32, #tpu.memory_space<vmem>>, vector<16xf32>,
        %get3A_753 = arith.index_cast %scan3A_376 : i32 to index
        %get3A_754 = arith.constant 352 : index
        %get3A_755 = tpu.vector_load %arg8[%get3A_753, %get3A_754] {strides = array<i32>} : memref<32x640xf32, #tpu.memory_space<vmem>>, vector<1x16xf32>,
        %get3A_756 = vector.shape_cast %get3A_755 : vector<1x16xf32> to vector<16xf32>
        %add3A_757 = arith.addf %get3A_756, %get3A_152 : vector<16xf32>
        %add3A_758 = arith.constant 352 : i32
        %add3A_759 = arith.addi %mul3A_378, %add3A_758 : i32
        %swap3A_760 = arith.index_cast %add3A_759 : i32 to index
        %swap3A_761 = tpu.vector_load %arg12[%swap3A_760] {strides = array<i32>} : memref<16528xf32, #tpu.memory_space<vmem>>, vector<16xf32>,
        %swap3A_762 = vector.shape_cast %swap3A_761 : vector<16xf32> to vector<16xf32>
        %swap3A_763 = vector.shape_cast %add3A_757 : vector<16xf32> to vector<16xf32>
        tpu.vector_store %arg12[%swap3A_760], %swap3A_763 {strides = array<i32>} : memref<16528xf32, #tpu.memory_space<vmem>>, vector<16xf32>,
        %add3A_764 = arith.constant 352 : i32
        %add3A_765 = arith.addi %mul3A_378, %add3A_764 : i32
        %swap3A_766 = arith.index_cast %add3A_765 : i32 to index
        %swap3A_767 = tpu.vector_load %arg14[%swap3A_766] {strides = array<i32>} : memref<16528xf32, #tpu.memory_space<vmem>>, vector<16xf32>,
        %swap3A_768 = vector.shape_cast %swap3A_767 : vector<16xf32> to vector<16xf32>
        %swap3A_769 = vector.shape_cast %add3A_757 : vector<16xf32> to vector<16xf32>
        tpu.vector_store %arg14[%swap3A_766], %swap3A_769 {strides = array<i32>} : memref<16528xf32, #tpu.memory_space<vmem>>, vector<16xf32>,
        %get3A_770 = arith.index_cast %scan3A_376 : i32 to index
        %get3A_771 = arith.constant 368 : index
        %get3A_772 = tpu.vector_load %arg8[%get3A_770, %get3A_771] {strides = array<i32>} : memref<32x640xf32, #tpu.memory_space<vmem>>, vector<1x16xf32>,
        %get3A_773 = vector.shape_cast %get3A_772 : vector<1x16xf32> to vector<16xf32>
        %add3A_774 = arith.addf %get3A_773, %get3A_155 : vector<16xf32>
        %add3A_775 = arith.constant 368 : i32
        %add3A_776 = arith.addi %mul3A_378, %add3A_775 : i32
        %swap3A_777 = arith.index_cast %add3A_776 : i32 to index
        %swap3A_778 = tpu.vector_load %arg12[%swap3A_777] {strides = array<i32>} : memref<16528xf32, #tpu.memory_space<vmem>>, vector<16xf32>,
        %swap3A_779 = vector.shape_cast %swap3A_778 : vector<16xf32> to vector<16xf32>
        %swap3A_780 = vector.shape_cast %add3A_774 : vector<16xf32> to vector<16xf32>
        tpu.vector_store %arg12[%swap3A_777], %swap3A_780 {strides = array<i32>} : memref<16528xf32, #tpu.memory_space<vmem>>, vector<16xf32>,
        %add3A_781 = arith.constant 368 : i32
        %add3A_782 = arith.addi %mul3A_378, %add3A_781 : i32
        %swap3A_783 = arith.index_cast %add3A_782 : i32 to index
        %swap3A_784 = tpu.vector_load %arg14[%swap3A_783] {strides = array<i32>} : memref<16528xf32, #tpu.memory_space<vmem>>, vector<16xf32>,
        %swap3A_785 = vector.shape_cast %swap3A_784 : vector<16xf32> to vector<16xf32>
        %swap3A_786 = vector.shape_cast %add3A_774 : vector<16xf32> to vector<16xf32>
        tpu.vector_store %arg14[%swap3A_783], %swap3A_786 {strides = array<i32>} : memref<16528xf32, #tpu.memory_space<vmem>>, vector<16xf32>,
        %get3A_787 = arith.index_cast %scan3A_376 : i32 to index
        %get3A_788 = arith.constant 384 : index
        %get3A_789 = tpu.vector_load %arg8[%get3A_787, %get3A_788] {strides = array<i32>} : memref<32x640xf32, #tpu.memory_space<vmem>>, vector<1x16xf32>,
        %get3A_790 = vector.shape_cast %get3A_789 : vector<1x16xf32> to vector<16xf32>
        %add3A_791 = arith.addf %get3A_790, %get3A_158 : vector<16xf32>
        %add3A_792 = arith.constant 384 : i32
        %add3A_793 = arith.addi %mul3A_378, %add3A_792 : i32
        %swap3A_794 = arith.index_cast %add3A_793 : i32 to index
        %swap3A_795 = tpu.vector_load %arg12[%swap3A_794] {strides = array<i32>} : memref<16528xf32, #tpu.memory_space<vmem>>, vector<16xf32>,
        %swap3A_796 = vector.shape_cast %swap3A_795 : vector<16xf32> to vector<16xf32>
        %swap3A_797 = vector.shape_cast %add3A_791 : vector<16xf32> to vector<16xf32>
        tpu.vector_store %arg12[%swap3A_794], %swap3A_797 {strides = array<i32>} : memref<16528xf32, #tpu.memory_space<vmem>>, vector<16xf32>,
        %add3A_798 = arith.constant 384 : i32
        %add3A_799 = arith.addi %mul3A_378, %add3A_798 : i32
        %swap3A_800 = arith.index_cast %add3A_799 : i32 to index
        %swap3A_801 = tpu.vector_load %arg14[%swap3A_800] {strides = array<i32>} : memref<16528xf32, #tpu.memory_space<vmem>>, vector<16xf32>,
        %swap3A_802 = vector.shape_cast %swap3A_801 : vector<16xf32> to vector<16xf32>
        %swap3A_803 = vector.shape_cast %add3A_791 : vector<16xf32> to vector<16xf32>
        tpu.vector_store %arg14[%swap3A_800], %swap3A_803 {strides = array<i32>} : memref<16528xf32, #tpu.memory_space<vmem>>, vector<16xf32>,
        %get3A_804 = arith.index_cast %scan3A_376 : i32 to index
        %get3A_805 = arith.constant 400 : index
        %get3A_806 = tpu.vector_load %arg8[%get3A_804, %get3A_805] {strides = array<i32>} : memref<32x640xf32, #tpu.memory_space<vmem>>, vector<1x16xf32>,
        %get3A_807 = vector.shape_cast %get3A_806 : vector<1x16xf32> to vector<16xf32>
        %add3A_808 = arith.addf %get3A_807, %get3A_161 : vector<16xf32>
        %add3A_809 = arith.constant 400 : i32
        %add3A_810 = arith.addi %mul3A_378, %add3A_809 : i32
        %swap3A_811 = arith.index_cast %add3A_810 : i32 to index
        %swap3A_812 = tpu.vector_load %arg12[%swap3A_811] {strides = array<i32>} : memref<16528xf32, #tpu.memory_space<vmem>>, vector<16xf32>,
        %swap3A_813 = vector.shape_cast %swap3A_812 : vector<16xf32> to vector<16xf32>
        %swap3A_814 = vector.shape_cast %add3A_808 : vector<16xf32> to vector<16xf32>
        tpu.vector_store %arg12[%swap3A_811], %swap3A_814 {strides = array<i32>} : memref<16528xf32, #tpu.memory_space<vmem>>, vector<16xf32>,
        %add3A_815 = arith.constant 400 : i32
        %add3A_816 = arith.addi %mul3A_378, %add3A_815 : i32
        %swap3A_817 = arith.index_cast %add3A_816 : i32 to index
        %swap3A_818 = tpu.vector_load %arg14[%swap3A_817] {strides = array<i32>} : memref<16528xf32, #tpu.memory_space<vmem>>, vector<16xf32>,
        %swap3A_819 = vector.shape_cast %swap3A_818 : vector<16xf32> to vector<16xf32>
        %swap3A_820 = vector.shape_cast %add3A_808 : vector<16xf32> to vector<16xf32>
        tpu.vector_store %arg14[%swap3A_817], %swap3A_820 {strides = array<i32>} : memref<16528xf32, #tpu.memory_space<vmem>>, vector<16xf32>,
        %get3A_821 = arith.index_cast %scan3A_376 : i32 to index
        %get3A_822 = arith.constant 416 : index
        %get3A_823 = tpu.vector_load %arg8[%get3A_821, %get3A_822] {strides = array<i32>} : memref<32x640xf32, #tpu.memory_space<vmem>>, vector<1x16xf32>,
        %get3A_824 = vector.shape_cast %get3A_823 : vector<1x16xf32> to vector<16xf32>
        %add3A_825 = arith.addf %get3A_824, %get3A_164 : vector<16xf32>
        %add3A_826 = arith.constant 416 : i32
        %add3A_827 = arith.addi %mul3A_378, %add3A_826 : i32
        %swap3A_828 = arith.index_cast %add3A_827 : i32 to index
        %swap3A_829 = tpu.vector_load %arg12[%swap3A_828] {strides = array<i32>} : memref<16528xf32, #tpu.memory_space<vmem>>, vector<16xf32>,
        %swap3A_830 = vector.shape_cast %swap3A_829 : vector<16xf32> to vector<16xf32>
        %swap3A_831 = vector.shape_cast %add3A_825 : vector<16xf32> to vector<16xf32>
        tpu.vector_store %arg12[%swap3A_828], %swap3A_831 {strides = array<i32>} : memref<16528xf32, #tpu.memory_space<vmem>>, vector<16xf32>,
        %add3A_832 = arith.constant 416 : i32
        %add3A_833 = arith.addi %mul3A_378, %add3A_832 : i32
        %swap3A_834 = arith.index_cast %add3A_833 : i32 to index
        %swap3A_835 = tpu.vector_load %arg14[%swap3A_834] {strides = array<i32>} : memref<16528xf32, #tpu.memory_space<vmem>>, vector<16xf32>,
        %swap3A_836 = vector.shape_cast %swap3A_835 : vector<16xf32> to vector<16xf32>
        %swap3A_837 = vector.shape_cast %add3A_825 : vector<16xf32> to vector<16xf32>
        tpu.vector_store %arg14[%swap3A_834], %swap3A_837 {strides = array<i32>} : memref<16528xf32, #tpu.memory_space<vmem>>, vector<16xf32>,
        %get3A_838 = arith.index_cast %scan3A_376 : i32 to index
        %get3A_839 = arith.constant 432 : index
        %get3A_840 = tpu.vector_load %arg8[%get3A_838, %get3A_839] {strides = array<i32>} : memref<32x640xf32, #tpu.memory_space<vmem>>, vector<1x16xf32>,
        %get3A_841 = vector.shape_cast %get3A_840 : vector<1x16xf32> to vector<16xf32>
        %add3A_842 = arith.addf %get3A_841, %get3A_167 : vector<16xf32>
        %add3A_843 = arith.constant 432 : i32
        %add3A_844 = arith.addi %mul3A_378, %add3A_843 : i32
        %swap3A_845 = arith.index_cast %add3A_844 : i32 to index
        %swap3A_846 = tpu.vector_load %arg12[%swap3A_845] {strides = array<i32>} : memref<16528xf32, #tpu.memory_space<vmem>>, vector<16xf32>,
        %swap3A_847 = vector.shape_cast %swap3A_846 : vector<16xf32> to vector<16xf32>
        %swap3A_848 = vector.shape_cast %add3A_842 : vector<16xf32> to vector<16xf32>
        tpu.vector_store %arg12[%swap3A_845], %swap3A_848 {strides = array<i32>} : memref<16528xf32, #tpu.memory_space<vmem>>, vector<16xf32>,
        %add3A_849 = arith.constant 432 : i32
        %add3A_850 = arith.addi %mul3A_378, %add3A_849 : i32
        %swap3A_851 = arith.index_cast %add3A_850 : i32 to index
        %swap3A_852 = tpu.vector_load %arg14[%swap3A_851] {strides = array<i32>} : memref<16528xf32, #tpu.memory_space<vmem>>, vector<16xf32>,
        %swap3A_853 = vector.shape_cast %swap3A_852 : vector<16xf32> to vector<16xf32>
        %swap3A_854 = vector.shape_cast %add3A_842 : vector<16xf32> to vector<16xf32>
        tpu.vector_store %arg14[%swap3A_851], %swap3A_854 {strides = array<i32>} : memref<16528xf32, #tpu.memory_space<vmem>>, vector<16xf32>,
        %get3A_855 = arith.index_cast %scan3A_376 : i32 to index
        %get3A_856 = arith.constant 448 : index
        %get3A_857 = tpu.vector_load %arg8[%get3A_855, %get3A_856] {strides = array<i32>} : memref<32x640xf32, #tpu.memory_space<vmem>>, vector<1x16xf32>,
        %get3A_858 = vector.shape_cast %get3A_857 : vector<1x16xf32> to vector<16xf32>
        %add3A_859 = arith.addf %get3A_858, %get3A_170 : vector<16xf32>
        %add3A_860 = arith.constant 448 : i32
        %add3A_861 = arith.addi %mul3A_378, %add3A_860 : i32
        %swap3A_862 = arith.index_cast %add3A_861 : i32 to index
        %swap3A_863 = tpu.vector_load %arg12[%swap3A_862] {strides = array<i32>} : memref<16528xf32, #tpu.memory_space<vmem>>, vector<16xf32>,
        %swap3A_864 = vector.shape_cast %swap3A_863 : vector<16xf32> to vector<16xf32>
        %swap3A_865 = vector.shape_cast %add3A_859 : vector<16xf32> to vector<16xf32>
        tpu.vector_store %arg12[%swap3A_862], %swap3A_865 {strides = array<i32>} : memref<16528xf32, #tpu.memory_space<vmem>>, vector<16xf32>,
        %add3A_866 = arith.constant 448 : i32
        %add3A_867 = arith.addi %mul3A_378, %add3A_866 : i32
        %swap3A_868 = arith.index_cast %add3A_867 : i32 to index
        %swap3A_869 = tpu.vector_load %arg14[%swap3A_868] {strides = array<i32>} : memref<16528xf32, #tpu.memory_space<vmem>>, vector<16xf32>,
        %swap3A_870 = vector.shape_cast %swap3A_869 : vector<16xf32> to vector<16xf32>
        %swap3A_871 = vector.shape_cast %add3A_859 : vector<16xf32> to vector<16xf32>
        tpu.vector_store %arg14[%swap3A_868], %swap3A_871 {strides = array<i32>} : memref<16528xf32, #tpu.memory_space<vmem>>, vector<16xf32>,
        %get3A_872 = arith.index_cast %scan3A_376 : i32 to index
        %get3A_873 = arith.constant 464 : index
        %get3A_874 = tpu.vector_load %arg8[%get3A_872, %get3A_873] {strides = array<i32>} : memref<32x640xf32, #tpu.memory_space<vmem>>, vector<1x16xf32>,
        %get3A_875 = vector.shape_cast %get3A_874 : vector<1x16xf32> to vector<16xf32>
        %add3A_876 = arith.addf %get3A_875, %get3A_173 : vector<16xf32>
        %add3A_877 = arith.constant 464 : i32
        %add3A_878 = arith.addi %mul3A_378, %add3A_877 : i32
        %swap3A_879 = arith.index_cast %add3A_878 : i32 to index
        %swap3A_880 = tpu.vector_load %arg12[%swap3A_879] {strides = array<i32>} : memref<16528xf32, #tpu.memory_space<vmem>>, vector<16xf32>,
        %swap3A_881 = vector.shape_cast %swap3A_880 : vector<16xf32> to vector<16xf32>
        %swap3A_882 = vector.shape_cast %add3A_876 : vector<16xf32> to vector<16xf32>
        tpu.vector_store %arg12[%swap3A_879], %swap3A_882 {strides = array<i32>} : memref<16528xf32, #tpu.memory_space<vmem>>, vector<16xf32>,
        %add3A_883 = arith.constant 464 : i32
        %add3A_884 = arith.addi %mul3A_378, %add3A_883 : i32
        %swap3A_885 = arith.index_cast %add3A_884 : i32 to index
        %swap3A_886 = tpu.vector_load %arg14[%swap3A_885] {strides = array<i32>} : memref<16528xf32, #tpu.memory_space<vmem>>, vector<16xf32>,
        %swap3A_887 = vector.shape_cast %swap3A_886 : vector<16xf32> to vector<16xf32>
        %swap3A_888 = vector.shape_cast %add3A_876 : vector<16xf32> to vector<16xf32>
        tpu.vector_store %arg14[%swap3A_885], %swap3A_888 {strides = array<i32>} : memref<16528xf32, #tpu.memory_space<vmem>>, vector<16xf32>,
        %get3A_889 = arith.index_cast %scan3A_376 : i32 to index
        %get3A_890 = arith.constant 480 : index
        %get3A_891 = tpu.vector_load %arg8[%get3A_889, %get3A_890] {strides = array<i32>} : memref<32x640xf32, #tpu.memory_space<vmem>>, vector<1x16xf32>,
        %get3A_892 = vector.shape_cast %get3A_891 : vector<1x16xf32> to vector<16xf32>
        %add3A_893 = arith.addf %get3A_892, %get3A_176 : vector<16xf32>
        %add3A_894 = arith.constant 480 : i32
        %add3A_895 = arith.addi %mul3A_378, %add3A_894 : i32
        %swap3A_896 = arith.index_cast %add3A_895 : i32 to index
        %swap3A_897 = tpu.vector_load %arg12[%swap3A_896] {strides = array<i32>} : memref<16528xf32, #tpu.memory_space<vmem>>, vector<16xf32>,
        %swap3A_898 = vector.shape_cast %swap3A_897 : vector<16xf32> to vector<16xf32>
        %swap3A_899 = vector.shape_cast %add3A_893 : vector<16xf32> to vector<16xf32>
        tpu.vector_store %arg12[%swap3A_896], %swap3A_899 {strides = array<i32>} : memref<16528xf32, #tpu.memory_space<vmem>>, vector<16xf32>,
        %add3A_900 = arith.constant 480 : i32
        %add3A_901 = arith.addi %mul3A_378, %add3A_900 : i32
        %swap3A_902 = arith.index_cast %add3A_901 : i32 to index
        %swap3A_903 = tpu.vector_load %arg14[%swap3A_902] {strides = array<i32>} : memref<16528xf32, #tpu.memory_space<vmem>>, vector<16xf32>,
        %swap3A_904 = vector.shape_cast %swap3A_903 : vector<16xf32> to vector<16xf32>
        %swap3A_905 = vector.shape_cast %add3A_893 : vector<16xf32> to vector<16xf32>
        tpu.vector_store %arg14[%swap3A_902], %swap3A_905 {strides = array<i32>} : memref<16528xf32, #tpu.memory_space<vmem>>, vector<16xf32>,
        %get3A_906 = arith.index_cast %scan3A_376 : i32 to index
        %get3A_907 = arith.constant 496 : index
        %get3A_908 = tpu.vector_load %arg8[%get3A_906, %get3A_907] {strides = array<i32>} : memref<32x640xf32, #tpu.memory_space<vmem>>, vector<1x16xf32>,
        %get3A_909 = vector.shape_cast %get3A_908 : vector<1x16xf32> to vector<16xf32>
        %add3A_910 = arith.addf %get3A_909, %get3A_179 : vector<16xf32>
        %add3A_911 = arith.constant 496 : i32
        %add3A_912 = arith.addi %mul3A_378, %add3A_911 : i32
        %swap3A_913 = arith.index_cast %add3A_912 : i32 to index
        %swap3A_914 = tpu.vector_load %arg12[%swap3A_913] {strides = array<i32>} : memref<16528xf32, #tpu.memory_space<vmem>>, vector<16xf32>,
        %swap3A_915 = vector.shape_cast %swap3A_914 : vector<16xf32> to vector<16xf32>
        %swap3A_916 = vector.shape_cast %add3A_910 : vector<16xf32> to vector<16xf32>
        tpu.vector_store %arg12[%swap3A_913], %swap3A_916 {strides = array<i32>} : memref<16528xf32, #tpu.memory_space<vmem>>, vector<16xf32>,
        %add3A_917 = arith.constant 496 : i32
        %add3A_918 = arith.addi %mul3A_378, %add3A_917 : i32
        %swap3A_919 = arith.index_cast %add3A_918 : i32 to index
        %swap3A_920 = tpu.vector_load %arg14[%swap3A_919] {strides = array<i32>} : memref<16528xf32, #tpu.memory_space<vmem>>, vector<16xf32>,
        %swap3A_921 = vector.shape_cast %swap3A_920 : vector<16xf32> to vector<16xf32>
        %swap3A_922 = vector.shape_cast %add3A_910 : vector<16xf32> to vector<16xf32>
        tpu.vector_store %arg14[%swap3A_919], %swap3A_922 {strides = array<i32>} : memref<16528xf32, #tpu.memory_space<vmem>>, vector<16xf32>,
        %get3A_923 = arith.index_cast %scan3A_376 : i32 to index
        %get3A_924 = arith.constant 512 : index
        %get3A_925 = tpu.vector_load %arg8[%get3A_923, %get3A_924] {strides = array<i32>} : memref<32x640xf32, #tpu.memory_space<vmem>>, vector<1x16xf32>,
        %get3A_926 = vector.shape_cast %get3A_925 : vector<1x16xf32> to vector<16xf32>
        %add3A_927 = arith.addf %get3A_926, %get3A_182 : vector<16xf32>
        %add3A_928 = arith.constant 512 : i32
        %add3A_929 = arith.addi %mul3A_378, %add3A_928 : i32
        %swap3A_930 = arith.index_cast %add3A_929 : i32 to index
        %swap3A_931 = tpu.vector_load %arg12[%swap3A_930] {strides = array<i32>} : memref<16528xf32, #tpu.memory_space<vmem>>, vector<16xf32>,
        %swap3A_932 = vector.shape_cast %swap3A_931 : vector<16xf32> to vector<16xf32>
        %swap3A_933 = vector.shape_cast %add3A_927 : vector<16xf32> to vector<16xf32>
        tpu.vector_store %arg12[%swap3A_930], %swap3A_933 {strides = array<i32>} : memref<16528xf32, #tpu.memory_space<vmem>>, vector<16xf32>,
        %add3A_934 = arith.constant 512 : i32
        %add3A_935 = arith.addi %mul3A_378, %add3A_934 : i32
        %swap3A_936 = arith.index_cast %add3A_935 : i32 to index
        %swap3A_937 = tpu.vector_load %arg14[%swap3A_936] {strides = array<i32>} : memref<16528xf32, #tpu.memory_space<vmem>>, vector<16xf32>,
        %swap3A_938 = vector.shape_cast %swap3A_937 : vector<16xf32> to vector<16xf32>
        %swap3A_939 = vector.shape_cast %add3A_927 : vector<16xf32> to vector<16xf32>
        tpu.vector_store %arg14[%swap3A_936], %swap3A_939 {strides = array<i32>} : memref<16528xf32, #tpu.memory_space<vmem>>, vector<16xf32>,
      }
      %scan3A_188 = arith.constant 32 : i32
      %mul3A_189 = arith.constant 516 : i32
      %mul3A_190 = arith.muli %add3A_54, %mul3A_189 : i32
      %dma_start3A_191 = arith.constant 0 : i32
      %dma_start3A_192 = tpu.memref_slice %arg12[%dma_start3A_191] : memref<16528xf32, #tpu.memory_space<vmem>> -> memref<16512xf32, #tpu.memory_space<vmem>>
      %dma_start3A_193 = tpu.memref_slice %arg5[%mul3A_190] : memref<135266304xf32, #tpu.memory_space<hbm>> -> memref<16512xf32, #tpu.memory_space<hbm>>
      %dma_start3A_194 = tpu.memref_slice %arg5[%mul3A_190] : memref<135266304xf32, #tpu.memory_space<hbm>> -> memref<16512xf32, #tpu.memory_space<hbm>>
      %dma_start3A_195 = arith.constant 0 : i32
      %dma_start3A_196 = tpu.memref_slice %arg12[%dma_start3A_195] : memref<16528xf32, #tpu.memory_space<vmem>> -> memref<16512xf32, #tpu.memory_space<vmem>>
      tpu.enqueue_dma source(%dma_start3A_196 : memref<16512xf32, #tpu.memory_space<vmem>>) target(%dma_start3A_194 : memref<16512xf32, #tpu.memory_space<hbm>>) target_semaphore(%arg18 : memref<!tpu.dma_semaphore, #tpu.memory_space<semaphore_mem>>)
      %add3A_197 = arith.constant 131072 : i32
      %add3A_198 = arith.addi %add3A_197, %add3A_54 : i32
      %mul3A_199 = arith.constant 516 : i32
      %mul3A_200 = arith.muli %add3A_198, %mul3A_199 : i32
      %dma_start3A_201 = arith.constant 0 : i32
      %dma_start3A_202 = tpu.memref_slice %arg14[%dma_start3A_201] : memref<16528xf32, #tpu.memory_space<vmem>> -> memref<16512xf32, #tpu.memory_space<vmem>>
      %dma_start3A_203 = tpu.memref_slice %arg5[%mul3A_200] : memref<135266304xf32, #tpu.memory_space<hbm>> -> memref<16512xf32, #tpu.memory_space<hbm>>
      %dma_start3A_204 = tpu.memref_slice %arg5[%mul3A_200] : memref<135266304xf32, #tpu.memory_space<hbm>> -> memref<16512xf32, #tpu.memory_space<hbm>>
      %dma_start3A_205 = arith.constant 0 : i32
      %dma_start3A_206 = tpu.memref_slice %arg14[%dma_start3A_205] : memref<16528xf32, #tpu.memory_space<vmem>> -> memref<16512xf32, #tpu.memory_space<vmem>>
      tpu.enqueue_dma source(%dma_start3A_206 : memref<16512xf32, #tpu.memory_space<vmem>>) target(%dma_start3A_204 : memref<16512xf32, #tpu.memory_space<hbm>>) target_semaphore(%arg18 : memref<!tpu.dma_semaphore, #tpu.memory_space<semaphore_mem>>)
      %mul3A_207 = arith.constant 2 : i32
      %mul3A_208 = arith.muli %scan3A_47, %mul3A_207 : i32
      %add3A_209 = arith.constant 1 : i32
      %add3A_210 = arith.addi %mul3A_208, %add3A_209 : i32
      %mul3A_211 = arith.constant 32 : i32
      %mul3A_212 = arith.muli %add3A_210, %mul3A_211 : i32
      %add3A_213 = arith.addi %mul3A_2, %mul3A_212 : i32
      %jit3A_214 = arith.constant 32 : i32
      %div3A_215 = arith.divsi %add3A_213, %jit3A_214 : i32
      %sign3A_216 = arith.constant 0 : i32
      %sign3A_217 = arith.cmpi sgt, %add3A_213, %sign3A_216 : i32
      %sign3A_218 = arith.extui %sign3A_217 : i1 to i32
      %sign3A_219 = arith.constant 0 : i32
      %sign3A_220 = arith.cmpi slt, %add3A_213, %sign3A_219 : i32
      %sign3A_221 = arith.extui %sign3A_220 : i1 to i32
      %sign3A_222 = arith.subi %sign3A_218, %sign3A_221 : i32
      %sign3A_223 = arith.constant 0 : i32
      %sign3A_224 = arith.cmpi sgt, %jit3A_214, %sign3A_223 : i32
      %sign3A_225 = arith.extui %sign3A_224 : i1 to i32
      %sign3A_226 = arith.constant 0 : i32
      %sign3A_227 = arith.cmpi slt, %jit3A_214, %sign3A_226 : i32
      %sign3A_228 = arith.extui %sign3A_227 : i1 to i32
      %sign3A_229 = arith.subi %sign3A_225, %sign3A_228 : i32
      %ne3A_230 = arith.cmpi ne, %sign3A_222, %sign3A_229 : i32
      %rem3A_231 = arith.remsi %add3A_213, %jit3A_214 : i32
      %ne3A_232 = arith.constant 0 : i32
      %ne3A_233 = arith.cmpi ne, %rem3A_231, %ne3A_232 : i32
      %and3A_234 = arith.andi %ne3A_230, %ne3A_233 : i1
      %sub3A_235 = arith.constant 1 : i32
      %sub3A_236 = arith.subi %div3A_215, %sub3A_235 : i32
      %select_n3A_237 = arith.select %and3A_234, %sub3A_236, %div3A_215 : i32
      %lt3A_238 = arith.constant 127 : i32
      %lt3A_239 = arith.cmpi slt, %add3A_210, %lt3A_238 : i32
      %convert_element_type3A_240 = arith.extui %lt3A_239 : i1 to i32
      %cond3A_241 = arith.constant 0 : i32
      %cond3A_242 = arith.cmpi ne, %convert_element_type3A_240, %cond3A_241 : i32
      scf.if %cond3A_242 {
        %add3A_376 = arith.constant 1 : i32
        %add3A_377 = arith.addi %add3A_210, %add3A_376 : i32
        %mul3A_378 = arith.constant 32 : i32
        %mul3A_379 = arith.muli %add3A_377, %mul3A_378 : i32
        %add3A_380 = arith.addi %mul3A_2, %mul3A_379 : i32
        "tpu.region"() ({
          %run_scoped3A = tpu.sem_alloc : memref<!tpu.dma_semaphore, #tpu.memory_space<semaphore_mem>>
          %dma_start3A_384 = tpu.memref_slice %arg4[%add3A_380] : memref<131072xi32, #tpu.memory_space<hbm>> -> memref<32xi32, #tpu.memory_space<hbm>>
          %dma_start3A_385 = tpu.memref_slice %arg4[%add3A_380] : memref<131072xi32, #tpu.memory_space<hbm>> -> memref<32xi32, #tpu.memory_space<hbm>>
          tpu.enqueue_dma source(%dma_start3A_385 : memref<32xi32, #tpu.memory_space<hbm>>) target(%arg6 : memref<32xi32, #tpu.memory_space<vmem>>) target_semaphore(%run_scoped3A : memref<!tpu.dma_semaphore, #tpu.memory_space<semaphore_mem>>)
          %dma_wait3A_386 = tpu.memref_slice %arg4[%add3A_380] : memref<131072xi32, #tpu.memory_space<hbm>> -> memref<32xi32, #tpu.memory_space<hbm>>
          %dma_wait3A_387 = tpu.memref_slice %arg4[%add3A_380] : memref<131072xi32, #tpu.memory_space<hbm>> -> memref<32xi32, #tpu.memory_space<hbm>>
          tpu.wait_dma2 semaphore(%run_scoped3A : memref<!tpu.dma_semaphore, #tpu.memory_space<semaphore_mem>>) src(%dma_wait3A_387 : memref<32xi32, #tpu.memory_space<hbm>>) dst(%arg6 : memref<32xi32, #tpu.memory_space<vmem>>)
          tpu.yield
        }) : () -> ()
        %dma_start3A_381 = arith.constant 0 : i32
        %dma_start3A_382 = arith.constant 0 : i32
        %dma_start3A_383 = tpu.memref_slice %arg3[%dma_start3A_381, %dma_start3A_382] : memref<16384x640xf32, #tpu.memory_space<hbm>> -> memref<16384x640xf32, #tpu.memory_space<hbm>>
        tpu.enqueue_indirect_dma source(%dma_start3A_383 : memref<16384x640xf32, #tpu.memory_space<hbm>>) target(%arg8 : memref<32x640xf32, #tpu.memory_space<vmem>>) offsets(%arg6 : memref<32xi32, #tpu.memory_space<vmem>>) semaphore(%arg16 : memref<!tpu.dma_semaphore, #tpu.memory_space<semaphore_mem>>)
      } else {
      }
      %mul3A_243 = arith.constant 640 : i32
      %mul3A_244 = arith.muli %select_n3A_237, %mul3A_243 : i32
      "tpu.region"() ({
        %run_scoped3A = tpu.sem_alloc : memref<!tpu.dma_semaphore, #tpu.memory_space<semaphore_mem>>
        %dma_start3A_376 = tpu.memref_slice %arg2[%mul3A_244] : memref<2621440xf32, #tpu.memory_space<hbm>> -> memref<640xf32, #tpu.memory_space<hbm>>
        %dma_start3A_377 = tpu.memref_slice %arg2[%mul3A_244] : memref<2621440xf32, #tpu.memory_space<hbm>> -> memref<640xf32, #tpu.memory_space<hbm>>
        tpu.enqueue_dma source(%dma_start3A_377 : memref<640xf32, #tpu.memory_space<hbm>>) target(%arg11 : memref<640xf32, #tpu.memory_space<vmem>>) target_semaphore(%run_scoped3A : memref<!tpu.dma_semaphore, #tpu.memory_space<semaphore_mem>>)
        %dma_wait3A_378 = tpu.memref_slice %arg2[%mul3A_244] : memref<2621440xf32, #tpu.memory_space<hbm>> -> memref<640xf32, #tpu.memory_space<hbm>>
        %dma_wait3A_379 = tpu.memref_slice %arg2[%mul3A_244] : memref<2621440xf32, #tpu.memory_space<hbm>> -> memref<640xf32, #tpu.memory_space<hbm>>
        tpu.wait_dma2 semaphore(%run_scoped3A : memref<!tpu.dma_semaphore, #tpu.memory_space<semaphore_mem>>) src(%dma_wait3A_379 : memref<640xf32, #tpu.memory_space<hbm>>) dst(%arg11 : memref<640xf32, #tpu.memory_space<vmem>>)
        tpu.yield
      }) : () -> ()
      %dma_wait3A_245 = arith.constant 0 : i32
      %dma_wait3A_246 = arith.constant 0 : i32
      %dma_wait3A_247 = tpu.memref_slice %arg3[%dma_wait3A_245, %dma_wait3A_246] : memref<16384x640xf32, #tpu.memory_space<hbm>> -> memref<16384x640xf32, #tpu.memory_space<hbm>>
      tpu.wait_indirect_dma semaphore(%arg17 : memref<!tpu.dma_semaphore, #tpu.memory_space<semaphore_mem>>) src(%dma_wait3A_247 : memref<16384x640xf32, #tpu.memory_space<hbm>>) dst(%arg9 : memref<32x640xf32, #tpu.memory_space<vmem>>)
      %ge3A_248 = arith.constant 2 : i32
      %ge3A_249 = arith.cmpi sge, %add3A_210, %ge3A_248 : i32
      %convert_element_type3A_250 = arith.extui %ge3A_249 : i1 to i32
      %cond3A_251 = arith.constant 0 : i32
      %cond3A_252 = arith.cmpi ne, %convert_element_type3A_250, %cond3A_251 : i32
      scf.if %cond3A_252 {
        %dma_wait3A_376 = arith.constant 0 : i32
        %dma_wait3A_377 = tpu.memref_slice %arg13[%dma_wait3A_376] : memref<16528xf32, #tpu.memory_space<vmem>> -> memref<16512xf32, #tpu.memory_space<vmem>>
        %dma_wait3A_378 = arith.constant 0 : i32
        %dma_wait3A_379 = tpu.memref_slice %arg5[%dma_wait3A_378] : memref<135266304xf32, #tpu.memory_space<hbm>> -> memref<16512xf32, #tpu.memory_space<hbm>>
        %dma_wait3A_380 = arith.constant 0 : i32
        %dma_wait3A_381 = tpu.memref_slice %arg5[%dma_wait3A_380] : memref<135266304xf32, #tpu.memory_space<hbm>> -> memref<16512xf32, #tpu.memory_space<hbm>>
        %dma_wait3A_382 = arith.constant 0 : i32
        %dma_wait3A_383 = tpu.memref_slice %arg13[%dma_wait3A_382] : memref<16528xf32, #tpu.memory_space<vmem>> -> memref<16512xf32, #tpu.memory_space<vmem>>
        tpu.wait_dma2 semaphore(%arg19 : memref<!tpu.dma_semaphore, #tpu.memory_space<semaphore_mem>>) src(%dma_wait3A_383 : memref<16512xf32, #tpu.memory_space<vmem>>) dst(%dma_wait3A_381 : memref<16512xf32, #tpu.memory_space<hbm>>)
        %dma_wait3A_384 = arith.constant 0 : i32
        %dma_wait3A_385 = tpu.memref_slice %arg13[%dma_wait3A_384] : memref<16528xf32, #tpu.memory_space<vmem>> -> memref<16512xf32, #tpu.memory_space<vmem>>
        %dma_wait3A_386 = arith.constant 0 : i32
        %dma_wait3A_387 = tpu.memref_slice %arg5[%dma_wait3A_386] : memref<135266304xf32, #tpu.memory_space<hbm>> -> memref<16512xf32, #tpu.memory_space<hbm>>
        %dma_wait3A_388 = arith.constant 0 : i32
        %dma_wait3A_389 = tpu.memref_slice %arg5[%dma_wait3A_388] : memref<135266304xf32, #tpu.memory_space<hbm>> -> memref<16512xf32, #tpu.memory_space<hbm>>
        %dma_wait3A_390 = arith.constant 0 : i32
        %dma_wait3A_391 = tpu.memref_slice %arg13[%dma_wait3A_390] : memref<16528xf32, #tpu.memory_space<vmem>> -> memref<16512xf32, #tpu.memory_space<vmem>>
        tpu.wait_dma2 semaphore(%arg19 : memref<!tpu.dma_semaphore, #tpu.memory_space<semaphore_mem>>) src(%dma_wait3A_391 : memref<16512xf32, #tpu.memory_space<vmem>>) dst(%dma_wait3A_389 : memref<16512xf32, #tpu.memory_space<hbm>>)
      } else {
      }
      %get3A_253 = arith.constant 0 : index
      %get3A_254 = tpu.vector_load %arg11[%get3A_253] {strides = array<i32>} : memref<640xf32, #tpu.memory_space<vmem>>, vector<16xf32>,
      %get3A_255 = vector.shape_cast %get3A_254 : vector<16xf32> to vector<16xf32>
      %get3A_256 = arith.constant 16 : index
      %get3A_257 = tpu.vector_load %arg11[%get3A_256] {strides = array<i32>} : memref<640xf32, #tpu.memory_space<vmem>>, vector<16xf32>,
      %get3A_258 = vector.shape_cast %get3A_257 : vector<16xf32> to vector<16xf32>
      %get3A_259 = arith.constant 32 : index
      %get3A_260 = tpu.vector_load %arg11[%get3A_259] {strides = array<i32>} : memref<640xf32, #tpu.memory_space<vmem>>, vector<16xf32>,
      %get3A_261 = vector.shape_cast %get3A_260 : vector<16xf32> to vector<16xf32>
      %get3A_262 = arith.constant 48 : index
      %get3A_263 = tpu.vector_load %arg11[%get3A_262] {strides = array<i32>} : memref<640xf32, #tpu.memory_space<vmem>>, vector<16xf32>,
      %get3A_264 = vector.shape_cast %get3A_263 : vector<16xf32> to vector<16xf32>
      %get3A_265 = arith.constant 64 : index
      %get3A_266 = tpu.vector_load %arg11[%get3A_265] {strides = array<i32>} : memref<640xf32, #tpu.memory_space<vmem>>, vector<16xf32>,
      %get3A_267 = vector.shape_cast %get3A_266 : vector<16xf32> to vector<16xf32>
      %get3A_268 = arith.constant 80 : index
      %get3A_269 = tpu.vector_load %arg11[%get3A_268] {strides = array<i32>} : memref<640xf32, #tpu.memory_space<vmem>>, vector<16xf32>,
      %get3A_270 = vector.shape_cast %get3A_269 : vector<16xf32> to vector<16xf32>
      %get3A_271 = arith.constant 96 : index
      %get3A_272 = tpu.vector_load %arg11[%get3A_271] {strides = array<i32>} : memref<640xf32, #tpu.memory_space<vmem>>, vector<16xf32>,
      %get3A_273 = vector.shape_cast %get3A_272 : vector<16xf32> to vector<16xf32>
      %get3A_274 = arith.constant 112 : index
      %get3A_275 = tpu.vector_load %arg11[%get3A_274] {strides = array<i32>} : memref<640xf32, #tpu.memory_space<vmem>>, vector<16xf32>,
      %get3A_276 = vector.shape_cast %get3A_275 : vector<16xf32> to vector<16xf32>
      %get3A_277 = arith.constant 128 : index
      %get3A_278 = tpu.vector_load %arg11[%get3A_277] {strides = array<i32>} : memref<640xf32, #tpu.memory_space<vmem>>, vector<16xf32>,
      %get3A_279 = vector.shape_cast %get3A_278 : vector<16xf32> to vector<16xf32>
      %get3A_280 = arith.constant 144 : index
      %get3A_281 = tpu.vector_load %arg11[%get3A_280] {strides = array<i32>} : memref<640xf32, #tpu.memory_space<vmem>>, vector<16xf32>,
      %get3A_282 = vector.shape_cast %get3A_281 : vector<16xf32> to vector<16xf32>
      %get3A_283 = arith.constant 160 : index
      %get3A_284 = tpu.vector_load %arg11[%get3A_283] {strides = array<i32>} : memref<640xf32, #tpu.memory_space<vmem>>, vector<16xf32>,
      %get3A_285 = vector.shape_cast %get3A_284 : vector<16xf32> to vector<16xf32>
      %get3A_286 = arith.constant 176 : index
      %get3A_287 = tpu.vector_load %arg11[%get3A_286] {strides = array<i32>} : memref<640xf32, #tpu.memory_space<vmem>>, vector<16xf32>,
      %get3A_288 = vector.shape_cast %get3A_287 : vector<16xf32> to vector<16xf32>
      %get3A_289 = arith.constant 192 : index
      %get3A_290 = tpu.vector_load %arg11[%get3A_289] {strides = array<i32>} : memref<640xf32, #tpu.memory_space<vmem>>, vector<16xf32>,
      %get3A_291 = vector.shape_cast %get3A_290 : vector<16xf32> to vector<16xf32>
      %get3A_292 = arith.constant 208 : index
      %get3A_293 = tpu.vector_load %arg11[%get3A_292] {strides = array<i32>} : memref<640xf32, #tpu.memory_space<vmem>>, vector<16xf32>,
      %get3A_294 = vector.shape_cast %get3A_293 : vector<16xf32> to vector<16xf32>
      %get3A_295 = arith.constant 224 : index
      %get3A_296 = tpu.vector_load %arg11[%get3A_295] {strides = array<i32>} : memref<640xf32, #tpu.memory_space<vmem>>, vector<16xf32>,
      %get3A_297 = vector.shape_cast %get3A_296 : vector<16xf32> to vector<16xf32>
      %get3A_298 = arith.constant 240 : index
      %get3A_299 = tpu.vector_load %arg11[%get3A_298] {strides = array<i32>} : memref<640xf32, #tpu.memory_space<vmem>>, vector<16xf32>,
      %get3A_300 = vector.shape_cast %get3A_299 : vector<16xf32> to vector<16xf32>
      %get3A_301 = arith.constant 256 : index
      %get3A_302 = tpu.vector_load %arg11[%get3A_301] {strides = array<i32>} : memref<640xf32, #tpu.memory_space<vmem>>, vector<16xf32>,
      %get3A_303 = vector.shape_cast %get3A_302 : vector<16xf32> to vector<16xf32>
      %get3A_304 = arith.constant 272 : index
      %get3A_305 = tpu.vector_load %arg11[%get3A_304] {strides = array<i32>} : memref<640xf32, #tpu.memory_space<vmem>>, vector<16xf32>,
      %get3A_306 = vector.shape_cast %get3A_305 : vector<16xf32> to vector<16xf32>
      %get3A_307 = arith.constant 288 : index
      %get3A_308 = tpu.vector_load %arg11[%get3A_307] {strides = array<i32>} : memref<640xf32, #tpu.memory_space<vmem>>, vector<16xf32>,
      %get3A_309 = vector.shape_cast %get3A_308 : vector<16xf32> to vector<16xf32>
      %get3A_310 = arith.constant 304 : index
      %get3A_311 = tpu.vector_load %arg11[%get3A_310] {strides = array<i32>} : memref<640xf32, #tpu.memory_space<vmem>>, vector<16xf32>,
      %get3A_312 = vector.shape_cast %get3A_311 : vector<16xf32> to vector<16xf32>
      %get3A_313 = arith.constant 320 : index
      %get3A_314 = tpu.vector_load %arg11[%get3A_313] {strides = array<i32>} : memref<640xf32, #tpu.memory_space<vmem>>, vector<16xf32>,
      %get3A_315 = vector.shape_cast %get3A_314 : vector<16xf32> to vector<16xf32>
      %get3A_316 = arith.constant 336 : index
      %get3A_317 = tpu.vector_load %arg11[%get3A_316] {strides = array<i32>} : memref<640xf32, #tpu.memory_space<vmem>>, vector<16xf32>,
      %get3A_318 = vector.shape_cast %get3A_317 : vector<16xf32> to vector<16xf32>
      %get3A_319 = arith.constant 352 : index
      %get3A_320 = tpu.vector_load %arg11[%get3A_319] {strides = array<i32>} : memref<640xf32, #tpu.memory_space<vmem>>, vector<16xf32>,
      %get3A_321 = vector.shape_cast %get3A_320 : vector<16xf32> to vector<16xf32>
      %get3A_322 = arith.constant 368 : index
      %get3A_323 = tpu.vector_load %arg11[%get3A_322] {strides = array<i32>} : memref<640xf32, #tpu.memory_space<vmem>>, vector<16xf32>,
      %get3A_324 = vector.shape_cast %get3A_323 : vector<16xf32> to vector<16xf32>
      %get3A_325 = arith.constant 384 : index
      %get3A_326 = tpu.vector_load %arg11[%get3A_325] {strides = array<i32>} : memref<640xf32, #tpu.memory_space<vmem>>, vector<16xf32>,
      %get3A_327 = vector.shape_cast %get3A_326 : vector<16xf32> to vector<16xf32>
      %get3A_328 = arith.constant 400 : index
      %get3A_329 = tpu.vector_load %arg11[%get3A_328] {strides = array<i32>} : memref<640xf32, #tpu.memory_space<vmem>>, vector<16xf32>,
      %get3A_330 = vector.shape_cast %get3A_329 : vector<16xf32> to vector<16xf32>
      %get3A_331 = arith.constant 416 : index
      %get3A_332 = tpu.vector_load %arg11[%get3A_331] {strides = array<i32>} : memref<640xf32, #tpu.memory_space<vmem>>, vector<16xf32>,
      %get3A_333 = vector.shape_cast %get3A_332 : vector<16xf32> to vector<16xf32>
      %get3A_334 = arith.constant 432 : index
      %get3A_335 = tpu.vector_load %arg11[%get3A_334] {strides = array<i32>} : memref<640xf32, #tpu.memory_space<vmem>>, vector<16xf32>,
      %get3A_336 = vector.shape_cast %get3A_335 : vector<16xf32> to vector<16xf32>
      %get3A_337 = arith.constant 448 : index
      %get3A_338 = tpu.vector_load %arg11[%get3A_337] {strides = array<i32>} : memref<640xf32, #tpu.memory_space<vmem>>, vector<16xf32>,
      %get3A_339 = vector.shape_cast %get3A_338 : vector<16xf32> to vector<16xf32>
      %get3A_340 = arith.constant 464 : index
      %get3A_341 = tpu.vector_load %arg11[%get3A_340] {strides = array<i32>} : memref<640xf32, #tpu.memory_space<vmem>>, vector<16xf32>,
      %get3A_342 = vector.shape_cast %get3A_341 : vector<16xf32> to vector<16xf32>
      %get3A_343 = arith.constant 480 : index
      %get3A_344 = tpu.vector_load %arg11[%get3A_343] {strides = array<i32>} : memref<640xf32, #tpu.memory_space<vmem>>, vector<16xf32>,
      %get3A_345 = vector.shape_cast %get3A_344 : vector<16xf32> to vector<16xf32>
      %get3A_346 = arith.constant 496 : index
      %get3A_347 = tpu.vector_load %arg11[%get3A_346] {strides = array<i32>} : memref<640xf32, #tpu.memory_space<vmem>>, vector<16xf32>,
      %get3A_348 = vector.shape_cast %get3A_347 : vector<16xf32> to vector<16xf32>
      %get3A_349 = arith.constant 512 : index
      %get3A_350 = tpu.vector_load %arg11[%get3A_349] {strides = array<i32>} : memref<640xf32, #tpu.memory_space<vmem>>, vector<16xf32>,
      %get3A_351 = vector.shape_cast %get3A_350 : vector<16xf32> to vector<16xf32>
      %scan3A_352 = arith.constant 0 : i32
      %scan3A_353 = arith.constant 0 : i32
      %scan3A_354 = arith.constant 32 : i32
      %scan3A_355 = arith.addi %scan3A_353, %scan3A_354 : i32
      %scan3A_356 = arith.constant 1 : i32
      scf.for %scan3A_376 = %scan3A_353 to %scan3A_355 step %scan3A_356  : i32 {
        %mul3A_377 = arith.constant 516 : i32
        %mul3A_378 = arith.muli %scan3A_376, %mul3A_377 : i32
        %get3A_379 = arith.index_cast %scan3A_376 : i32 to index
        %get3A_380 = arith.constant 0 : index
        %get3A_381 = tpu.vector_load %arg9[%get3A_379, %get3A_380] {strides = array<i32>} : memref<32x640xf32, #tpu.memory_space<vmem>>, vector<1x16xf32>,
        %get3A_382 = vector.shape_cast %get3A_381 : vector<1x16xf32> to vector<16xf32>
        %add3A_383 = arith.addf %get3A_382, %get3A_255 : vector<16xf32>
        %add3A_384 = arith.constant 0 : i32
        %add3A_385 = arith.addi %mul3A_378, %add3A_384 : i32
        %swap3A = arith.index_cast %add3A_385 : i32 to index
        %swap3A_386 = tpu.vector_load %arg13[%swap3A] {strides = array<i32>} : memref<16528xf32, #tpu.memory_space<vmem>>, vector<16xf32>,
        %swap3A_387 = vector.shape_cast %swap3A_386 : vector<16xf32> to vector<16xf32>
        %swap3A_388 = vector.shape_cast %add3A_383 : vector<16xf32> to vector<16xf32>
        tpu.vector_store %arg13[%swap3A], %swap3A_388 {strides = array<i32>} : memref<16528xf32, #tpu.memory_space<vmem>>, vector<16xf32>,
        %mul3A_389 = arith.mulf %add3A_383, %select_n3A : vector<16xf32>
        %add3A_390 = arith.constant 0 : i32
        %add3A_391 = arith.addi %mul3A_378, %add3A_390 : i32
        %swap3A_392 = arith.index_cast %add3A_391 : i32 to index
        %swap3A_393 = tpu.vector_load %arg15[%swap3A_392] {strides = array<i32>} : memref<16528xf32, #tpu.memory_space<vmem>>, vector<16xf32>,
        %swap3A_394 = vector.shape_cast %swap3A_393 : vector<16xf32> to vector<16xf32>
        %swap3A_395 = vector.shape_cast %mul3A_389 : vector<16xf32> to vector<16xf32>
        tpu.vector_store %arg15[%swap3A_392], %swap3A_395 {strides = array<i32>} : memref<16528xf32, #tpu.memory_space<vmem>>, vector<16xf32>,
        %get3A_396 = arith.index_cast %scan3A_376 : i32 to index
        %get3A_397 = arith.constant 16 : index
        %get3A_398 = tpu.vector_load %arg9[%get3A_396, %get3A_397] {strides = array<i32>} : memref<32x640xf32, #tpu.memory_space<vmem>>, vector<1x16xf32>,
        %get3A_399 = vector.shape_cast %get3A_398 : vector<1x16xf32> to vector<16xf32>
        %add3A_400 = arith.addf %get3A_399, %get3A_258 : vector<16xf32>
        %add3A_401 = arith.constant 16 : i32
        %add3A_402 = arith.addi %mul3A_378, %add3A_401 : i32
        %swap3A_403 = arith.index_cast %add3A_402 : i32 to index
        %swap3A_404 = tpu.vector_load %arg13[%swap3A_403] {strides = array<i32>} : memref<16528xf32, #tpu.memory_space<vmem>>, vector<16xf32>,
        %swap3A_405 = vector.shape_cast %swap3A_404 : vector<16xf32> to vector<16xf32>
        %swap3A_406 = vector.shape_cast %add3A_400 : vector<16xf32> to vector<16xf32>
        tpu.vector_store %arg13[%swap3A_403], %swap3A_406 {strides = array<i32>} : memref<16528xf32, #tpu.memory_space<vmem>>, vector<16xf32>,
        %add3A_407 = arith.constant 16 : i32
        %add3A_408 = arith.addi %mul3A_378, %add3A_407 : i32
        %swap3A_409 = arith.index_cast %add3A_408 : i32 to index
        %swap3A_410 = tpu.vector_load %arg15[%swap3A_409] {strides = array<i32>} : memref<16528xf32, #tpu.memory_space<vmem>>, vector<16xf32>,
        %swap3A_411 = vector.shape_cast %swap3A_410 : vector<16xf32> to vector<16xf32>
        %swap3A_412 = vector.shape_cast %add3A_400 : vector<16xf32> to vector<16xf32>
        tpu.vector_store %arg15[%swap3A_409], %swap3A_412 {strides = array<i32>} : memref<16528xf32, #tpu.memory_space<vmem>>, vector<16xf32>,
        %get3A_413 = arith.index_cast %scan3A_376 : i32 to index
        %get3A_414 = arith.constant 32 : index
        %get3A_415 = tpu.vector_load %arg9[%get3A_413, %get3A_414] {strides = array<i32>} : memref<32x640xf32, #tpu.memory_space<vmem>>, vector<1x16xf32>,
        %get3A_416 = vector.shape_cast %get3A_415 : vector<1x16xf32> to vector<16xf32>
        %add3A_417 = arith.addf %get3A_416, %get3A_261 : vector<16xf32>
        %add3A_418 = arith.constant 32 : i32
        %add3A_419 = arith.addi %mul3A_378, %add3A_418 : i32
        %swap3A_420 = arith.index_cast %add3A_419 : i32 to index
        %swap3A_421 = tpu.vector_load %arg13[%swap3A_420] {strides = array<i32>} : memref<16528xf32, #tpu.memory_space<vmem>>, vector<16xf32>,
        %swap3A_422 = vector.shape_cast %swap3A_421 : vector<16xf32> to vector<16xf32>
        %swap3A_423 = vector.shape_cast %add3A_417 : vector<16xf32> to vector<16xf32>
        tpu.vector_store %arg13[%swap3A_420], %swap3A_423 {strides = array<i32>} : memref<16528xf32, #tpu.memory_space<vmem>>, vector<16xf32>,
        %add3A_424 = arith.constant 32 : i32
        %add3A_425 = arith.addi %mul3A_378, %add3A_424 : i32
        %swap3A_426 = arith.index_cast %add3A_425 : i32 to index
        %swap3A_427 = tpu.vector_load %arg15[%swap3A_426] {strides = array<i32>} : memref<16528xf32, #tpu.memory_space<vmem>>, vector<16xf32>,
        %swap3A_428 = vector.shape_cast %swap3A_427 : vector<16xf32> to vector<16xf32>
        %swap3A_429 = vector.shape_cast %add3A_417 : vector<16xf32> to vector<16xf32>
        tpu.vector_store %arg15[%swap3A_426], %swap3A_429 {strides = array<i32>} : memref<16528xf32, #tpu.memory_space<vmem>>, vector<16xf32>,
        %get3A_430 = arith.index_cast %scan3A_376 : i32 to index
        %get3A_431 = arith.constant 48 : index
        %get3A_432 = tpu.vector_load %arg9[%get3A_430, %get3A_431] {strides = array<i32>} : memref<32x640xf32, #tpu.memory_space<vmem>>, vector<1x16xf32>,
        %get3A_433 = vector.shape_cast %get3A_432 : vector<1x16xf32> to vector<16xf32>
        %add3A_434 = arith.addf %get3A_433, %get3A_264 : vector<16xf32>
        %add3A_435 = arith.constant 48 : i32
        %add3A_436 = arith.addi %mul3A_378, %add3A_435 : i32
        %swap3A_437 = arith.index_cast %add3A_436 : i32 to index
        %swap3A_438 = tpu.vector_load %arg13[%swap3A_437] {strides = array<i32>} : memref<16528xf32, #tpu.memory_space<vmem>>, vector<16xf32>,
        %swap3A_439 = vector.shape_cast %swap3A_438 : vector<16xf32> to vector<16xf32>
        %swap3A_440 = vector.shape_cast %add3A_434 : vector<16xf32> to vector<16xf32>
        tpu.vector_store %arg13[%swap3A_437], %swap3A_440 {strides = array<i32>} : memref<16528xf32, #tpu.memory_space<vmem>>, vector<16xf32>,
        %add3A_441 = arith.constant 48 : i32
        %add3A_442 = arith.addi %mul3A_378, %add3A_441 : i32
        %swap3A_443 = arith.index_cast %add3A_442 : i32 to index
        %swap3A_444 = tpu.vector_load %arg15[%swap3A_443] {strides = array<i32>} : memref<16528xf32, #tpu.memory_space<vmem>>, vector<16xf32>,
        %swap3A_445 = vector.shape_cast %swap3A_444 : vector<16xf32> to vector<16xf32>
        %swap3A_446 = vector.shape_cast %add3A_434 : vector<16xf32> to vector<16xf32>
        tpu.vector_store %arg15[%swap3A_443], %swap3A_446 {strides = array<i32>} : memref<16528xf32, #tpu.memory_space<vmem>>, vector<16xf32>,
        %get3A_447 = arith.index_cast %scan3A_376 : i32 to index
        %get3A_448 = arith.constant 64 : index
        %get3A_449 = tpu.vector_load %arg9[%get3A_447, %get3A_448] {strides = array<i32>} : memref<32x640xf32, #tpu.memory_space<vmem>>, vector<1x16xf32>,
        %get3A_450 = vector.shape_cast %get3A_449 : vector<1x16xf32> to vector<16xf32>
        %add3A_451 = arith.addf %get3A_450, %get3A_267 : vector<16xf32>
        %add3A_452 = arith.constant 64 : i32
        %add3A_453 = arith.addi %mul3A_378, %add3A_452 : i32
        %swap3A_454 = arith.index_cast %add3A_453 : i32 to index
        %swap3A_455 = tpu.vector_load %arg13[%swap3A_454] {strides = array<i32>} : memref<16528xf32, #tpu.memory_space<vmem>>, vector<16xf32>,
        %swap3A_456 = vector.shape_cast %swap3A_455 : vector<16xf32> to vector<16xf32>
        %swap3A_457 = vector.shape_cast %add3A_451 : vector<16xf32> to vector<16xf32>
        tpu.vector_store %arg13[%swap3A_454], %swap3A_457 {strides = array<i32>} : memref<16528xf32, #tpu.memory_space<vmem>>, vector<16xf32>,
        %add3A_458 = arith.constant 64 : i32
        %add3A_459 = arith.addi %mul3A_378, %add3A_458 : i32
        %swap3A_460 = arith.index_cast %add3A_459 : i32 to index
        %swap3A_461 = tpu.vector_load %arg15[%swap3A_460] {strides = array<i32>} : memref<16528xf32, #tpu.memory_space<vmem>>, vector<16xf32>,
        %swap3A_462 = vector.shape_cast %swap3A_461 : vector<16xf32> to vector<16xf32>
        %swap3A_463 = vector.shape_cast %add3A_451 : vector<16xf32> to vector<16xf32>
        tpu.vector_store %arg15[%swap3A_460], %swap3A_463 {strides = array<i32>} : memref<16528xf32, #tpu.memory_space<vmem>>, vector<16xf32>,
        %get3A_464 = arith.index_cast %scan3A_376 : i32 to index
        %get3A_465 = arith.constant 80 : index
        %get3A_466 = tpu.vector_load %arg9[%get3A_464, %get3A_465] {strides = array<i32>} : memref<32x640xf32, #tpu.memory_space<vmem>>, vector<1x16xf32>,
        %get3A_467 = vector.shape_cast %get3A_466 : vector<1x16xf32> to vector<16xf32>
        %add3A_468 = arith.addf %get3A_467, %get3A_270 : vector<16xf32>
        %add3A_469 = arith.constant 80 : i32
        %add3A_470 = arith.addi %mul3A_378, %add3A_469 : i32
        %swap3A_471 = arith.index_cast %add3A_470 : i32 to index
        %swap3A_472 = tpu.vector_load %arg13[%swap3A_471] {strides = array<i32>} : memref<16528xf32, #tpu.memory_space<vmem>>, vector<16xf32>,
        %swap3A_473 = vector.shape_cast %swap3A_472 : vector<16xf32> to vector<16xf32>
        %swap3A_474 = vector.shape_cast %add3A_468 : vector<16xf32> to vector<16xf32>
        tpu.vector_store %arg13[%swap3A_471], %swap3A_474 {strides = array<i32>} : memref<16528xf32, #tpu.memory_space<vmem>>, vector<16xf32>,
        %add3A_475 = arith.constant 80 : i32
        %add3A_476 = arith.addi %mul3A_378, %add3A_475 : i32
        %swap3A_477 = arith.index_cast %add3A_476 : i32 to index
        %swap3A_478 = tpu.vector_load %arg15[%swap3A_477] {strides = array<i32>} : memref<16528xf32, #tpu.memory_space<vmem>>, vector<16xf32>,
        %swap3A_479 = vector.shape_cast %swap3A_478 : vector<16xf32> to vector<16xf32>
        %swap3A_480 = vector.shape_cast %add3A_468 : vector<16xf32> to vector<16xf32>
        tpu.vector_store %arg15[%swap3A_477], %swap3A_480 {strides = array<i32>} : memref<16528xf32, #tpu.memory_space<vmem>>, vector<16xf32>,
        %get3A_481 = arith.index_cast %scan3A_376 : i32 to index
        %get3A_482 = arith.constant 96 : index
        %get3A_483 = tpu.vector_load %arg9[%get3A_481, %get3A_482] {strides = array<i32>} : memref<32x640xf32, #tpu.memory_space<vmem>>, vector<1x16xf32>,
        %get3A_484 = vector.shape_cast %get3A_483 : vector<1x16xf32> to vector<16xf32>
        %add3A_485 = arith.addf %get3A_484, %get3A_273 : vector<16xf32>
        %add3A_486 = arith.constant 96 : i32
        %add3A_487 = arith.addi %mul3A_378, %add3A_486 : i32
        %swap3A_488 = arith.index_cast %add3A_487 : i32 to index
        %swap3A_489 = tpu.vector_load %arg13[%swap3A_488] {strides = array<i32>} : memref<16528xf32, #tpu.memory_space<vmem>>, vector<16xf32>,
        %swap3A_490 = vector.shape_cast %swap3A_489 : vector<16xf32> to vector<16xf32>
        %swap3A_491 = vector.shape_cast %add3A_485 : vector<16xf32> to vector<16xf32>
        tpu.vector_store %arg13[%swap3A_488], %swap3A_491 {strides = array<i32>} : memref<16528xf32, #tpu.memory_space<vmem>>, vector<16xf32>,
        %add3A_492 = arith.constant 96 : i32
        %add3A_493 = arith.addi %mul3A_378, %add3A_492 : i32
        %swap3A_494 = arith.index_cast %add3A_493 : i32 to index
        %swap3A_495 = tpu.vector_load %arg15[%swap3A_494] {strides = array<i32>} : memref<16528xf32, #tpu.memory_space<vmem>>, vector<16xf32>,
        %swap3A_496 = vector.shape_cast %swap3A_495 : vector<16xf32> to vector<16xf32>
        %swap3A_497 = vector.shape_cast %add3A_485 : vector<16xf32> to vector<16xf32>
        tpu.vector_store %arg15[%swap3A_494], %swap3A_497 {strides = array<i32>} : memref<16528xf32, #tpu.memory_space<vmem>>, vector<16xf32>,
        %get3A_498 = arith.index_cast %scan3A_376 : i32 to index
        %get3A_499 = arith.constant 112 : index
        %get3A_500 = tpu.vector_load %arg9[%get3A_498, %get3A_499] {strides = array<i32>} : memref<32x640xf32, #tpu.memory_space<vmem>>, vector<1x16xf32>,
        %get3A_501 = vector.shape_cast %get3A_500 : vector<1x16xf32> to vector<16xf32>
        %add3A_502 = arith.addf %get3A_501, %get3A_276 : vector<16xf32>
        %add3A_503 = arith.constant 112 : i32
        %add3A_504 = arith.addi %mul3A_378, %add3A_503 : i32
        %swap3A_505 = arith.index_cast %add3A_504 : i32 to index
        %swap3A_506 = tpu.vector_load %arg13[%swap3A_505] {strides = array<i32>} : memref<16528xf32, #tpu.memory_space<vmem>>, vector<16xf32>,
        %swap3A_507 = vector.shape_cast %swap3A_506 : vector<16xf32> to vector<16xf32>
        %swap3A_508 = vector.shape_cast %add3A_502 : vector<16xf32> to vector<16xf32>
        tpu.vector_store %arg13[%swap3A_505], %swap3A_508 {strides = array<i32>} : memref<16528xf32, #tpu.memory_space<vmem>>, vector<16xf32>,
        %add3A_509 = arith.constant 112 : i32
        %add3A_510 = arith.addi %mul3A_378, %add3A_509 : i32
        %swap3A_511 = arith.index_cast %add3A_510 : i32 to index
        %swap3A_512 = tpu.vector_load %arg15[%swap3A_511] {strides = array<i32>} : memref<16528xf32, #tpu.memory_space<vmem>>, vector<16xf32>,
        %swap3A_513 = vector.shape_cast %swap3A_512 : vector<16xf32> to vector<16xf32>
        %swap3A_514 = vector.shape_cast %add3A_502 : vector<16xf32> to vector<16xf32>
        tpu.vector_store %arg15[%swap3A_511], %swap3A_514 {strides = array<i32>} : memref<16528xf32, #tpu.memory_space<vmem>>, vector<16xf32>,
        %get3A_515 = arith.index_cast %scan3A_376 : i32 to index
        %get3A_516 = arith.constant 128 : index
        %get3A_517 = tpu.vector_load %arg9[%get3A_515, %get3A_516] {strides = array<i32>} : memref<32x640xf32, #tpu.memory_space<vmem>>, vector<1x16xf32>,
        %get3A_518 = vector.shape_cast %get3A_517 : vector<1x16xf32> to vector<16xf32>
        %add3A_519 = arith.addf %get3A_518, %get3A_279 : vector<16xf32>
        %add3A_520 = arith.constant 128 : i32
        %add3A_521 = arith.addi %mul3A_378, %add3A_520 : i32
        %swap3A_522 = arith.index_cast %add3A_521 : i32 to index
        %swap3A_523 = tpu.vector_load %arg13[%swap3A_522] {strides = array<i32>} : memref<16528xf32, #tpu.memory_space<vmem>>, vector<16xf32>,
        %swap3A_524 = vector.shape_cast %swap3A_523 : vector<16xf32> to vector<16xf32>
        %swap3A_525 = vector.shape_cast %add3A_519 : vector<16xf32> to vector<16xf32>
        tpu.vector_store %arg13[%swap3A_522], %swap3A_525 {strides = array<i32>} : memref<16528xf32, #tpu.memory_space<vmem>>, vector<16xf32>,
        %add3A_526 = arith.constant 128 : i32
        %add3A_527 = arith.addi %mul3A_378, %add3A_526 : i32
        %swap3A_528 = arith.index_cast %add3A_527 : i32 to index
        %swap3A_529 = tpu.vector_load %arg15[%swap3A_528] {strides = array<i32>} : memref<16528xf32, #tpu.memory_space<vmem>>, vector<16xf32>,
        %swap3A_530 = vector.shape_cast %swap3A_529 : vector<16xf32> to vector<16xf32>
        %swap3A_531 = vector.shape_cast %add3A_519 : vector<16xf32> to vector<16xf32>
        tpu.vector_store %arg15[%swap3A_528], %swap3A_531 {strides = array<i32>} : memref<16528xf32, #tpu.memory_space<vmem>>, vector<16xf32>,
        %get3A_532 = arith.index_cast %scan3A_376 : i32 to index
        %get3A_533 = arith.constant 144 : index
        %get3A_534 = tpu.vector_load %arg9[%get3A_532, %get3A_533] {strides = array<i32>} : memref<32x640xf32, #tpu.memory_space<vmem>>, vector<1x16xf32>,
        %get3A_535 = vector.shape_cast %get3A_534 : vector<1x16xf32> to vector<16xf32>
        %add3A_536 = arith.addf %get3A_535, %get3A_282 : vector<16xf32>
        %add3A_537 = arith.constant 144 : i32
        %add3A_538 = arith.addi %mul3A_378, %add3A_537 : i32
        %swap3A_539 = arith.index_cast %add3A_538 : i32 to index
        %swap3A_540 = tpu.vector_load %arg13[%swap3A_539] {strides = array<i32>} : memref<16528xf32, #tpu.memory_space<vmem>>, vector<16xf32>,
        %swap3A_541 = vector.shape_cast %swap3A_540 : vector<16xf32> to vector<16xf32>
        %swap3A_542 = vector.shape_cast %add3A_536 : vector<16xf32> to vector<16xf32>
        tpu.vector_store %arg13[%swap3A_539], %swap3A_542 {strides = array<i32>} : memref<16528xf32, #tpu.memory_space<vmem>>, vector<16xf32>,
        %add3A_543 = arith.constant 144 : i32
        %add3A_544 = arith.addi %mul3A_378, %add3A_543 : i32
        %swap3A_545 = arith.index_cast %add3A_544 : i32 to index
        %swap3A_546 = tpu.vector_load %arg15[%swap3A_545] {strides = array<i32>} : memref<16528xf32, #tpu.memory_space<vmem>>, vector<16xf32>,
        %swap3A_547 = vector.shape_cast %swap3A_546 : vector<16xf32> to vector<16xf32>
        %swap3A_548 = vector.shape_cast %add3A_536 : vector<16xf32> to vector<16xf32>
        tpu.vector_store %arg15[%swap3A_545], %swap3A_548 {strides = array<i32>} : memref<16528xf32, #tpu.memory_space<vmem>>, vector<16xf32>,
        %get3A_549 = arith.index_cast %scan3A_376 : i32 to index
        %get3A_550 = arith.constant 160 : index
        %get3A_551 = tpu.vector_load %arg9[%get3A_549, %get3A_550] {strides = array<i32>} : memref<32x640xf32, #tpu.memory_space<vmem>>, vector<1x16xf32>,
        %get3A_552 = vector.shape_cast %get3A_551 : vector<1x16xf32> to vector<16xf32>
        %add3A_553 = arith.addf %get3A_552, %get3A_285 : vector<16xf32>
        %add3A_554 = arith.constant 160 : i32
        %add3A_555 = arith.addi %mul3A_378, %add3A_554 : i32
        %swap3A_556 = arith.index_cast %add3A_555 : i32 to index
        %swap3A_557 = tpu.vector_load %arg13[%swap3A_556] {strides = array<i32>} : memref<16528xf32, #tpu.memory_space<vmem>>, vector<16xf32>,
        %swap3A_558 = vector.shape_cast %swap3A_557 : vector<16xf32> to vector<16xf32>
        %swap3A_559 = vector.shape_cast %add3A_553 : vector<16xf32> to vector<16xf32>
        tpu.vector_store %arg13[%swap3A_556], %swap3A_559 {strides = array<i32>} : memref<16528xf32, #tpu.memory_space<vmem>>, vector<16xf32>,
        %add3A_560 = arith.constant 160 : i32
        %add3A_561 = arith.addi %mul3A_378, %add3A_560 : i32
        %swap3A_562 = arith.index_cast %add3A_561 : i32 to index
        %swap3A_563 = tpu.vector_load %arg15[%swap3A_562] {strides = array<i32>} : memref<16528xf32, #tpu.memory_space<vmem>>, vector<16xf32>,
        %swap3A_564 = vector.shape_cast %swap3A_563 : vector<16xf32> to vector<16xf32>
        %swap3A_565 = vector.shape_cast %add3A_553 : vector<16xf32> to vector<16xf32>
        tpu.vector_store %arg15[%swap3A_562], %swap3A_565 {strides = array<i32>} : memref<16528xf32, #tpu.memory_space<vmem>>, vector<16xf32>,
        %get3A_566 = arith.index_cast %scan3A_376 : i32 to index
        %get3A_567 = arith.constant 176 : index
        %get3A_568 = tpu.vector_load %arg9[%get3A_566, %get3A_567] {strides = array<i32>} : memref<32x640xf32, #tpu.memory_space<vmem>>, vector<1x16xf32>,
        %get3A_569 = vector.shape_cast %get3A_568 : vector<1x16xf32> to vector<16xf32>
        %add3A_570 = arith.addf %get3A_569, %get3A_288 : vector<16xf32>
        %add3A_571 = arith.constant 176 : i32
        %add3A_572 = arith.addi %mul3A_378, %add3A_571 : i32
        %swap3A_573 = arith.index_cast %add3A_572 : i32 to index
        %swap3A_574 = tpu.vector_load %arg13[%swap3A_573] {strides = array<i32>} : memref<16528xf32, #tpu.memory_space<vmem>>, vector<16xf32>,
        %swap3A_575 = vector.shape_cast %swap3A_574 : vector<16xf32> to vector<16xf32>
        %swap3A_576 = vector.shape_cast %add3A_570 : vector<16xf32> to vector<16xf32>
        tpu.vector_store %arg13[%swap3A_573], %swap3A_576 {strides = array<i32>} : memref<16528xf32, #tpu.memory_space<vmem>>, vector<16xf32>,
        %add3A_577 = arith.constant 176 : i32
        %add3A_578 = arith.addi %mul3A_378, %add3A_577 : i32
        %swap3A_579 = arith.index_cast %add3A_578 : i32 to index
        %swap3A_580 = tpu.vector_load %arg15[%swap3A_579] {strides = array<i32>} : memref<16528xf32, #tpu.memory_space<vmem>>, vector<16xf32>,
        %swap3A_581 = vector.shape_cast %swap3A_580 : vector<16xf32> to vector<16xf32>
        %swap3A_582 = vector.shape_cast %add3A_570 : vector<16xf32> to vector<16xf32>
        tpu.vector_store %arg15[%swap3A_579], %swap3A_582 {strides = array<i32>} : memref<16528xf32, #tpu.memory_space<vmem>>, vector<16xf32>,
        %get3A_583 = arith.index_cast %scan3A_376 : i32 to index
        %get3A_584 = arith.constant 192 : index
        %get3A_585 = tpu.vector_load %arg9[%get3A_583, %get3A_584] {strides = array<i32>} : memref<32x640xf32, #tpu.memory_space<vmem>>, vector<1x16xf32>,
        %get3A_586 = vector.shape_cast %get3A_585 : vector<1x16xf32> to vector<16xf32>
        %add3A_587 = arith.addf %get3A_586, %get3A_291 : vector<16xf32>
        %add3A_588 = arith.constant 192 : i32
        %add3A_589 = arith.addi %mul3A_378, %add3A_588 : i32
        %swap3A_590 = arith.index_cast %add3A_589 : i32 to index
        %swap3A_591 = tpu.vector_load %arg13[%swap3A_590] {strides = array<i32>} : memref<16528xf32, #tpu.memory_space<vmem>>, vector<16xf32>,
        %swap3A_592 = vector.shape_cast %swap3A_591 : vector<16xf32> to vector<16xf32>
        %swap3A_593 = vector.shape_cast %add3A_587 : vector<16xf32> to vector<16xf32>
        tpu.vector_store %arg13[%swap3A_590], %swap3A_593 {strides = array<i32>} : memref<16528xf32, #tpu.memory_space<vmem>>, vector<16xf32>,
        %add3A_594 = arith.constant 192 : i32
        %add3A_595 = arith.addi %mul3A_378, %add3A_594 : i32
        %swap3A_596 = arith.index_cast %add3A_595 : i32 to index
        %swap3A_597 = tpu.vector_load %arg15[%swap3A_596] {strides = array<i32>} : memref<16528xf32, #tpu.memory_space<vmem>>, vector<16xf32>,
        %swap3A_598 = vector.shape_cast %swap3A_597 : vector<16xf32> to vector<16xf32>
        %swap3A_599 = vector.shape_cast %add3A_587 : vector<16xf32> to vector<16xf32>
        tpu.vector_store %arg15[%swap3A_596], %swap3A_599 {strides = array<i32>} : memref<16528xf32, #tpu.memory_space<vmem>>, vector<16xf32>,
        %get3A_600 = arith.index_cast %scan3A_376 : i32 to index
        %get3A_601 = arith.constant 208 : index
        %get3A_602 = tpu.vector_load %arg9[%get3A_600, %get3A_601] {strides = array<i32>} : memref<32x640xf32, #tpu.memory_space<vmem>>, vector<1x16xf32>,
        %get3A_603 = vector.shape_cast %get3A_602 : vector<1x16xf32> to vector<16xf32>
        %add3A_604 = arith.addf %get3A_603, %get3A_294 : vector<16xf32>
        %add3A_605 = arith.constant 208 : i32
        %add3A_606 = arith.addi %mul3A_378, %add3A_605 : i32
        %swap3A_607 = arith.index_cast %add3A_606 : i32 to index
        %swap3A_608 = tpu.vector_load %arg13[%swap3A_607] {strides = array<i32>} : memref<16528xf32, #tpu.memory_space<vmem>>, vector<16xf32>,
        %swap3A_609 = vector.shape_cast %swap3A_608 : vector<16xf32> to vector<16xf32>
        %swap3A_610 = vector.shape_cast %add3A_604 : vector<16xf32> to vector<16xf32>
        tpu.vector_store %arg13[%swap3A_607], %swap3A_610 {strides = array<i32>} : memref<16528xf32, #tpu.memory_space<vmem>>, vector<16xf32>,
        %add3A_611 = arith.constant 208 : i32
        %add3A_612 = arith.addi %mul3A_378, %add3A_611 : i32
        %swap3A_613 = arith.index_cast %add3A_612 : i32 to index
        %swap3A_614 = tpu.vector_load %arg15[%swap3A_613] {strides = array<i32>} : memref<16528xf32, #tpu.memory_space<vmem>>, vector<16xf32>,
        %swap3A_615 = vector.shape_cast %swap3A_614 : vector<16xf32> to vector<16xf32>
        %swap3A_616 = vector.shape_cast %add3A_604 : vector<16xf32> to vector<16xf32>
        tpu.vector_store %arg15[%swap3A_613], %swap3A_616 {strides = array<i32>} : memref<16528xf32, #tpu.memory_space<vmem>>, vector<16xf32>,
        %get3A_617 = arith.index_cast %scan3A_376 : i32 to index
        %get3A_618 = arith.constant 224 : index
        %get3A_619 = tpu.vector_load %arg9[%get3A_617, %get3A_618] {strides = array<i32>} : memref<32x640xf32, #tpu.memory_space<vmem>>, vector<1x16xf32>,
        %get3A_620 = vector.shape_cast %get3A_619 : vector<1x16xf32> to vector<16xf32>
        %add3A_621 = arith.addf %get3A_620, %get3A_297 : vector<16xf32>
        %add3A_622 = arith.constant 224 : i32
        %add3A_623 = arith.addi %mul3A_378, %add3A_622 : i32
        %swap3A_624 = arith.index_cast %add3A_623 : i32 to index
        %swap3A_625 = tpu.vector_load %arg13[%swap3A_624] {strides = array<i32>} : memref<16528xf32, #tpu.memory_space<vmem>>, vector<16xf32>,
        %swap3A_626 = vector.shape_cast %swap3A_625 : vector<16xf32> to vector<16xf32>
        %swap3A_627 = vector.shape_cast %add3A_621 : vector<16xf32> to vector<16xf32>
        tpu.vector_store %arg13[%swap3A_624], %swap3A_627 {strides = array<i32>} : memref<16528xf32, #tpu.memory_space<vmem>>, vector<16xf32>,
        %add3A_628 = arith.constant 224 : i32
        %add3A_629 = arith.addi %mul3A_378, %add3A_628 : i32
        %swap3A_630 = arith.index_cast %add3A_629 : i32 to index
        %swap3A_631 = tpu.vector_load %arg15[%swap3A_630] {strides = array<i32>} : memref<16528xf32, #tpu.memory_space<vmem>>, vector<16xf32>,
        %swap3A_632 = vector.shape_cast %swap3A_631 : vector<16xf32> to vector<16xf32>
        %swap3A_633 = vector.shape_cast %add3A_621 : vector<16xf32> to vector<16xf32>
        tpu.vector_store %arg15[%swap3A_630], %swap3A_633 {strides = array<i32>} : memref<16528xf32, #tpu.memory_space<vmem>>, vector<16xf32>,
        %get3A_634 = arith.index_cast %scan3A_376 : i32 to index
        %get3A_635 = arith.constant 240 : index
        %get3A_636 = tpu.vector_load %arg9[%get3A_634, %get3A_635] {strides = array<i32>} : memref<32x640xf32, #tpu.memory_space<vmem>>, vector<1x16xf32>,
        %get3A_637 = vector.shape_cast %get3A_636 : vector<1x16xf32> to vector<16xf32>
        %add3A_638 = arith.addf %get3A_637, %get3A_300 : vector<16xf32>
        %add3A_639 = arith.constant 240 : i32
        %add3A_640 = arith.addi %mul3A_378, %add3A_639 : i32
        %swap3A_641 = arith.index_cast %add3A_640 : i32 to index
        %swap3A_642 = tpu.vector_load %arg13[%swap3A_641] {strides = array<i32>} : memref<16528xf32, #tpu.memory_space<vmem>>, vector<16xf32>,
        %swap3A_643 = vector.shape_cast %swap3A_642 : vector<16xf32> to vector<16xf32>
        %swap3A_644 = vector.shape_cast %add3A_638 : vector<16xf32> to vector<16xf32>
        tpu.vector_store %arg13[%swap3A_641], %swap3A_644 {strides = array<i32>} : memref<16528xf32, #tpu.memory_space<vmem>>, vector<16xf32>,
        %add3A_645 = arith.constant 240 : i32
        %add3A_646 = arith.addi %mul3A_378, %add3A_645 : i32
        %swap3A_647 = arith.index_cast %add3A_646 : i32 to index
        %swap3A_648 = tpu.vector_load %arg15[%swap3A_647] {strides = array<i32>} : memref<16528xf32, #tpu.memory_space<vmem>>, vector<16xf32>,
        %swap3A_649 = vector.shape_cast %swap3A_648 : vector<16xf32> to vector<16xf32>
        %swap3A_650 = vector.shape_cast %add3A_638 : vector<16xf32> to vector<16xf32>
        tpu.vector_store %arg15[%swap3A_647], %swap3A_650 {strides = array<i32>} : memref<16528xf32, #tpu.memory_space<vmem>>, vector<16xf32>,
        %get3A_651 = arith.index_cast %scan3A_376 : i32 to index
        %get3A_652 = arith.constant 256 : index
        %get3A_653 = tpu.vector_load %arg9[%get3A_651, %get3A_652] {strides = array<i32>} : memref<32x640xf32, #tpu.memory_space<vmem>>, vector<1x16xf32>,
        %get3A_654 = vector.shape_cast %get3A_653 : vector<1x16xf32> to vector<16xf32>
        %add3A_655 = arith.addf %get3A_654, %get3A_303 : vector<16xf32>
        %add3A_656 = arith.constant 256 : i32
        %add3A_657 = arith.addi %mul3A_378, %add3A_656 : i32
        %swap3A_658 = arith.index_cast %add3A_657 : i32 to index
        %swap3A_659 = tpu.vector_load %arg13[%swap3A_658] {strides = array<i32>} : memref<16528xf32, #tpu.memory_space<vmem>>, vector<16xf32>,
        %swap3A_660 = vector.shape_cast %swap3A_659 : vector<16xf32> to vector<16xf32>
        %swap3A_661 = vector.shape_cast %add3A_655 : vector<16xf32> to vector<16xf32>
        tpu.vector_store %arg13[%swap3A_658], %swap3A_661 {strides = array<i32>} : memref<16528xf32, #tpu.memory_space<vmem>>, vector<16xf32>,
        %add3A_662 = arith.constant 256 : i32
        %add3A_663 = arith.addi %mul3A_378, %add3A_662 : i32
        %swap3A_664 = arith.index_cast %add3A_663 : i32 to index
        %swap3A_665 = tpu.vector_load %arg15[%swap3A_664] {strides = array<i32>} : memref<16528xf32, #tpu.memory_space<vmem>>, vector<16xf32>,
        %swap3A_666 = vector.shape_cast %swap3A_665 : vector<16xf32> to vector<16xf32>
        %swap3A_667 = vector.shape_cast %add3A_655 : vector<16xf32> to vector<16xf32>
        tpu.vector_store %arg15[%swap3A_664], %swap3A_667 {strides = array<i32>} : memref<16528xf32, #tpu.memory_space<vmem>>, vector<16xf32>,
        %get3A_668 = arith.index_cast %scan3A_376 : i32 to index
        %get3A_669 = arith.constant 272 : index
        %get3A_670 = tpu.vector_load %arg9[%get3A_668, %get3A_669] {strides = array<i32>} : memref<32x640xf32, #tpu.memory_space<vmem>>, vector<1x16xf32>,
        %get3A_671 = vector.shape_cast %get3A_670 : vector<1x16xf32> to vector<16xf32>
        %add3A_672 = arith.addf %get3A_671, %get3A_306 : vector<16xf32>
        %add3A_673 = arith.constant 272 : i32
        %add3A_674 = arith.addi %mul3A_378, %add3A_673 : i32
        %swap3A_675 = arith.index_cast %add3A_674 : i32 to index
        %swap3A_676 = tpu.vector_load %arg13[%swap3A_675] {strides = array<i32>} : memref<16528xf32, #tpu.memory_space<vmem>>, vector<16xf32>,
        %swap3A_677 = vector.shape_cast %swap3A_676 : vector<16xf32> to vector<16xf32>
        %swap3A_678 = vector.shape_cast %add3A_672 : vector<16xf32> to vector<16xf32>
        tpu.vector_store %arg13[%swap3A_675], %swap3A_678 {strides = array<i32>} : memref<16528xf32, #tpu.memory_space<vmem>>, vector<16xf32>,
        %add3A_679 = arith.constant 272 : i32
        %add3A_680 = arith.addi %mul3A_378, %add3A_679 : i32
        %swap3A_681 = arith.index_cast %add3A_680 : i32 to index
        %swap3A_682 = tpu.vector_load %arg15[%swap3A_681] {strides = array<i32>} : memref<16528xf32, #tpu.memory_space<vmem>>, vector<16xf32>,
        %swap3A_683 = vector.shape_cast %swap3A_682 : vector<16xf32> to vector<16xf32>
        %swap3A_684 = vector.shape_cast %add3A_672 : vector<16xf32> to vector<16xf32>
        tpu.vector_store %arg15[%swap3A_681], %swap3A_684 {strides = array<i32>} : memref<16528xf32, #tpu.memory_space<vmem>>, vector<16xf32>,
        %get3A_685 = arith.index_cast %scan3A_376 : i32 to index
        %get3A_686 = arith.constant 288 : index
        %get3A_687 = tpu.vector_load %arg9[%get3A_685, %get3A_686] {strides = array<i32>} : memref<32x640xf32, #tpu.memory_space<vmem>>, vector<1x16xf32>,
        %get3A_688 = vector.shape_cast %get3A_687 : vector<1x16xf32> to vector<16xf32>
        %add3A_689 = arith.addf %get3A_688, %get3A_309 : vector<16xf32>
        %add3A_690 = arith.constant 288 : i32
        %add3A_691 = arith.addi %mul3A_378, %add3A_690 : i32
        %swap3A_692 = arith.index_cast %add3A_691 : i32 to index
        %swap3A_693 = tpu.vector_load %arg13[%swap3A_692] {strides = array<i32>} : memref<16528xf32, #tpu.memory_space<vmem>>, vector<16xf32>,
        %swap3A_694 = vector.shape_cast %swap3A_693 : vector<16xf32> to vector<16xf32>
        %swap3A_695 = vector.shape_cast %add3A_689 : vector<16xf32> to vector<16xf32>
        tpu.vector_store %arg13[%swap3A_692], %swap3A_695 {strides = array<i32>} : memref<16528xf32, #tpu.memory_space<vmem>>, vector<16xf32>,
        %add3A_696 = arith.constant 288 : i32
        %add3A_697 = arith.addi %mul3A_378, %add3A_696 : i32
        %swap3A_698 = arith.index_cast %add3A_697 : i32 to index
        %swap3A_699 = tpu.vector_load %arg15[%swap3A_698] {strides = array<i32>} : memref<16528xf32, #tpu.memory_space<vmem>>, vector<16xf32>,
        %swap3A_700 = vector.shape_cast %swap3A_699 : vector<16xf32> to vector<16xf32>
        %swap3A_701 = vector.shape_cast %add3A_689 : vector<16xf32> to vector<16xf32>
        tpu.vector_store %arg15[%swap3A_698], %swap3A_701 {strides = array<i32>} : memref<16528xf32, #tpu.memory_space<vmem>>, vector<16xf32>,
        %get3A_702 = arith.index_cast %scan3A_376 : i32 to index
        %get3A_703 = arith.constant 304 : index
        %get3A_704 = tpu.vector_load %arg9[%get3A_702, %get3A_703] {strides = array<i32>} : memref<32x640xf32, #tpu.memory_space<vmem>>, vector<1x16xf32>,
        %get3A_705 = vector.shape_cast %get3A_704 : vector<1x16xf32> to vector<16xf32>
        %add3A_706 = arith.addf %get3A_705, %get3A_312 : vector<16xf32>
        %add3A_707 = arith.constant 304 : i32
        %add3A_708 = arith.addi %mul3A_378, %add3A_707 : i32
        %swap3A_709 = arith.index_cast %add3A_708 : i32 to index
        %swap3A_710 = tpu.vector_load %arg13[%swap3A_709] {strides = array<i32>} : memref<16528xf32, #tpu.memory_space<vmem>>, vector<16xf32>,
        %swap3A_711 = vector.shape_cast %swap3A_710 : vector<16xf32> to vector<16xf32>
        %swap3A_712 = vector.shape_cast %add3A_706 : vector<16xf32> to vector<16xf32>
        tpu.vector_store %arg13[%swap3A_709], %swap3A_712 {strides = array<i32>} : memref<16528xf32, #tpu.memory_space<vmem>>, vector<16xf32>,
        %add3A_713 = arith.constant 304 : i32
        %add3A_714 = arith.addi %mul3A_378, %add3A_713 : i32
        %swap3A_715 = arith.index_cast %add3A_714 : i32 to index
        %swap3A_716 = tpu.vector_load %arg15[%swap3A_715] {strides = array<i32>} : memref<16528xf32, #tpu.memory_space<vmem>>, vector<16xf32>,
        %swap3A_717 = vector.shape_cast %swap3A_716 : vector<16xf32> to vector<16xf32>
        %swap3A_718 = vector.shape_cast %add3A_706 : vector<16xf32> to vector<16xf32>
        tpu.vector_store %arg15[%swap3A_715], %swap3A_718 {strides = array<i32>} : memref<16528xf32, #tpu.memory_space<vmem>>, vector<16xf32>,
        %get3A_719 = arith.index_cast %scan3A_376 : i32 to index
        %get3A_720 = arith.constant 320 : index
        %get3A_721 = tpu.vector_load %arg9[%get3A_719, %get3A_720] {strides = array<i32>} : memref<32x640xf32, #tpu.memory_space<vmem>>, vector<1x16xf32>,
        %get3A_722 = vector.shape_cast %get3A_721 : vector<1x16xf32> to vector<16xf32>
        %add3A_723 = arith.addf %get3A_722, %get3A_315 : vector<16xf32>
        %add3A_724 = arith.constant 320 : i32
        %add3A_725 = arith.addi %mul3A_378, %add3A_724 : i32
        %swap3A_726 = arith.index_cast %add3A_725 : i32 to index
        %swap3A_727 = tpu.vector_load %arg13[%swap3A_726] {strides = array<i32>} : memref<16528xf32, #tpu.memory_space<vmem>>, vector<16xf32>,
        %swap3A_728 = vector.shape_cast %swap3A_727 : vector<16xf32> to vector<16xf32>
        %swap3A_729 = vector.shape_cast %add3A_723 : vector<16xf32> to vector<16xf32>
        tpu.vector_store %arg13[%swap3A_726], %swap3A_729 {strides = array<i32>} : memref<16528xf32, #tpu.memory_space<vmem>>, vector<16xf32>,
        %add3A_730 = arith.constant 320 : i32
        %add3A_731 = arith.addi %mul3A_378, %add3A_730 : i32
        %swap3A_732 = arith.index_cast %add3A_731 : i32 to index
        %swap3A_733 = tpu.vector_load %arg15[%swap3A_732] {strides = array<i32>} : memref<16528xf32, #tpu.memory_space<vmem>>, vector<16xf32>,
        %swap3A_734 = vector.shape_cast %swap3A_733 : vector<16xf32> to vector<16xf32>
        %swap3A_735 = vector.shape_cast %add3A_723 : vector<16xf32> to vector<16xf32>
        tpu.vector_store %arg15[%swap3A_732], %swap3A_735 {strides = array<i32>} : memref<16528xf32, #tpu.memory_space<vmem>>, vector<16xf32>,
        %get3A_736 = arith.index_cast %scan3A_376 : i32 to index
        %get3A_737 = arith.constant 336 : index
        %get3A_738 = tpu.vector_load %arg9[%get3A_736, %get3A_737] {strides = array<i32>} : memref<32x640xf32, #tpu.memory_space<vmem>>, vector<1x16xf32>,
        %get3A_739 = vector.shape_cast %get3A_738 : vector<1x16xf32> to vector<16xf32>
        %add3A_740 = arith.addf %get3A_739, %get3A_318 : vector<16xf32>
        %add3A_741 = arith.constant 336 : i32
        %add3A_742 = arith.addi %mul3A_378, %add3A_741 : i32
        %swap3A_743 = arith.index_cast %add3A_742 : i32 to index
        %swap3A_744 = tpu.vector_load %arg13[%swap3A_743] {strides = array<i32>} : memref<16528xf32, #tpu.memory_space<vmem>>, vector<16xf32>,
        %swap3A_745 = vector.shape_cast %swap3A_744 : vector<16xf32> to vector<16xf32>
        %swap3A_746 = vector.shape_cast %add3A_740 : vector<16xf32> to vector<16xf32>
        tpu.vector_store %arg13[%swap3A_743], %swap3A_746 {strides = array<i32>} : memref<16528xf32, #tpu.memory_space<vmem>>, vector<16xf32>,
        %add3A_747 = arith.constant 336 : i32
        %add3A_748 = arith.addi %mul3A_378, %add3A_747 : i32
        %swap3A_749 = arith.index_cast %add3A_748 : i32 to index
        %swap3A_750 = tpu.vector_load %arg15[%swap3A_749] {strides = array<i32>} : memref<16528xf32, #tpu.memory_space<vmem>>, vector<16xf32>,
        %swap3A_751 = vector.shape_cast %swap3A_750 : vector<16xf32> to vector<16xf32>
        %swap3A_752 = vector.shape_cast %add3A_740 : vector<16xf32> to vector<16xf32>
        tpu.vector_store %arg15[%swap3A_749], %swap3A_752 {strides = array<i32>} : memref<16528xf32, #tpu.memory_space<vmem>>, vector<16xf32>,
        %get3A_753 = arith.index_cast %scan3A_376 : i32 to index
        %get3A_754 = arith.constant 352 : index
        %get3A_755 = tpu.vector_load %arg9[%get3A_753, %get3A_754] {strides = array<i32>} : memref<32x640xf32, #tpu.memory_space<vmem>>, vector<1x16xf32>,
        %get3A_756 = vector.shape_cast %get3A_755 : vector<1x16xf32> to vector<16xf32>
        %add3A_757 = arith.addf %get3A_756, %get3A_321 : vector<16xf32>
        %add3A_758 = arith.constant 352 : i32
        %add3A_759 = arith.addi %mul3A_378, %add3A_758 : i32
        %swap3A_760 = arith.index_cast %add3A_759 : i32 to index
        %swap3A_761 = tpu.vector_load %arg13[%swap3A_760] {strides = array<i32>} : memref<16528xf32, #tpu.memory_space<vmem>>, vector<16xf32>,
        %swap3A_762 = vector.shape_cast %swap3A_761 : vector<16xf32> to vector<16xf32>
        %swap3A_763 = vector.shape_cast %add3A_757 : vector<16xf32> to vector<16xf32>
        tpu.vector_store %arg13[%swap3A_760], %swap3A_763 {strides = array<i32>} : memref<16528xf32, #tpu.memory_space<vmem>>, vector<16xf32>,
        %add3A_764 = arith.constant 352 : i32
        %add3A_765 = arith.addi %mul3A_378, %add3A_764 : i32
        %swap3A_766 = arith.index_cast %add3A_765 : i32 to index
        %swap3A_767 = tpu.vector_load %arg15[%swap3A_766] {strides = array<i32>} : memref<16528xf32, #tpu.memory_space<vmem>>, vector<16xf32>,
        %swap3A_768 = vector.shape_cast %swap3A_767 : vector<16xf32> to vector<16xf32>
        %swap3A_769 = vector.shape_cast %add3A_757 : vector<16xf32> to vector<16xf32>
        tpu.vector_store %arg15[%swap3A_766], %swap3A_769 {strides = array<i32>} : memref<16528xf32, #tpu.memory_space<vmem>>, vector<16xf32>,
        %get3A_770 = arith.index_cast %scan3A_376 : i32 to index
        %get3A_771 = arith.constant 368 : index
        %get3A_772 = tpu.vector_load %arg9[%get3A_770, %get3A_771] {strides = array<i32>} : memref<32x640xf32, #tpu.memory_space<vmem>>, vector<1x16xf32>,
        %get3A_773 = vector.shape_cast %get3A_772 : vector<1x16xf32> to vector<16xf32>
        %add3A_774 = arith.addf %get3A_773, %get3A_324 : vector<16xf32>
        %add3A_775 = arith.constant 368 : i32
        %add3A_776 = arith.addi %mul3A_378, %add3A_775 : i32
        %swap3A_777 = arith.index_cast %add3A_776 : i32 to index
        %swap3A_778 = tpu.vector_load %arg13[%swap3A_777] {strides = array<i32>} : memref<16528xf32, #tpu.memory_space<vmem>>, vector<16xf32>,
        %swap3A_779 = vector.shape_cast %swap3A_778 : vector<16xf32> to vector<16xf32>
        %swap3A_780 = vector.shape_cast %add3A_774 : vector<16xf32> to vector<16xf32>
        tpu.vector_store %arg13[%swap3A_777], %swap3A_780 {strides = array<i32>} : memref<16528xf32, #tpu.memory_space<vmem>>, vector<16xf32>,
        %add3A_781 = arith.constant 368 : i32
        %add3A_782 = arith.addi %mul3A_378, %add3A_781 : i32
        %swap3A_783 = arith.index_cast %add3A_782 : i32 to index
        %swap3A_784 = tpu.vector_load %arg15[%swap3A_783] {strides = array<i32>} : memref<16528xf32, #tpu.memory_space<vmem>>, vector<16xf32>,
        %swap3A_785 = vector.shape_cast %swap3A_784 : vector<16xf32> to vector<16xf32>
        %swap3A_786 = vector.shape_cast %add3A_774 : vector<16xf32> to vector<16xf32>
        tpu.vector_store %arg15[%swap3A_783], %swap3A_786 {strides = array<i32>} : memref<16528xf32, #tpu.memory_space<vmem>>, vector<16xf32>,
        %get3A_787 = arith.index_cast %scan3A_376 : i32 to index
        %get3A_788 = arith.constant 384 : index
        %get3A_789 = tpu.vector_load %arg9[%get3A_787, %get3A_788] {strides = array<i32>} : memref<32x640xf32, #tpu.memory_space<vmem>>, vector<1x16xf32>,
        %get3A_790 = vector.shape_cast %get3A_789 : vector<1x16xf32> to vector<16xf32>
        %add3A_791 = arith.addf %get3A_790, %get3A_327 : vector<16xf32>
        %add3A_792 = arith.constant 384 : i32
        %add3A_793 = arith.addi %mul3A_378, %add3A_792 : i32
        %swap3A_794 = arith.index_cast %add3A_793 : i32 to index
        %swap3A_795 = tpu.vector_load %arg13[%swap3A_794] {strides = array<i32>} : memref<16528xf32, #tpu.memory_space<vmem>>, vector<16xf32>,
        %swap3A_796 = vector.shape_cast %swap3A_795 : vector<16xf32> to vector<16xf32>
        %swap3A_797 = vector.shape_cast %add3A_791 : vector<16xf32> to vector<16xf32>
        tpu.vector_store %arg13[%swap3A_794], %swap3A_797 {strides = array<i32>} : memref<16528xf32, #tpu.memory_space<vmem>>, vector<16xf32>,
        %add3A_798 = arith.constant 384 : i32
        %add3A_799 = arith.addi %mul3A_378, %add3A_798 : i32
        %swap3A_800 = arith.index_cast %add3A_799 : i32 to index
        %swap3A_801 = tpu.vector_load %arg15[%swap3A_800] {strides = array<i32>} : memref<16528xf32, #tpu.memory_space<vmem>>, vector<16xf32>,
        %swap3A_802 = vector.shape_cast %swap3A_801 : vector<16xf32> to vector<16xf32>
        %swap3A_803 = vector.shape_cast %add3A_791 : vector<16xf32> to vector<16xf32>
        tpu.vector_store %arg15[%swap3A_800], %swap3A_803 {strides = array<i32>} : memref<16528xf32, #tpu.memory_space<vmem>>, vector<16xf32>,
        %get3A_804 = arith.index_cast %scan3A_376 : i32 to index
        %get3A_805 = arith.constant 400 : index
        %get3A_806 = tpu.vector_load %arg9[%get3A_804, %get3A_805] {strides = array<i32>} : memref<32x640xf32, #tpu.memory_space<vmem>>, vector<1x16xf32>,
        %get3A_807 = vector.shape_cast %get3A_806 : vector<1x16xf32> to vector<16xf32>
        %add3A_808 = arith.addf %get3A_807, %get3A_330 : vector<16xf32>
        %add3A_809 = arith.constant 400 : i32
        %add3A_810 = arith.addi %mul3A_378, %add3A_809 : i32
        %swap3A_811 = arith.index_cast %add3A_810 : i32 to index
        %swap3A_812 = tpu.vector_load %arg13[%swap3A_811] {strides = array<i32>} : memref<16528xf32, #tpu.memory_space<vmem>>, vector<16xf32>,
        %swap3A_813 = vector.shape_cast %swap3A_812 : vector<16xf32> to vector<16xf32>
        %swap3A_814 = vector.shape_cast %add3A_808 : vector<16xf32> to vector<16xf32>
        tpu.vector_store %arg13[%swap3A_811], %swap3A_814 {strides = array<i32>} : memref<16528xf32, #tpu.memory_space<vmem>>, vector<16xf32>,
        %add3A_815 = arith.constant 400 : i32
        %add3A_816 = arith.addi %mul3A_378, %add3A_815 : i32
        %swap3A_817 = arith.index_cast %add3A_816 : i32 to index
        %swap3A_818 = tpu.vector_load %arg15[%swap3A_817] {strides = array<i32>} : memref<16528xf32, #tpu.memory_space<vmem>>, vector<16xf32>,
        %swap3A_819 = vector.shape_cast %swap3A_818 : vector<16xf32> to vector<16xf32>
        %swap3A_820 = vector.shape_cast %add3A_808 : vector<16xf32> to vector<16xf32>
        tpu.vector_store %arg15[%swap3A_817], %swap3A_820 {strides = array<i32>} : memref<16528xf32, #tpu.memory_space<vmem>>, vector<16xf32>,
        %get3A_821 = arith.index_cast %scan3A_376 : i32 to index
        %get3A_822 = arith.constant 416 : index
        %get3A_823 = tpu.vector_load %arg9[%get3A_821, %get3A_822] {strides = array<i32>} : memref<32x640xf32, #tpu.memory_space<vmem>>, vector<1x16xf32>,
        %get3A_824 = vector.shape_cast %get3A_823 : vector<1x16xf32> to vector<16xf32>
        %add3A_825 = arith.addf %get3A_824, %get3A_333 : vector<16xf32>
        %add3A_826 = arith.constant 416 : i32
        %add3A_827 = arith.addi %mul3A_378, %add3A_826 : i32
        %swap3A_828 = arith.index_cast %add3A_827 : i32 to index
        %swap3A_829 = tpu.vector_load %arg13[%swap3A_828] {strides = array<i32>} : memref<16528xf32, #tpu.memory_space<vmem>>, vector<16xf32>,
        %swap3A_830 = vector.shape_cast %swap3A_829 : vector<16xf32> to vector<16xf32>
        %swap3A_831 = vector.shape_cast %add3A_825 : vector<16xf32> to vector<16xf32>
        tpu.vector_store %arg13[%swap3A_828], %swap3A_831 {strides = array<i32>} : memref<16528xf32, #tpu.memory_space<vmem>>, vector<16xf32>,
        %add3A_832 = arith.constant 416 : i32
        %add3A_833 = arith.addi %mul3A_378, %add3A_832 : i32
        %swap3A_834 = arith.index_cast %add3A_833 : i32 to index
        %swap3A_835 = tpu.vector_load %arg15[%swap3A_834] {strides = array<i32>} : memref<16528xf32, #tpu.memory_space<vmem>>, vector<16xf32>,
        %swap3A_836 = vector.shape_cast %swap3A_835 : vector<16xf32> to vector<16xf32>
        %swap3A_837 = vector.shape_cast %add3A_825 : vector<16xf32> to vector<16xf32>
        tpu.vector_store %arg15[%swap3A_834], %swap3A_837 {strides = array<i32>} : memref<16528xf32, #tpu.memory_space<vmem>>, vector<16xf32>,
        %get3A_838 = arith.index_cast %scan3A_376 : i32 to index
        %get3A_839 = arith.constant 432 : index
        %get3A_840 = tpu.vector_load %arg9[%get3A_838, %get3A_839] {strides = array<i32>} : memref<32x640xf32, #tpu.memory_space<vmem>>, vector<1x16xf32>,
        %get3A_841 = vector.shape_cast %get3A_840 : vector<1x16xf32> to vector<16xf32>
        %add3A_842 = arith.addf %get3A_841, %get3A_336 : vector<16xf32>
        %add3A_843 = arith.constant 432 : i32
        %add3A_844 = arith.addi %mul3A_378, %add3A_843 : i32
        %swap3A_845 = arith.index_cast %add3A_844 : i32 to index
        %swap3A_846 = tpu.vector_load %arg13[%swap3A_845] {strides = array<i32>} : memref<16528xf32, #tpu.memory_space<vmem>>, vector<16xf32>,
        %swap3A_847 = vector.shape_cast %swap3A_846 : vector<16xf32> to vector<16xf32>
        %swap3A_848 = vector.shape_cast %add3A_842 : vector<16xf32> to vector<16xf32>
        tpu.vector_store %arg13[%swap3A_845], %swap3A_848 {strides = array<i32>} : memref<16528xf32, #tpu.memory_space<vmem>>, vector<16xf32>,
        %add3A_849 = arith.constant 432 : i32
        %add3A_850 = arith.addi %mul3A_378, %add3A_849 : i32
        %swap3A_851 = arith.index_cast %add3A_850 : i32 to index
        %swap3A_852 = tpu.vector_load %arg15[%swap3A_851] {strides = array<i32>} : memref<16528xf32, #tpu.memory_space<vmem>>, vector<16xf32>,
        %swap3A_853 = vector.shape_cast %swap3A_852 : vector<16xf32> to vector<16xf32>
        %swap3A_854 = vector.shape_cast %add3A_842 : vector<16xf32> to vector<16xf32>
        tpu.vector_store %arg15[%swap3A_851], %swap3A_854 {strides = array<i32>} : memref<16528xf32, #tpu.memory_space<vmem>>, vector<16xf32>,
        %get3A_855 = arith.index_cast %scan3A_376 : i32 to index
        %get3A_856 = arith.constant 448 : index
        %get3A_857 = tpu.vector_load %arg9[%get3A_855, %get3A_856] {strides = array<i32>} : memref<32x640xf32, #tpu.memory_space<vmem>>, vector<1x16xf32>,
        %get3A_858 = vector.shape_cast %get3A_857 : vector<1x16xf32> to vector<16xf32>
        %add3A_859 = arith.addf %get3A_858, %get3A_339 : vector<16xf32>
        %add3A_860 = arith.constant 448 : i32
        %add3A_861 = arith.addi %mul3A_378, %add3A_860 : i32
        %swap3A_862 = arith.index_cast %add3A_861 : i32 to index
        %swap3A_863 = tpu.vector_load %arg13[%swap3A_862] {strides = array<i32>} : memref<16528xf32, #tpu.memory_space<vmem>>, vector<16xf32>,
        %swap3A_864 = vector.shape_cast %swap3A_863 : vector<16xf32> to vector<16xf32>
        %swap3A_865 = vector.shape_cast %add3A_859 : vector<16xf32> to vector<16xf32>
        tpu.vector_store %arg13[%swap3A_862], %swap3A_865 {strides = array<i32>} : memref<16528xf32, #tpu.memory_space<vmem>>, vector<16xf32>,
        %add3A_866 = arith.constant 448 : i32
        %add3A_867 = arith.addi %mul3A_378, %add3A_866 : i32
        %swap3A_868 = arith.index_cast %add3A_867 : i32 to index
        %swap3A_869 = tpu.vector_load %arg15[%swap3A_868] {strides = array<i32>} : memref<16528xf32, #tpu.memory_space<vmem>>, vector<16xf32>,
        %swap3A_870 = vector.shape_cast %swap3A_869 : vector<16xf32> to vector<16xf32>
        %swap3A_871 = vector.shape_cast %add3A_859 : vector<16xf32> to vector<16xf32>
        tpu.vector_store %arg15[%swap3A_868], %swap3A_871 {strides = array<i32>} : memref<16528xf32, #tpu.memory_space<vmem>>, vector<16xf32>,
        %get3A_872 = arith.index_cast %scan3A_376 : i32 to index
        %get3A_873 = arith.constant 464 : index
        %get3A_874 = tpu.vector_load %arg9[%get3A_872, %get3A_873] {strides = array<i32>} : memref<32x640xf32, #tpu.memory_space<vmem>>, vector<1x16xf32>,
        %get3A_875 = vector.shape_cast %get3A_874 : vector<1x16xf32> to vector<16xf32>
        %add3A_876 = arith.addf %get3A_875, %get3A_342 : vector<16xf32>
        %add3A_877 = arith.constant 464 : i32
        %add3A_878 = arith.addi %mul3A_378, %add3A_877 : i32
        %swap3A_879 = arith.index_cast %add3A_878 : i32 to index
        %swap3A_880 = tpu.vector_load %arg13[%swap3A_879] {strides = array<i32>} : memref<16528xf32, #tpu.memory_space<vmem>>, vector<16xf32>,
        %swap3A_881 = vector.shape_cast %swap3A_880 : vector<16xf32> to vector<16xf32>
        %swap3A_882 = vector.shape_cast %add3A_876 : vector<16xf32> to vector<16xf32>
        tpu.vector_store %arg13[%swap3A_879], %swap3A_882 {strides = array<i32>} : memref<16528xf32, #tpu.memory_space<vmem>>, vector<16xf32>,
        %add3A_883 = arith.constant 464 : i32
        %add3A_884 = arith.addi %mul3A_378, %add3A_883 : i32
        %swap3A_885 = arith.index_cast %add3A_884 : i32 to index
        %swap3A_886 = tpu.vector_load %arg15[%swap3A_885] {strides = array<i32>} : memref<16528xf32, #tpu.memory_space<vmem>>, vector<16xf32>,
        %swap3A_887 = vector.shape_cast %swap3A_886 : vector<16xf32> to vector<16xf32>
        %swap3A_888 = vector.shape_cast %add3A_876 : vector<16xf32> to vector<16xf32>
        tpu.vector_store %arg15[%swap3A_885], %swap3A_888 {strides = array<i32>} : memref<16528xf32, #tpu.memory_space<vmem>>, vector<16xf32>,
        %get3A_889 = arith.index_cast %scan3A_376 : i32 to index
        %get3A_890 = arith.constant 480 : index
        %get3A_891 = tpu.vector_load %arg9[%get3A_889, %get3A_890] {strides = array<i32>} : memref<32x640xf32, #tpu.memory_space<vmem>>, vector<1x16xf32>,
        %get3A_892 = vector.shape_cast %get3A_891 : vector<1x16xf32> to vector<16xf32>
        %add3A_893 = arith.addf %get3A_892, %get3A_345 : vector<16xf32>
        %add3A_894 = arith.constant 480 : i32
        %add3A_895 = arith.addi %mul3A_378, %add3A_894 : i32
        %swap3A_896 = arith.index_cast %add3A_895 : i32 to index
        %swap3A_897 = tpu.vector_load %arg13[%swap3A_896] {strides = array<i32>} : memref<16528xf32, #tpu.memory_space<vmem>>, vector<16xf32>,
        %swap3A_898 = vector.shape_cast %swap3A_897 : vector<16xf32> to vector<16xf32>
        %swap3A_899 = vector.shape_cast %add3A_893 : vector<16xf32> to vector<16xf32>
        tpu.vector_store %arg13[%swap3A_896], %swap3A_899 {strides = array<i32>} : memref<16528xf32, #tpu.memory_space<vmem>>, vector<16xf32>,
        %add3A_900 = arith.constant 480 : i32
        %add3A_901 = arith.addi %mul3A_378, %add3A_900 : i32
        %swap3A_902 = arith.index_cast %add3A_901 : i32 to index
        %swap3A_903 = tpu.vector_load %arg15[%swap3A_902] {strides = array<i32>} : memref<16528xf32, #tpu.memory_space<vmem>>, vector<16xf32>,
        %swap3A_904 = vector.shape_cast %swap3A_903 : vector<16xf32> to vector<16xf32>
        %swap3A_905 = vector.shape_cast %add3A_893 : vector<16xf32> to vector<16xf32>
        tpu.vector_store %arg15[%swap3A_902], %swap3A_905 {strides = array<i32>} : memref<16528xf32, #tpu.memory_space<vmem>>, vector<16xf32>,
        %get3A_906 = arith.index_cast %scan3A_376 : i32 to index
        %get3A_907 = arith.constant 496 : index
        %get3A_908 = tpu.vector_load %arg9[%get3A_906, %get3A_907] {strides = array<i32>} : memref<32x640xf32, #tpu.memory_space<vmem>>, vector<1x16xf32>,
        %get3A_909 = vector.shape_cast %get3A_908 : vector<1x16xf32> to vector<16xf32>
        %add3A_910 = arith.addf %get3A_909, %get3A_348 : vector<16xf32>
        %add3A_911 = arith.constant 496 : i32
        %add3A_912 = arith.addi %mul3A_378, %add3A_911 : i32
        %swap3A_913 = arith.index_cast %add3A_912 : i32 to index
        %swap3A_914 = tpu.vector_load %arg13[%swap3A_913] {strides = array<i32>} : memref<16528xf32, #tpu.memory_space<vmem>>, vector<16xf32>,
        %swap3A_915 = vector.shape_cast %swap3A_914 : vector<16xf32> to vector<16xf32>
        %swap3A_916 = vector.shape_cast %add3A_910 : vector<16xf32> to vector<16xf32>
        tpu.vector_store %arg13[%swap3A_913], %swap3A_916 {strides = array<i32>} : memref<16528xf32, #tpu.memory_space<vmem>>, vector<16xf32>,
        %add3A_917 = arith.constant 496 : i32
        %add3A_918 = arith.addi %mul3A_378, %add3A_917 : i32
        %swap3A_919 = arith.index_cast %add3A_918 : i32 to index
        %swap3A_920 = tpu.vector_load %arg15[%swap3A_919] {strides = array<i32>} : memref<16528xf32, #tpu.memory_space<vmem>>, vector<16xf32>,
        %swap3A_921 = vector.shape_cast %swap3A_920 : vector<16xf32> to vector<16xf32>
        %swap3A_922 = vector.shape_cast %add3A_910 : vector<16xf32> to vector<16xf32>
        tpu.vector_store %arg15[%swap3A_919], %swap3A_922 {strides = array<i32>} : memref<16528xf32, #tpu.memory_space<vmem>>, vector<16xf32>,
        %get3A_923 = arith.index_cast %scan3A_376 : i32 to index
        %get3A_924 = arith.constant 512 : index
        %get3A_925 = tpu.vector_load %arg9[%get3A_923, %get3A_924] {strides = array<i32>} : memref<32x640xf32, #tpu.memory_space<vmem>>, vector<1x16xf32>,
        %get3A_926 = vector.shape_cast %get3A_925 : vector<1x16xf32> to vector<16xf32>
        %add3A_927 = arith.addf %get3A_926, %get3A_351 : vector<16xf32>
        %add3A_928 = arith.constant 512 : i32
        %add3A_929 = arith.addi %mul3A_378, %add3A_928 : i32
        %swap3A_930 = arith.index_cast %add3A_929 : i32 to index
        %swap3A_931 = tpu.vector_load %arg13[%swap3A_930] {strides = array<i32>} : memref<16528xf32, #tpu.memory_space<vmem>>, vector<16xf32>,
        %swap3A_932 = vector.shape_cast %swap3A_931 : vector<16xf32> to vector<16xf32>
        %swap3A_933 = vector.shape_cast %add3A_927 : vector<16xf32> to vector<16xf32>
        tpu.vector_store %arg13[%swap3A_930], %swap3A_933 {strides = array<i32>} : memref<16528xf32, #tpu.memory_space<vmem>>, vector<16xf32>,
        %add3A_934 = arith.constant 512 : i32
        %add3A_935 = arith.addi %mul3A_378, %add3A_934 : i32
        %swap3A_936 = arith.index_cast %add3A_935 : i32 to index
        %swap3A_937 = tpu.vector_load %arg15[%swap3A_936] {strides = array<i32>} : memref<16528xf32, #tpu.memory_space<vmem>>, vector<16xf32>,
        %swap3A_938 = vector.shape_cast %swap3A_937 : vector<16xf32> to vector<16xf32>
        %swap3A_939 = vector.shape_cast %add3A_927 : vector<16xf32> to vector<16xf32>
        tpu.vector_store %arg15[%swap3A_936], %swap3A_939 {strides = array<i32>} : memref<16528xf32, #tpu.memory_space<vmem>>, vector<16xf32>,
      }
      %scan3A_357 = arith.constant 32 : i32
      %mul3A_358 = arith.constant 516 : i32
      %mul3A_359 = arith.muli %add3A_213, %mul3A_358 : i32
      %dma_start3A_360 = arith.constant 0 : i32
      %dma_start3A_361 = tpu.memref_slice %arg13[%dma_start3A_360] : memref<16528xf32, #tpu.memory_space<vmem>> -> memref<16512xf32, #tpu.memory_space<vmem>>
      %dma_start3A_362 = tpu.memref_slice %arg5[%mul3A_359] : memref<135266304xf32, #tpu.memory_space<hbm>> -> memref<16512xf32, #tpu.memory_space<hbm>>
      %dma_start3A_363 = tpu.memref_slice %arg5[%mul3A_359] : memref<135266304xf32, #tpu.memory_space<hbm>> -> memref<16512xf32, #tpu.memory_space<hbm>>
      %dma_start3A_364 = arith.constant 0 : i32
      %dma_start3A_365 = tpu.memref_slice %arg13[%dma_start3A_364] : memref<16528xf32, #tpu.memory_space<vmem>> -> memref<16512xf32, #tpu.memory_space<vmem>>
      tpu.enqueue_dma source(%dma_start3A_365 : memref<16512xf32, #tpu.memory_space<vmem>>) target(%dma_start3A_363 : memref<16512xf32, #tpu.memory_space<hbm>>) target_semaphore(%arg19 : memref<!tpu.dma_semaphore, #tpu.memory_space<semaphore_mem>>)
      %add3A_366 = arith.constant 131072 : i32
      %add3A_367 = arith.addi %add3A_366, %add3A_213 : i32
      %mul3A_368 = arith.constant 516 : i32
      %mul3A_369 = arith.muli %add3A_367, %mul3A_368 : i32
      %dma_start3A_370 = arith.constant 0 : i32
      %dma_start3A_371 = tpu.memref_slice %arg15[%dma_start3A_370] : memref<16528xf32, #tpu.memory_space<vmem>> -> memref<16512xf32, #tpu.memory_space<vmem>>
      %dma_start3A_372 = tpu.memref_slice %arg5[%mul3A_369] : memref<135266304xf32, #tpu.memory_space<hbm>> -> memref<16512xf32, #tpu.memory_space<hbm>>
      %dma_start3A_373 = tpu.memref_slice %arg5[%mul3A_369] : memref<135266304xf32, #tpu.memory_space<hbm>> -> memref<16512xf32, #tpu.memory_space<hbm>>
      %dma_start3A_374 = arith.constant 0 : i32
      %dma_start3A_375 = tpu.memref_slice %arg15[%dma_start3A_374] : memref<16528xf32, #tpu.memory_space<vmem>> -> memref<16512xf32, #tpu.memory_space<vmem>>
      tpu.enqueue_dma source(%dma_start3A_375 : memref<16512xf32, #tpu.memory_space<vmem>>) target(%dma_start3A_373 : memref<16512xf32, #tpu.memory_space<hbm>>) target_semaphore(%arg19 : memref<!tpu.dma_semaphore, #tpu.memory_space<semaphore_mem>>)
    }
    %scan3A_15 = arith.constant 64 : i32
    %dma_wait3A = arith.constant 0 : i32
    %dma_wait3A_16 = tpu.memref_slice %arg12[%dma_wait3A] : memref<16528xf32, #tpu.memory_space<vmem>> -> memref<16512xf32, #tpu.memory_space<vmem>>
    %dma_wait3A_17 = arith.constant 0 : i32
    %dma_wait3A_18 = tpu.memref_slice %arg5[%dma_wait3A_17] : memref<135266304xf32, #tpu.memory_space<hbm>> -> memref<16512xf32, #tpu.memory_space<hbm>>
    %dma_wait3A_19 = arith.constant 0 : i32
    %dma_wait3A_20 = tpu.memref_slice %arg5[%dma_wait3A_19] : memref<135266304xf32, #tpu.memory_space<hbm>> -> memref<16512xf32, #tpu.memory_space<hbm>>
    %dma_wait3A_21 = arith.constant 0 : i32
    %dma_wait3A_22 = tpu.memref_slice %arg12[%dma_wait3A_21] : memref<16528xf32, #tpu.memory_space<vmem>> -> memref<16512xf32, #tpu.memory_space<vmem>>
    tpu.wait_dma2 semaphore(%arg18 : memref<!tpu.dma_semaphore, #tpu.memory_space<semaphore_mem>>) src(%dma_wait3A_22 : memref<16512xf32, #tpu.memory_space<vmem>>) dst(%dma_wait3A_20 : memref<16512xf32, #tpu.memory_space<hbm>>)
    %dma_wait3A_23 = arith.constant 0 : i32
    %dma_wait3A_24 = tpu.memref_slice %arg12[%dma_wait3A_23] : memref<16528xf32, #tpu.memory_space<vmem>> -> memref<16512xf32, #tpu.memory_space<vmem>>
    %dma_wait3A_25 = arith.constant 0 : i32
    %dma_wait3A_26 = tpu.memref_slice %arg5[%dma_wait3A_25] : memref<135266304xf32, #tpu.memory_space<hbm>> -> memref<16512xf32, #tpu.memory_space<hbm>>
    %dma_wait3A_27 = arith.constant 0 : i32
    %dma_wait3A_28 = tpu.memref_slice %arg5[%dma_wait3A_27] : memref<135266304xf32, #tpu.memory_space<hbm>> -> memref<16512xf32, #tpu.memory_space<hbm>>
    %dma_wait3A_29 = arith.constant 0 : i32
    %dma_wait3A_30 = tpu.memref_slice %arg12[%dma_wait3A_29] : memref<16528xf32, #tpu.memory_space<vmem>> -> memref<16512xf32, #tpu.memory_space<vmem>>
    tpu.wait_dma2 semaphore(%arg18 : memref<!tpu.dma_semaphore, #tpu.memory_space<semaphore_mem>>) src(%dma_wait3A_30 : memref<16512xf32, #tpu.memory_space<vmem>>) dst(%dma_wait3A_28 : memref<16512xf32, #tpu.memory_space<hbm>>)
    %dma_wait3A_31 = arith.constant 0 : i32
    %dma_wait3A_32 = tpu.memref_slice %arg13[%dma_wait3A_31] : memref<16528xf32, #tpu.memory_space<vmem>> -> memref<16512xf32, #tpu.memory_space<vmem>>
    %dma_wait3A_33 = arith.constant 0 : i32
    %dma_wait3A_34 = tpu.memref_slice %arg5[%dma_wait3A_33] : memref<135266304xf32, #tpu.memory_space<hbm>> -> memref<16512xf32, #tpu.memory_space<hbm>>
    %dma_wait3A_35 = arith.constant 0 : i32
    %dma_wait3A_36 = tpu.memref_slice %arg5[%dma_wait3A_35] : memref<135266304xf32, #tpu.memory_space<hbm>> -> memref<16512xf32, #tpu.memory_space<hbm>>
    %dma_wait3A_37 = arith.constant 0 : i32
    %dma_wait3A_38 = tpu.memref_slice %arg13[%dma_wait3A_37] : memref<16528xf32, #tpu.memory_space<vmem>> -> memref<16512xf32, #tpu.memory_space<vmem>>
    tpu.wait_dma2 semaphore(%arg19 : memref<!tpu.dma_semaphore, #tpu.memory_space<semaphore_mem>>) src(%dma_wait3A_38 : memref<16512xf32, #tpu.memory_space<vmem>>) dst(%dma_wait3A_36 : memref<16512xf32, #tpu.memory_space<hbm>>)
    %dma_wait3A_39 = arith.constant 0 : i32
    %dma_wait3A_40 = tpu.memref_slice %arg13[%dma_wait3A_39] : memref<16528xf32, #tpu.memory_space<vmem>> -> memref<16512xf32, #tpu.memory_space<vmem>>
    %dma_wait3A_41 = arith.constant 0 : i32
    %dma_wait3A_42 = tpu.memref_slice %arg5[%dma_wait3A_41] : memref<135266304xf32, #tpu.memory_space<hbm>> -> memref<16512xf32, #tpu.memory_space<hbm>>
    %dma_wait3A_43 = arith.constant 0 : i32
    %dma_wait3A_44 = tpu.memref_slice %arg5[%dma_wait3A_43] : memref<135266304xf32, #tpu.memory_space<hbm>> -> memref<16512xf32, #tpu.memory_space<hbm>>
    %dma_wait3A_45 = arith.constant 0 : i32
    %dma_wait3A_46 = tpu.memref_slice %arg13[%dma_wait3A_45] : memref<16528xf32, #tpu.memory_space<vmem>> -> memref<16512xf32, #tpu.memory_space<vmem>>
    tpu.wait_dma2 semaphore(%arg19 : memref<!tpu.dma_semaphore, #tpu.memory_space<semaphore_mem>>) src(%dma_wait3A_46 : memref<16512xf32, #tpu.memory_space<vmem>>) dst(%dma_wait3A_44 : memref<16512xf32, #tpu.memory_space<hbm>>)
    return
  }
}

module attributes {stable_mosaic.version = 14 : i64} {
  func.func @_simtopk_body(%arg0: i32, %arg1: i32, %arg2: memref<256x512xf32, #tpu.memory_space<vmem>>, %arg3: memref<2048x512xf32, #tpu.memory_space<vmem>>, %arg4: memref<256x32xi32, #tpu.memory_space<vmem>>, %arg5: memref<8x256x32xf32, #tpu.memory_space<vmem>>, %arg6: memref<8x256x32xi32, #tpu.memory_space<vmem>>) attributes {dimension_semantics = [#tpu.dimension_semantics<arbitrary>, #tpu.dimension_semantics<arbitrary>], iteration_bounds = array<i64: 16, 8>, scalar_prefetch = 0 : i64, scratch_operands = 2 : i64, tpu.core_type = #tpu.core_type<tc>, window_params = [{transform_indices = @transform_0, window_bounds = array<i64: 256, 512>}, {transform_indices = @transform_1, window_bounds = array<i64: 2048, 512>}, {transform_indices = @transform_2, window_bounds = array<i64: 256, 32>}]} {
    %get3A = arith.constant 0 : index
    %get3A_0 = arith.constant 0 : index
    %get3A_1 = vector.load %arg2[%get3A, %get3A_0] : memref<256x512xf32, #tpu.memory_space<vmem>>, vector<256x512xf32>
    %get3A_2 = arith.constant 0 : index
    %get3A_3 = arith.constant 0 : index
    %get3A_4 = vector.load %arg3[%get3A_2, %get3A_3] : memref<2048x512xf32, #tpu.memory_space<vmem>>, vector<2048x512xf32>
    %dot_general3A = arith.constant dense<0.000000e+00> : vector<256x2048xf32>
    %dot_general3A_5 = tpu.matmul %get3A_1, %get3A_4, %dot_general3A {dimension_numbers = #tpu.dot_dimension_numbers<[1], [1], [0], [0], [0, 0, 1, 0], [], []>, transpose_lhs_hint = false} : vector<256x512xf32>, vector<2048x512xf32>, vector<256x2048xf32> -> vector<256x2048xf32>
    %iota3A = tpu.iota {dimensions = array<i32: 1>} : vector<256x2048xi32>
    %iota3A_6 = tpu.iota {dimensions = array<i32: 1>} : vector<256x32xi32>
    %broadcast_in_dim3A = arith.constant 0.000000e+00 : f32
    %broadcast_in_dim3A_7 = vector.broadcast %broadcast_in_dim3A : f32 to vector<256x32xf32>
    %broadcast_in_dim3A_8 = arith.constant 0 : i32
    %broadcast_in_dim3A_9 = vector.broadcast %broadcast_in_dim3A_8 : i32 to vector<256x32xi32>
    %scan3A = arith.constant 0xFF800000 : f32
    %scan3A_10 = arith.constant 0 : i32
    %scan3A_11 = arith.constant 32 : i32
    %scan3A_12 = arith.addi %scan3A_10, %scan3A_11 : i32
    %scan3A_13 = arith.constant 4 : i32
    %scan3A_14:3 = scf.for %scan3A_30 = %scan3A_10 to %scan3A_12 step %scan3A_13 iter_args(%scan3A_31 = %dot_general3A_5, %scan3A_32 = %broadcast_in_dim3A_7, %scan3A_33 = %broadcast_in_dim3A_9) -> (vector<256x2048xf32>, vector<256x32xf32>, vector<256x32xi32>)  : i32 {
      %reduce_max3A = arith.constant dense<0xFF800000> : vector<256xf32>
      %reduce_max3A_34 = vector.multi_reduction <maximumf>, %scan3A_31, %reduce_max3A [1] : vector<256x2048xf32> to vector<256xf32>
      %broadcast_in_dim3A_35 = vector.shape_cast %reduce_max3A_34 : vector<256xf32> to vector<256x1xf32>
      %eq3A_36 = vector.broadcast %broadcast_in_dim3A_35 : vector<256x1xf32> to vector<256x2048xf32>
      %eq3A_37 = arith.cmpf oeq, %scan3A_31, %eq3A_36 : vector<256x2048xf32>
      %jit3A = arith.constant 2048 : i32
      %broadcast_in_dim3A_38 = vector.broadcast %jit3A : i32 to vector<256x2048xi32>
      %select_n3A = arith.select %eq3A_37, %iota3A, %broadcast_in_dim3A_38 : vector<256x2048xi1>, vector<256x2048xi32>
      %reduce_min3A = arith.constant dense<2147483647> : vector<256xi32>
      %reduce_min3A_39 = vector.multi_reduction <minsi>, %select_n3A, %reduce_min3A [1] : vector<256x2048xi32> to vector<256xi32>
      %broadcast_in_dim3A_40 = vector.shape_cast %reduce_min3A_39 : vector<256xi32> to vector<256x1xi32>
      %eq3A_41 = vector.broadcast %scan3A_30 : i32 to vector<256x32xi32>
      %eq3A_42 = arith.cmpi eq, %iota3A_6, %eq3A_41 : vector<256x32xi32>
      %broadcast_in_dim3A_43 = vector.shape_cast %broadcast_in_dim3A_35 : vector<256x1xf32> to vector<256x1xf32>
      %broadcast_in_dim3A_44 = vector.broadcast %broadcast_in_dim3A_43 : vector<256x1xf32> to vector<256x32xf32>
      %select_n3A_45 = arith.select %eq3A_42, %broadcast_in_dim3A_44, %scan3A_32 : vector<256x32xi1>, vector<256x32xf32>
      %mul3A = arith.constant 2048 : i32
      %mul3A_46 = arith.muli %arg1, %mul3A : i32
      %add3A = vector.broadcast %mul3A_46 : i32 to vector<256x1xi32>
      %add3A_47 = arith.addi %broadcast_in_dim3A_40, %add3A : vector<256x1xi32>
      %broadcast_in_dim3A_48 = vector.shape_cast %add3A_47 : vector<256x1xi32> to vector<256x1xi32>
      %broadcast_in_dim3A_49 = vector.broadcast %broadcast_in_dim3A_48 : vector<256x1xi32> to vector<256x32xi32>
      %select_n3A_50 = arith.select %eq3A_42, %broadcast_in_dim3A_49, %scan3A_33 : vector<256x32xi1>, vector<256x32xi32>
      %eq3A_51 = vector.broadcast %broadcast_in_dim3A_40 : vector<256x1xi32> to vector<256x2048xi32>
      %eq3A_52 = arith.cmpi eq, %iota3A, %eq3A_51 : vector<256x2048xi32>
      %broadcast_in_dim3A_53 = vector.broadcast %scan3A : f32 to vector<256x2048xf32>
      %select_n3A_54 = arith.select %eq3A_52, %broadcast_in_dim3A_53, %scan3A_31 : vector<256x2048xi1>, vector<256x2048xf32>
      %scan3A_55 = arith.constant 1 : i32
      %scan3A_56 = arith.addi %scan3A_30, %scan3A_55 : i32
      %reduce_max3A_57 = arith.constant dense<0xFF800000> : vector<256xf32>
      %reduce_max3A_58 = vector.multi_reduction <maximumf>, %select_n3A_54, %reduce_max3A_57 [1] : vector<256x2048xf32> to vector<256xf32>
      %broadcast_in_dim3A_59 = vector.shape_cast %reduce_max3A_58 : vector<256xf32> to vector<256x1xf32>
      %eq3A_60 = vector.broadcast %broadcast_in_dim3A_59 : vector<256x1xf32> to vector<256x2048xf32>
      %eq3A_61 = arith.cmpf oeq, %select_n3A_54, %eq3A_60 : vector<256x2048xf32>
      %jit3A_62 = arith.constant 2048 : i32
      %broadcast_in_dim3A_63 = vector.broadcast %jit3A_62 : i32 to vector<256x2048xi32>
      %select_n3A_64 = arith.select %eq3A_61, %iota3A, %broadcast_in_dim3A_63 : vector<256x2048xi1>, vector<256x2048xi32>
      %reduce_min3A_65 = arith.constant dense<2147483647> : vector<256xi32>
      %reduce_min3A_66 = vector.multi_reduction <minsi>, %select_n3A_64, %reduce_min3A_65 [1] : vector<256x2048xi32> to vector<256xi32>
      %broadcast_in_dim3A_67 = vector.shape_cast %reduce_min3A_66 : vector<256xi32> to vector<256x1xi32>
      %eq3A_68 = vector.broadcast %scan3A_56 : i32 to vector<256x32xi32>
      %eq3A_69 = arith.cmpi eq, %iota3A_6, %eq3A_68 : vector<256x32xi32>
      %broadcast_in_dim3A_70 = vector.shape_cast %broadcast_in_dim3A_59 : vector<256x1xf32> to vector<256x1xf32>
      %broadcast_in_dim3A_71 = vector.broadcast %broadcast_in_dim3A_70 : vector<256x1xf32> to vector<256x32xf32>
      %select_n3A_72 = arith.select %eq3A_69, %broadcast_in_dim3A_71, %select_n3A_45 : vector<256x32xi1>, vector<256x32xf32>
      %mul3A_73 = arith.constant 2048 : i32
      %mul3A_74 = arith.muli %arg1, %mul3A_73 : i32
      %add3A_75 = vector.broadcast %mul3A_74 : i32 to vector<256x1xi32>
      %add3A_76 = arith.addi %broadcast_in_dim3A_67, %add3A_75 : vector<256x1xi32>
      %broadcast_in_dim3A_77 = vector.shape_cast %add3A_76 : vector<256x1xi32> to vector<256x1xi32>
      %broadcast_in_dim3A_78 = vector.broadcast %broadcast_in_dim3A_77 : vector<256x1xi32> to vector<256x32xi32>
      %select_n3A_79 = arith.select %eq3A_69, %broadcast_in_dim3A_78, %select_n3A_50 : vector<256x32xi1>, vector<256x32xi32>
      %eq3A_80 = vector.broadcast %broadcast_in_dim3A_67 : vector<256x1xi32> to vector<256x2048xi32>
      %eq3A_81 = arith.cmpi eq, %iota3A, %eq3A_80 : vector<256x2048xi32>
      %broadcast_in_dim3A_82 = vector.broadcast %scan3A : f32 to vector<256x2048xf32>
      %select_n3A_83 = arith.select %eq3A_81, %broadcast_in_dim3A_82, %select_n3A_54 : vector<256x2048xi1>, vector<256x2048xf32>
      %scan3A_84 = arith.constant 2 : i32
      %scan3A_85 = arith.addi %scan3A_30, %scan3A_84 : i32
      %reduce_max3A_86 = arith.constant dense<0xFF800000> : vector<256xf32>
      %reduce_max3A_87 = vector.multi_reduction <maximumf>, %select_n3A_83, %reduce_max3A_86 [1] : vector<256x2048xf32> to vector<256xf32>
      %broadcast_in_dim3A_88 = vector.shape_cast %reduce_max3A_87 : vector<256xf32> to vector<256x1xf32>
      %eq3A_89 = vector.broadcast %broadcast_in_dim3A_88 : vector<256x1xf32> to vector<256x2048xf32>
      %eq3A_90 = arith.cmpf oeq, %select_n3A_83, %eq3A_89 : vector<256x2048xf32>
      %jit3A_91 = arith.constant 2048 : i32
      %broadcast_in_dim3A_92 = vector.broadcast %jit3A_91 : i32 to vector<256x2048xi32>
      %select_n3A_93 = arith.select %eq3A_90, %iota3A, %broadcast_in_dim3A_92 : vector<256x2048xi1>, vector<256x2048xi32>
      %reduce_min3A_94 = arith.constant dense<2147483647> : vector<256xi32>
      %reduce_min3A_95 = vector.multi_reduction <minsi>, %select_n3A_93, %reduce_min3A_94 [1] : vector<256x2048xi32> to vector<256xi32>
      %broadcast_in_dim3A_96 = vector.shape_cast %reduce_min3A_95 : vector<256xi32> to vector<256x1xi32>
      %eq3A_97 = vector.broadcast %scan3A_85 : i32 to vector<256x32xi32>
      %eq3A_98 = arith.cmpi eq, %iota3A_6, %eq3A_97 : vector<256x32xi32>
      %broadcast_in_dim3A_99 = vector.shape_cast %broadcast_in_dim3A_88 : vector<256x1xf32> to vector<256x1xf32>
      %broadcast_in_dim3A_100 = vector.broadcast %broadcast_in_dim3A_99 : vector<256x1xf32> to vector<256x32xf32>
      %select_n3A_101 = arith.select %eq3A_98, %broadcast_in_dim3A_100, %select_n3A_72 : vector<256x32xi1>, vector<256x32xf32>
      %mul3A_102 = arith.constant 2048 : i32
      %mul3A_103 = arith.muli %arg1, %mul3A_102 : i32
      %add3A_104 = vector.broadcast %mul3A_103 : i32 to vector<256x1xi32>
      %add3A_105 = arith.addi %broadcast_in_dim3A_96, %add3A_104 : vector<256x1xi32>
      %broadcast_in_dim3A_106 = vector.shape_cast %add3A_105 : vector<256x1xi32> to vector<256x1xi32>
      %broadcast_in_dim3A_107 = vector.broadcast %broadcast_in_dim3A_106 : vector<256x1xi32> to vector<256x32xi32>
      %select_n3A_108 = arith.select %eq3A_98, %broadcast_in_dim3A_107, %select_n3A_79 : vector<256x32xi1>, vector<256x32xi32>
      %eq3A_109 = vector.broadcast %broadcast_in_dim3A_96 : vector<256x1xi32> to vector<256x2048xi32>
      %eq3A_110 = arith.cmpi eq, %iota3A, %eq3A_109 : vector<256x2048xi32>
      %broadcast_in_dim3A_111 = vector.broadcast %scan3A : f32 to vector<256x2048xf32>
      %select_n3A_112 = arith.select %eq3A_110, %broadcast_in_dim3A_111, %select_n3A_83 : vector<256x2048xi1>, vector<256x2048xf32>
      %scan3A_113 = arith.constant 3 : i32
      %scan3A_114 = arith.addi %scan3A_30, %scan3A_113 : i32
      %reduce_max3A_115 = arith.constant dense<0xFF800000> : vector<256xf32>
      %reduce_max3A_116 = vector.multi_reduction <maximumf>, %select_n3A_112, %reduce_max3A_115 [1] : vector<256x2048xf32> to vector<256xf32>
      %broadcast_in_dim3A_117 = vector.shape_cast %reduce_max3A_116 : vector<256xf32> to vector<256x1xf32>
      %eq3A_118 = vector.broadcast %broadcast_in_dim3A_117 : vector<256x1xf32> to vector<256x2048xf32>
      %eq3A_119 = arith.cmpf oeq, %select_n3A_112, %eq3A_118 : vector<256x2048xf32>
      %jit3A_120 = arith.constant 2048 : i32
      %broadcast_in_dim3A_121 = vector.broadcast %jit3A_120 : i32 to vector<256x2048xi32>
      %select_n3A_122 = arith.select %eq3A_119, %iota3A, %broadcast_in_dim3A_121 : vector<256x2048xi1>, vector<256x2048xi32>
      %reduce_min3A_123 = arith.constant dense<2147483647> : vector<256xi32>
      %reduce_min3A_124 = vector.multi_reduction <minsi>, %select_n3A_122, %reduce_min3A_123 [1] : vector<256x2048xi32> to vector<256xi32>
      %broadcast_in_dim3A_125 = vector.shape_cast %reduce_min3A_124 : vector<256xi32> to vector<256x1xi32>
      %eq3A_126 = vector.broadcast %scan3A_114 : i32 to vector<256x32xi32>
      %eq3A_127 = arith.cmpi eq, %iota3A_6, %eq3A_126 : vector<256x32xi32>
      %broadcast_in_dim3A_128 = vector.shape_cast %broadcast_in_dim3A_117 : vector<256x1xf32> to vector<256x1xf32>
      %broadcast_in_dim3A_129 = vector.broadcast %broadcast_in_dim3A_128 : vector<256x1xf32> to vector<256x32xf32>
      %select_n3A_130 = arith.select %eq3A_127, %broadcast_in_dim3A_129, %select_n3A_101 : vector<256x32xi1>, vector<256x32xf32>
      %mul3A_131 = arith.constant 2048 : i32
      %mul3A_132 = arith.muli %arg1, %mul3A_131 : i32
      %add3A_133 = vector.broadcast %mul3A_132 : i32 to vector<256x1xi32>
      %add3A_134 = arith.addi %broadcast_in_dim3A_125, %add3A_133 : vector<256x1xi32>
      %broadcast_in_dim3A_135 = vector.shape_cast %add3A_134 : vector<256x1xi32> to vector<256x1xi32>
      %broadcast_in_dim3A_136 = vector.broadcast %broadcast_in_dim3A_135 : vector<256x1xi32> to vector<256x32xi32>
      %select_n3A_137 = arith.select %eq3A_127, %broadcast_in_dim3A_136, %select_n3A_108 : vector<256x32xi1>, vector<256x32xi32>
      %eq3A_138 = vector.broadcast %broadcast_in_dim3A_125 : vector<256x1xi32> to vector<256x2048xi32>
      %eq3A_139 = arith.cmpi eq, %iota3A, %eq3A_138 : vector<256x2048xi32>
      %broadcast_in_dim3A_140 = vector.broadcast %scan3A : f32 to vector<256x2048xf32>
      %select_n3A_141 = arith.select %eq3A_139, %broadcast_in_dim3A_140, %select_n3A_112 : vector<256x2048xi1>, vector<256x2048xf32>
      scf.yield %select_n3A_141, %select_n3A_130, %select_n3A_137 : vector<256x2048xf32>, vector<256x32xf32>, vector<256x32xi32>
    }
    %scan3A_15 = arith.constant 32 : i32
    %swap3A = arith.index_cast %arg1 : i32 to index
    %swap3A_16 = arith.constant 0 : index
    %swap3A_17 = arith.constant 0 : index
    %swap3A_18 = vector.load %arg5[%swap3A, %swap3A_16, %swap3A_17] : memref<8x256x32xf32, #tpu.memory_space<vmem>>, vector<1x256x32xf32>
    %swap3A_19 = vector.shape_cast %swap3A_18 : vector<1x256x32xf32> to vector<256x32xf32>
    %swap3A_20 = vector.shape_cast %scan3A_14#1 : vector<256x32xf32> to vector<1x256x32xf32>
    tpu.vector_store %arg5[%swap3A, %swap3A_16, %swap3A_17], %swap3A_20 {strides = array<i32>} : memref<8x256x32xf32, #tpu.memory_space<vmem>>, vector<1x256x32xf32>,
    %swap3A_21 = arith.index_cast %arg1 : i32 to index
    %swap3A_22 = arith.constant 0 : index
    %swap3A_23 = arith.constant 0 : index
    %swap3A_24 = vector.load %arg6[%swap3A_21, %swap3A_22, %swap3A_23] : memref<8x256x32xi32, #tpu.memory_space<vmem>>, vector<1x256x32xi32>
    %swap3A_25 = vector.shape_cast %swap3A_24 : vector<1x256x32xi32> to vector<256x32xi32>
    %swap3A_26 = vector.shape_cast %scan3A_14#2 : vector<256x32xi32> to vector<1x256x32xi32>
    tpu.vector_store %arg6[%swap3A_21, %swap3A_22, %swap3A_23], %swap3A_26 {strides = array<i32>} : memref<8x256x32xi32, #tpu.memory_space<vmem>>, vector<1x256x32xi32>,
    %eq3A = arith.constant 7 : i32
    %eq3A_27 = arith.cmpi eq, %arg1, %eq3A : i32
    %convert_element_type3A = arith.extui %eq3A_27 : i1 to i32
    %cond3A = arith.constant 0xFF800000 : f32
    %cond3A_28 = arith.constant 0 : i32
    %cond3A_29 = arith.cmpi ne, %convert_element_type3A, %cond3A_28 : i32
    scf.if %cond3A_29 {
      %get3A_30 = arith.constant 0 : index
      %get3A_31 = arith.constant 0 : index
      %get3A_32 = arith.constant 0 : index
      %get3A_33 = vector.load %arg5[%get3A_30, %get3A_31, %get3A_32] : memref<8x256x32xf32, #tpu.memory_space<vmem>>, vector<8x256x32xf32>
      %get3A_34 = arith.constant 0 : index
      %get3A_35 = arith.constant 0 : index
      %get3A_36 = arith.constant 0 : index
      %get3A_37 = vector.load %arg6[%get3A_34, %get3A_35, %get3A_36] : memref<8x256x32xi32, #tpu.memory_space<vmem>>, vector<8x256x32xi32>
      %iota3A_38 = tpu.iota {dimensions = array<i32: 0>} : vector<8x256x32xi32>
      %mul3A = arith.constant 32 : i32
      %mul3A_39 = vector.broadcast %mul3A : i32 to vector<8x256x32xi32>
      %mul3A_40 = arith.muli %iota3A_38, %mul3A_39 : vector<8x256x32xi32>
      %iota3A_41 = tpu.iota {dimensions = array<i32: 2>} : vector<8x256x32xi32>
      %add3A = arith.addi %mul3A_40, %iota3A_41 : vector<8x256x32xi32>
      %broadcast_in_dim3A_42 = arith.constant 0 : i32
      %broadcast_in_dim3A_43 = vector.broadcast %broadcast_in_dim3A_42 : i32 to vector<256x32xi32>
      %scan3A_44 = arith.constant 1073741824 : i32
      %scan3A_45 = arith.constant 0 : i32
      %scan3A_46 = arith.constant 32 : i32
      %scan3A_47 = arith.addi %scan3A_45, %scan3A_46 : i32
      %scan3A_48 = arith.constant 4 : i32
      %scan3A_49:2 = scf.for %scan3A_54 = %scan3A_45 to %scan3A_47 step %scan3A_48 iter_args(%scan3A_55 = %get3A_33, %scan3A_56 = %broadcast_in_dim3A_43) -> (vector<8x256x32xf32>, vector<256x32xi32>)  : i32 {
        %reduce_max3A = arith.constant dense<0xFF800000> : vector<256x32xf32>
        %reduce_max3A_57 = vector.multi_reduction <maximumf>, %scan3A_55, %reduce_max3A [0] : vector<8x256x32xf32> to vector<256x32xf32>
        %reduce_max3A_58 = arith.constant dense<0xFF800000> : vector<256xf32>
        %reduce_max3A_59 = vector.multi_reduction <maximumf>, %reduce_max3A_57, %reduce_max3A_58 [1] : vector<256x32xf32> to vector<256xf32>
        %broadcast_in_dim3A_60 = vector.shape_cast %reduce_max3A_59 : vector<256xf32> to vector<1x256x1xf32>
        %eq3A_61 = vector.broadcast %broadcast_in_dim3A_60 : vector<1x256x1xf32> to vector<8x256x32xf32>
        %eq3A_62 = arith.cmpf oeq, %scan3A_55, %eq3A_61 : vector<8x256x32xf32>
        %jit3A = arith.constant 256 : i32
        %broadcast_in_dim3A_63 = vector.broadcast %jit3A : i32 to vector<8x256x32xi32>
        %select_n3A = arith.select %eq3A_62, %add3A, %broadcast_in_dim3A_63 : vector<8x256x32xi1>, vector<8x256x32xi32>
        %reduce_min3A = arith.constant dense<2147483647> : vector<256x32xi32>
        %reduce_min3A_64 = vector.multi_reduction <minsi>, %select_n3A, %reduce_min3A [0] : vector<8x256x32xi32> to vector<256x32xi32>
        %reduce_min3A_65 = arith.constant dense<2147483647> : vector<256xi32>
        %reduce_min3A_66 = vector.multi_reduction <minsi>, %reduce_min3A_64, %reduce_min3A_65 [1] : vector<256x32xi32> to vector<256xi32>
        %broadcast_in_dim3A_67 = vector.shape_cast %reduce_min3A_66 : vector<256xi32> to vector<1x256x1xi32>
        %eq3A_68 = vector.broadcast %broadcast_in_dim3A_67 : vector<1x256x1xi32> to vector<8x256x32xi32>
        %eq3A_69 = arith.cmpi eq, %add3A, %eq3A_68 : vector<8x256x32xi32>
        %broadcast_in_dim3A_70 = vector.broadcast %scan3A_44 : i32 to vector<8x256x32xi32>
        %select_n3A_71 = arith.select %eq3A_69, %get3A_37, %broadcast_in_dim3A_70 : vector<8x256x32xi1>, vector<8x256x32xi32>
        %reduce_min3A_72 = arith.constant dense<2147483647> : vector<256x32xi32>
        %reduce_min3A_73 = vector.multi_reduction <minsi>, %select_n3A_71, %reduce_min3A_72 [0] : vector<8x256x32xi32> to vector<256x32xi32>
        %reduce_min3A_74 = arith.constant dense<2147483647> : vector<256xi32>
        %reduce_min3A_75 = vector.multi_reduction <minsi>, %reduce_min3A_73, %reduce_min3A_74 [1] : vector<256x32xi32> to vector<256xi32>
        %eq3A_76 = vector.broadcast %scan3A_54 : i32 to vector<256x32xi32>
        %eq3A_77 = arith.cmpi eq, %iota3A_6, %eq3A_76 : vector<256x32xi32>
        %broadcast_in_dim3A_78 = vector.shape_cast %reduce_min3A_75 : vector<256xi32> to vector<256x1xi32>
        %broadcast_in_dim3A_79 = vector.shape_cast %broadcast_in_dim3A_78 : vector<256x1xi32> to vector<256x1xi32>
        %broadcast_in_dim3A_80 = vector.broadcast %broadcast_in_dim3A_79 : vector<256x1xi32> to vector<256x32xi32>
        %select_n3A_81 = arith.select %eq3A_77, %broadcast_in_dim3A_80, %scan3A_56 : vector<256x32xi1>, vector<256x32xi32>
        %broadcast_in_dim3A_82 = vector.broadcast %cond3A : f32 to vector<8x256x32xf32>
        %select_n3A_83 = arith.select %eq3A_69, %broadcast_in_dim3A_82, %scan3A_55 : vector<8x256x32xi1>, vector<8x256x32xf32>
        %scan3A_84 = arith.constant 1 : i32
        %scan3A_85 = arith.addi %scan3A_54, %scan3A_84 : i32
        %reduce_max3A_86 = arith.constant dense<0xFF800000> : vector<256x32xf32>
        %reduce_max3A_87 = vector.multi_reduction <maximumf>, %select_n3A_83, %reduce_max3A_86 [0] : vector<8x256x32xf32> to vector<256x32xf32>
        %reduce_max3A_88 = arith.constant dense<0xFF800000> : vector<256xf32>
        %reduce_max3A_89 = vector.multi_reduction <maximumf>, %reduce_max3A_87, %reduce_max3A_88 [1] : vector<256x32xf32> to vector<256xf32>
        %broadcast_in_dim3A_90 = vector.shape_cast %reduce_max3A_89 : vector<256xf32> to vector<1x256x1xf32>
        %eq3A_91 = vector.broadcast %broadcast_in_dim3A_90 : vector<1x256x1xf32> to vector<8x256x32xf32>
        %eq3A_92 = arith.cmpf oeq, %select_n3A_83, %eq3A_91 : vector<8x256x32xf32>
        %jit3A_93 = arith.constant 256 : i32
        %broadcast_in_dim3A_94 = vector.broadcast %jit3A_93 : i32 to vector<8x256x32xi32>
        %select_n3A_95 = arith.select %eq3A_92, %add3A, %broadcast_in_dim3A_94 : vector<8x256x32xi1>, vector<8x256x32xi32>
        %reduce_min3A_96 = arith.constant dense<2147483647> : vector<256x32xi32>
        %reduce_min3A_97 = vector.multi_reduction <minsi>, %select_n3A_95, %reduce_min3A_96 [0] : vector<8x256x32xi32> to vector<256x32xi32>
        %reduce_min3A_98 = arith.constant dense<2147483647> : vector<256xi32>
        %reduce_min3A_99 = vector.multi_reduction <minsi>, %reduce_min3A_97, %reduce_min3A_98 [1] : vector<256x32xi32> to vector<256xi32>
        %broadcast_in_dim3A_100 = vector.shape_cast %reduce_min3A_99 : vector<256xi32> to vector<1x256x1xi32>
        %eq3A_101 = vector.broadcast %broadcast_in_dim3A_100 : vector<1x256x1xi32> to vector<8x256x32xi32>
        %eq3A_102 = arith.cmpi eq, %add3A, %eq3A_101 : vector<8x256x32xi32>
        %broadcast_in_dim3A_103 = vector.broadcast %scan3A_44 : i32 to vector<8x256x32xi32>
        %select_n3A_104 = arith.select %eq3A_102, %get3A_37, %broadcast_in_dim3A_103 : vector<8x256x32xi1>, vector<8x256x32xi32>
        %reduce_min3A_105 = arith.constant dense<2147483647> : vector<256x32xi32>
        %reduce_min3A_106 = vector.multi_reduction <minsi>, %select_n3A_104, %reduce_min3A_105 [0] : vector<8x256x32xi32> to vector<256x32xi32>
        %reduce_min3A_107 = arith.constant dense<2147483647> : vector<256xi32>
        %reduce_min3A_108 = vector.multi_reduction <minsi>, %reduce_min3A_106, %reduce_min3A_107 [1] : vector<256x32xi32> to vector<256xi32>
        %eq3A_109 = vector.broadcast %scan3A_85 : i32 to vector<256x32xi32>
        %eq3A_110 = arith.cmpi eq, %iota3A_6, %eq3A_109 : vector<256x32xi32>
        %broadcast_in_dim3A_111 = vector.shape_cast %reduce_min3A_108 : vector<256xi32> to vector<256x1xi32>
        %broadcast_in_dim3A_112 = vector.shape_cast %broadcast_in_dim3A_111 : vector<256x1xi32> to vector<256x1xi32>
        %broadcast_in_dim3A_113 = vector.broadcast %broadcast_in_dim3A_112 : vector<256x1xi32> to vector<256x32xi32>
        %select_n3A_114 = arith.select %eq3A_110, %broadcast_in_dim3A_113, %select_n3A_81 : vector<256x32xi1>, vector<256x32xi32>
        %broadcast_in_dim3A_115 = vector.broadcast %cond3A : f32 to vector<8x256x32xf32>
        %select_n3A_116 = arith.select %eq3A_102, %broadcast_in_dim3A_115, %select_n3A_83 : vector<8x256x32xi1>, vector<8x256x32xf32>
        %scan3A_117 = arith.constant 2 : i32
        %scan3A_118 = arith.addi %scan3A_54, %scan3A_117 : i32
        %reduce_max3A_119 = arith.constant dense<0xFF800000> : vector<256x32xf32>
        %reduce_max3A_120 = vector.multi_reduction <maximumf>, %select_n3A_116, %reduce_max3A_119 [0] : vector<8x256x32xf32> to vector<256x32xf32>
        %reduce_max3A_121 = arith.constant dense<0xFF800000> : vector<256xf32>
        %reduce_max3A_122 = vector.multi_reduction <maximumf>, %reduce_max3A_120, %reduce_max3A_121 [1] : vector<256x32xf32> to vector<256xf32>
        %broadcast_in_dim3A_123 = vector.shape_cast %reduce_max3A_122 : vector<256xf32> to vector<1x256x1xf32>
        %eq3A_124 = vector.broadcast %broadcast_in_dim3A_123 : vector<1x256x1xf32> to vector<8x256x32xf32>
        %eq3A_125 = arith.cmpf oeq, %select_n3A_116, %eq3A_124 : vector<8x256x32xf32>
        %jit3A_126 = arith.constant 256 : i32
        %broadcast_in_dim3A_127 = vector.broadcast %jit3A_126 : i32 to vector<8x256x32xi32>
        %select_n3A_128 = arith.select %eq3A_125, %add3A, %broadcast_in_dim3A_127 : vector<8x256x32xi1>, vector<8x256x32xi32>
        %reduce_min3A_129 = arith.constant dense<2147483647> : vector<256x32xi32>
        %reduce_min3A_130 = vector.multi_reduction <minsi>, %select_n3A_128, %reduce_min3A_129 [0] : vector<8x256x32xi32> to vector<256x32xi32>
        %reduce_min3A_131 = arith.constant dense<2147483647> : vector<256xi32>
        %reduce_min3A_132 = vector.multi_reduction <minsi>, %reduce_min3A_130, %reduce_min3A_131 [1] : vector<256x32xi32> to vector<256xi32>
        %broadcast_in_dim3A_133 = vector.shape_cast %reduce_min3A_132 : vector<256xi32> to vector<1x256x1xi32>
        %eq3A_134 = vector.broadcast %broadcast_in_dim3A_133 : vector<1x256x1xi32> to vector<8x256x32xi32>
        %eq3A_135 = arith.cmpi eq, %add3A, %eq3A_134 : vector<8x256x32xi32>
        %broadcast_in_dim3A_136 = vector.broadcast %scan3A_44 : i32 to vector<8x256x32xi32>
        %select_n3A_137 = arith.select %eq3A_135, %get3A_37, %broadcast_in_dim3A_136 : vector<8x256x32xi1>, vector<8x256x32xi32>
        %reduce_min3A_138 = arith.constant dense<2147483647> : vector<256x32xi32>
        %reduce_min3A_139 = vector.multi_reduction <minsi>, %select_n3A_137, %reduce_min3A_138 [0] : vector<8x256x32xi32> to vector<256x32xi32>
        %reduce_min3A_140 = arith.constant dense<2147483647> : vector<256xi32>
        %reduce_min3A_141 = vector.multi_reduction <minsi>, %reduce_min3A_139, %reduce_min3A_140 [1] : vector<256x32xi32> to vector<256xi32>
        %eq3A_142 = vector.broadcast %scan3A_118 : i32 to vector<256x32xi32>
        %eq3A_143 = arith.cmpi eq, %iota3A_6, %eq3A_142 : vector<256x32xi32>
        %broadcast_in_dim3A_144 = vector.shape_cast %reduce_min3A_141 : vector<256xi32> to vector<256x1xi32>
        %broadcast_in_dim3A_145 = vector.shape_cast %broadcast_in_dim3A_144 : vector<256x1xi32> to vector<256x1xi32>
        %broadcast_in_dim3A_146 = vector.broadcast %broadcast_in_dim3A_145 : vector<256x1xi32> to vector<256x32xi32>
        %select_n3A_147 = arith.select %eq3A_143, %broadcast_in_dim3A_146, %select_n3A_114 : vector<256x32xi1>, vector<256x32xi32>
        %broadcast_in_dim3A_148 = vector.broadcast %cond3A : f32 to vector<8x256x32xf32>
        %select_n3A_149 = arith.select %eq3A_135, %broadcast_in_dim3A_148, %select_n3A_116 : vector<8x256x32xi1>, vector<8x256x32xf32>
        %scan3A_150 = arith.constant 3 : i32
        %scan3A_151 = arith.addi %scan3A_54, %scan3A_150 : i32
        %reduce_max3A_152 = arith.constant dense<0xFF800000> : vector<256x32xf32>
        %reduce_max3A_153 = vector.multi_reduction <maximumf>, %select_n3A_149, %reduce_max3A_152 [0] : vector<8x256x32xf32> to vector<256x32xf32>
        %reduce_max3A_154 = arith.constant dense<0xFF800000> : vector<256xf32>
        %reduce_max3A_155 = vector.multi_reduction <maximumf>, %reduce_max3A_153, %reduce_max3A_154 [1] : vector<256x32xf32> to vector<256xf32>
        %broadcast_in_dim3A_156 = vector.shape_cast %reduce_max3A_155 : vector<256xf32> to vector<1x256x1xf32>
        %eq3A_157 = vector.broadcast %broadcast_in_dim3A_156 : vector<1x256x1xf32> to vector<8x256x32xf32>
        %eq3A_158 = arith.cmpf oeq, %select_n3A_149, %eq3A_157 : vector<8x256x32xf32>
        %jit3A_159 = arith.constant 256 : i32
        %broadcast_in_dim3A_160 = vector.broadcast %jit3A_159 : i32 to vector<8x256x32xi32>
        %select_n3A_161 = arith.select %eq3A_158, %add3A, %broadcast_in_dim3A_160 : vector<8x256x32xi1>, vector<8x256x32xi32>
        %reduce_min3A_162 = arith.constant dense<2147483647> : vector<256x32xi32>
        %reduce_min3A_163 = vector.multi_reduction <minsi>, %select_n3A_161, %reduce_min3A_162 [0] : vector<8x256x32xi32> to vector<256x32xi32>
        %reduce_min3A_164 = arith.constant dense<2147483647> : vector<256xi32>
        %reduce_min3A_165 = vector.multi_reduction <minsi>, %reduce_min3A_163, %reduce_min3A_164 [1] : vector<256x32xi32> to vector<256xi32>
        %broadcast_in_dim3A_166 = vector.shape_cast %reduce_min3A_165 : vector<256xi32> to vector<1x256x1xi32>
        %eq3A_167 = vector.broadcast %broadcast_in_dim3A_166 : vector<1x256x1xi32> to vector<8x256x32xi32>
        %eq3A_168 = arith.cmpi eq, %add3A, %eq3A_167 : vector<8x256x32xi32>
        %broadcast_in_dim3A_169 = vector.broadcast %scan3A_44 : i32 to vector<8x256x32xi32>
        %select_n3A_170 = arith.select %eq3A_168, %get3A_37, %broadcast_in_dim3A_169 : vector<8x256x32xi1>, vector<8x256x32xi32>
        %reduce_min3A_171 = arith.constant dense<2147483647> : vector<256x32xi32>
        %reduce_min3A_172 = vector.multi_reduction <minsi>, %select_n3A_170, %reduce_min3A_171 [0] : vector<8x256x32xi32> to vector<256x32xi32>
        %reduce_min3A_173 = arith.constant dense<2147483647> : vector<256xi32>
        %reduce_min3A_174 = vector.multi_reduction <minsi>, %reduce_min3A_172, %reduce_min3A_173 [1] : vector<256x32xi32> to vector<256xi32>
        %eq3A_175 = vector.broadcast %scan3A_151 : i32 to vector<256x32xi32>
        %eq3A_176 = arith.cmpi eq, %iota3A_6, %eq3A_175 : vector<256x32xi32>
        %broadcast_in_dim3A_177 = vector.shape_cast %reduce_min3A_174 : vector<256xi32> to vector<256x1xi32>
        %broadcast_in_dim3A_178 = vector.shape_cast %broadcast_in_dim3A_177 : vector<256x1xi32> to vector<256x1xi32>
        %broadcast_in_dim3A_179 = vector.broadcast %broadcast_in_dim3A_178 : vector<256x1xi32> to vector<256x32xi32>
        %select_n3A_180 = arith.select %eq3A_176, %broadcast_in_dim3A_179, %select_n3A_147 : vector<256x32xi1>, vector<256x32xi32>
        %broadcast_in_dim3A_181 = vector.broadcast %cond3A : f32 to vector<8x256x32xf32>
        %select_n3A_182 = arith.select %eq3A_168, %broadcast_in_dim3A_181, %select_n3A_149 : vector<8x256x32xi1>, vector<8x256x32xf32>
        scf.yield %select_n3A_182, %select_n3A_180 : vector<8x256x32xf32>, vector<256x32xi32>
      }
      %scan3A_50 = arith.constant 32 : i32
      %swap3A_51 = arith.constant 0 : index
      %swap3A_52 = arith.constant 0 : index
      %swap3A_53 = vector.load %arg4[%swap3A_51, %swap3A_52] : memref<256x32xi32, #tpu.memory_space<vmem>>, vector<256x32xi32>
      tpu.vector_store %arg4[%swap3A_51, %swap3A_52], %scan3A_49#1 {strides = array<i32>} : memref<256x32xi32, #tpu.memory_space<vmem>>, vector<256x32xi32>,
    } else {
    }
    return
  }
  func.func @transform_0(%arg0: i32, %arg1: i32) -> (i32, i32) {
    %c0_i32 = arith.constant 0 : i32
    %c0_i32_0 = arith.constant 0 : i32
    return %arg0, %c0_i32 : i32, i32
  }
  func.func @transform_1(%arg0: i32, %arg1: i32) -> (i32, i32) {
    %c0_i32 = arith.constant 0 : i32
    %c0_i32_0 = arith.constant 0 : i32
    return %arg1, %c0_i32 : i32, i32
  }
  func.func @transform_2(%arg0: i32, %arg1: i32) -> (i32, i32) {
    %c0_i32 = arith.constant 0 : i32
    %c0_i32_0 = arith.constant 0 : i32
    return %arg0, %c0_i32 : i32, i32
  }
}

</mosaic_0001>

<sc_bundles>
// kernel: kernel.4.cloned.1.call-start
scs
__scs_entry_jumppad:
0x0: {  	(pc) =	sbr.rel $0x88, $3  }
0x1: {  	(tag) =	ssettag $0x0;
	lr =	simm.s32 $0x1  }
0x2: {  	[smem:$0x3F9B] =	sst lr;
	_ =	strace $0xD0000000  }
0x3: {  	_ = 	snop  }
0x4: {  	_ = 	snop  }
0x5: {  	_ = 	snop  }
0x6: {  	_ = 	snop  }
0x7: {  	_ = 	snop  }
__scs_overlays_trampoline_lowered:
0x8: {  	[smem:$0x3FAA] =	sst s0  }
0x9: {  	[smem:$0x3FAB] =	sst s1  }
0xa: {  	[smem:$0x3FAC] =	sst s2  }
0xb: {  	[smem:$0x3FAD] =	sst s3  }
0xc: {  	[smem:$0x3FAE] =	sst s4  }
0xd: {  	[smem:$0x3FAF] =	sst s5  }
0xe: {  	[smem:$0x3FB0] =	sst s6  }
0xf: {  	[smem:$0x3FB1] =	sst s7  }
0x10: {  	[smem:$0x3FB2] =	sst s8  }
0x11: {  	[smem:$0x3FB3] =	sst s9;
	s0 =	simm.s32 @!p0 $0x0  }
0x12: {  	s1 =	sld [smem:$0x3F99];
	s0 =	simm.s32 @p0 $0x1  }
0x13: {  	[smem:$0x3FB4] =	sst s0;
	s0 =	simm.s32 @!p1 $0x0  }
0x14: {  	s2 =	sld [smem:$0x3F98];
	s0 =	simm.s32 @p1 $0x1  }
0x15: {  	[smem:$0x3FB5] =	sst s0;
	s0 =	simm.s32 @!p2 $0x0  }
0x16: {  	s3 =	sld [smem:$0x3FDB];
	s0 =	simm.s32 @p2 $0x1  }
0x17: {  	s4 =	simm.s32 $0x1BF5;
	[smem:$0x3FB7] =	sst s0  }
0x18: {  	s0 =	sld [smem:$0x3F9A];
	_ =	swait.ge [sflag:s4], $0x0  }
0x19: {  	s7 =	sld [smem:$0x3F9B]  }
0x1a: {  	s8 =	sadd.s32 $0xFFFFE003, lr  }
0x1b: {  	s9 =	sadd.s32 $0xFFFFFEF7, lr;
	s5 =	simm.s32 $0xFFFFFFFF;
	p2 =	slt.u32 s8, $0xFFFFF086  }
0x1c: {  	p1 =	slt.u32 s9, $0xF7A;
	s5 =	simm.s32 @!p2 $0x0  }
0x1d: {  	s5 =	simm.s32 @p1 $0x1;
	p0 =	seq.s32 s7, s2  }
0x1e: {  	s7 =	smul.u32 @!p0 $0xF7A, s2;
	p2 =	seq.s32 @!p0 s5, $0x0  }
0x1f: {  	s9 =	smul.u32 $0xF7A, s1;
	s8 =	simm.s32 @!p0 $0x1BF5;
	p2 =	por !p2, p0  }
0x20: {  	[sflag:s8] =	ssyncset.s32 @!p0 $0xFFFFF086;
	s6 =	sadd.s32 @!p0 s3, s7;
	s7 =	simm.s32 @!p0 $0x108  }
0x21: {  	s3 =	sadd.s32 s3, s9;
	s6 =	sadd.s32 @!p0 $0x88, s6;
	s7 =	simm.s32 @p2 $0x1082  }
0x22: {  	[simem:s7], [sflag:s8] =	dma.local @!p0 [hbm:s6], $0xF7A  }
0x23: {  	s9 =	sor.u32 $0xD0000000, s2;
	s6 =	simm.s32 $0x108;
	_ =	swait.ge @!p0 [sflag:s8], $0x0  }
0x24: {  	s3 =	sadd.s32 $0x88, s3;
	s6 =	simm.s32 @!p1 $0x1082;
	[sflag:s4] =	ssyncset.s32 $0xFFFFF086  }
0x25: {  	[simem:s6], [sflag:s4] =	dma.local [hbm:s3], $0xF7A  }
0x26: {  	[smem:$0x3F9B] =	sst s1;
	(tag) =	ssettag s2;
	_ =	strace s9  }
0x27: {  	s1 =	sld [smem:$0x3FAB]  }
0x28: {  	s2 =	sld [smem:$0x3FAC]  }
0x29: {  	s4 =	sld [smem:$0x3FAE]  }
0x2a: {  	p0 =	seq.s32 s5, $0x0;
	s5 =	sld [smem:$0x3FAF]  }
0x2b: {  	s6 =	sld [smem:$0x3FB0]  }
0x2c: {  	s7 =	sld [smem:$0x3FB1]  }
0x2d: {  	s3 =	simm.s32 $0x108;
	s8 =	sld [smem:$0x3FB2]  }
0x2e: {  	s3 =	simm.s32 @!p0 $0x1082;
	s9 =	sld [smem:$0x3FB3]  }
0x2f: {  	lr =	sadd.s32 s0, s3;
	s0 =	sld [smem:$0x3FAA]  }
0x30: {  	s3 =	sld [smem:$0x3FAD]  }
0x31: {  	[smem:$0x3FB6] =	sst s10  }
0x32: {  	s10 =	sld [smem:$0x3FB4];
	_ =	sdelay $0x3  }
0x33: {  	p0 =	seq.s32 s10, $0x1;
	s10 =	sld [smem:$0x3FB6];
	_ =	sdelay $0x3  }
0x34: {  	[smem:$0x3FB6] =	sst s10  }
0x35: {  	s10 =	sld [smem:$0x3FB5];
	_ =	sdelay $0x3  }
0x36: {  	p1 =	seq.s32 s10, $0x1;
	s10 =	sld [smem:$0x3FB6];
	_ =	sdelay $0x3  }
0x37: {  	[smem:$0x3FB6] =	sst s10  }
0x38: {  	s10 =	sld [smem:$0x3FB7]  }
0x39: {  	_ = 	snop;
	(pc) =	sbr.ind lr, $3  }
0x3a: {  	_ = 	snop  }
0x3b: {  	_ = 	snop  }
0x3c: {  	p2 =	seq.s32 s10, $0x1;
	s10 =	sld [smem:$0x3FB6]  }
0x3d: {  	_ =	shalt  }
0x3e: {  	_ =	shalt  }
0x3f: {  	_ =	shalt  }
0x40: {  	_ =	shalt  }
0x41: {  	_ =	shalt  }
0x42: {  	_ =	shalt  }
0x43: {  	_ =	shalt  }
0x44: {  	_ =	shalt  }
0x45: {  	_ =	shalt  }
0x46: {  	_ =	shalt  }
0x47: {  	_ =	shalt  }
0x48: {  	_ =	shalt  }
0x49: {  	_ =	shalt  }
0x4a: {  	_ =	shalt  }
0x4b: {  	_ =	shalt  }
0x4c: {  	_ =	shalt  }
0x4d: {  	_ =	shalt  }
0x4e: {  	_ =	shalt  }
0x4f: {  	_ =	shalt  }
0x50: {  	_ =	shalt  }
0x51: {  	_ =	shalt  }
0x52: {  	_ =	shalt  }
0x53: {  	_ =	shalt  }
0x54: {  	_ =	shalt  }
0x55: {  	_ =	shalt  }
0x56: {  	_ =	shalt  }
0x57: {  	_ =	shalt  }
0x58: {  	_ =	shalt  }
0x59: {  	_ =	shalt  }
0x5a: {  	_ =	shalt  }
0x5b: {  	_ =	shalt  }
0x5c: {  	_ =	shalt  }
0x5d: {  	_ =	shalt  }
0x5e: {  	_ =	shalt  }
0x5f: {  	_ =	shalt  }
0x60: {  	_ =	shalt  }
0x61: {  	_ =	shalt  }
0x62: {  	_ =	shalt  }
0x63: {  	_ =	shalt  }
0x64: {  	_ =	shalt  }
0x65: {  	_ =	shalt  }
0x66: {  	_ =	shalt  }
0x67: {  	_ =	shalt  }
0x68: {  	_ =	shalt  }
0x69: {  	_ =	shalt  }
0x6a: {  	_ =	shalt  }
0x6b: {  	_ =	shalt  }
0x6c: {  	_ =	shalt  }
0x6d: {  	_ =	shalt  }
0x6e: {  	_ =	shalt  }
0x6f: {  	_ =	shalt  }
0x70: {  	_ =	shalt  }
0x71: {  	_ =	shalt  }
0x72: {  	_ =	shalt  }
0x73: {  	_ =	shalt  }
0x74: {  	_ =	shalt  }
0x75: {  	_ =	shalt  }
0x76: {  	_ =	shalt  }
0x77: {  	_ =	shalt  }
0x78: {  	_ =	shalt  }
0x79: {  	_ =	shalt  }
0x7a: {  	_ =	shalt  }
0x7b: {  	_ =	shalt  }
0x7c: {  	_ =	shalt  }
0x7d: {  	_ =	shalt  }
0x7e: {  	_ =	shalt  }
0x7f: {  	_ =	shalt  }
0x80: {  	_ =	shalt  }
0x81: {  	_ =	shalt  }
0x82: {  	_ =	shalt  }
0x83: {  	_ =	shalt  }
0x84: {  	_ =	shalt  }
0x85: {  	_ =	shalt  }
0x86: {  	_ =	shalt  }
0x87: {  	_ =	shalt  }
.Lfunc_end0:
.L_simem_size_0:
called_computation.1_lowered:
.L_overlay_start_0:
0x88: {  	s2 =	sld [smem:$0x3FD9]  }
0x89: {  	s3 =	sld [smem:$0x3FFE];
	_ =	sdelay $0x1  }
0x8a: {  	s1 =	srdreg.scid  }
0x8b: {  	s0 =	sand.u32 $0x1, s1  }
0x8c: {  	s17 =	sshll.u32 s0, $0xA;
	s2 =	sadd.s32 s3, s2  }
0x8d: {  	s2 =	sadd.s32 s2, s17  }
0x8e: {  	[smem:$0x3FC2] =	sst s2  }
0x8f: {  	_ = 	snop  }
0x90: {  	s2 =	sld [smem:$0x3FD0];
	(tm) =	ssettm $0x1  }
0x91: {  	s18 =	sld [smem:$0x3FFB];
	_ =	sdelay $0x3  }
0x92: {  	_ =	strace s18  }
0x93: {  	s3 =	sld [smem:$0x3FFC];
	_ =	sdelay $0x3  }
0x94: {  	_ =	strace s3  }
0x95: {  	s3 =	sld [smem:$0x3FFD];
	_ =	sdelay $0x3  }
0x96: {  	_ =	strace s3  }
0x97: {  	_ =	strace $0x8FFFFFFF  }
0x98: {  	s19 =	sld [smem:$0x3FDB];
	_ =	sdelay $0x1  }
0x99: {  	s4 =	simm.s32 $_scs_section_size  }
0x9a: {  	s5 =	simm.s32 $_size__tile_overlayer_lowered;
	s6 =	simm.s32 $_tile_overlayer_lowered  }
0x9b: {  	s22 =	simm.s32 $0x1BFF;
	s21 =	sshll.u32 s6, $0x1;
	s3 =	sadd.s32 s4, s19  }
0x9c: {  	s7 =	simm.s32 $0x0;
	s20 =	sshll.u32 s5, $0x1;
	s5 =	sadd.s32 s21, s3  }
0x9d: {  	[timem:s7], [sflag:s22] =	dma.local [hbm:s5], s20  }
0x9e: {  	_ =	swait.ge [sflag:s22], s20  }
0x9f: {  	s4 =	ssub.s32 $0x0, s20;
	[sflag:s22] =	ssyncset.done $0x0  }
0xa0: {  	[sflag:s22] =	ssyncadd.s32 s4;
	_ =	sdelay $0x1  }
0xa1: {  	s23 =	simm.s32 $0x1B8B  }
0xa2: {  	_ =	swait.ge [sflag:s23], $0x1  }
0xa3: {  	[sflag:s23] =	ssyncset.done $0x0  }
0xa4: {  	s25 =	simm.s32 $0x1B8E;
	s24 =	sld [smem:$0x3FFE];
	[sflag:s23] =	ssyncadd.s32 $0xFFFFFFFF  }
0xa5: {  	s26 =	simm.s32 $execute0_lowered;
	[smem:$0x3FD2] =	sst s25  }
0xa6: {  	s5 =	sshll.u32 s26, $0x1;
	_ =	strace $0x80000046;
	[dreg:$0x1] =	wrdreg $0xFFFFFFFF  }
0xa7: {  	s28 =	simm.s32 $_size_execute0_lowered;
	s3 =	sadd.s32 s3, s5;
	[dreg:$0x0] =	wrdreg $0x0  }
0xa8: {  	s5 =	sshll.u32 s28, $0x1;
	[dreg:$0x2] =	wrdreg s3  }
0xa9: {  	[dreg:$0x3] =	wrdreg s5  }
0xaa: {  	[dreg:$0x4] =	wrdreg $0xC0  }
0xab: {  	_ =	task [dreg:s7], $0x5FFFF  }
0xac: {  	[dreg:$0x1] =	wrdreg $0xFFFFFFFF  }
0xad: {  	[dreg:$0x0] =	wrdreg $0x60  }
0xae: {  	[dreg:$0x2] =	wrdreg s24  }
0xaf: {  	[dreg:$0x3] =	wrdreg s2  }
0xb0: {  	[dreg:$0x4] =	wrdreg $0x9  }
0xb1: {  	_ =	task.clear_ibuf [dreg:s7], $0x5FFFF;
	_ =	strace $0x90000046  }
0xb2: {  	s29 =	simm.s32 $0x9;
	_ =	strace $0x80000048  }
0xb3: {  	_ =	swait.ge [sflag:s29], $0x1  }
0xb4: {  	[sflag:s29] =	ssyncadd.s32 $0xFFFFFFFF  }
0xb5: {  	_ =	strace $0x90000048  }
0xb6: {  	_ =	sfence  }
0xb7: {  	s30 =	sld [smem:$0x0];
	_ =	sdelay $0x2  }
0xb8: {  	s31 =	sshll.u32 s1, $0xD;
	s1 =	sshrl.u32 s1, $0x2  }
0xb9: {  	s3 =	sand.u32 $0x4000, s31;
	s1 =	sadd.s32 s1, s30  }
0xba: {  	s0 =	sor.u32 s3, s0;
	s1 =	sshll.u32 s1, $0x11  }
0xbb: {  	s0 =	sor.u32 s1, s0  }
0xbc: {  	s0 =	sadd.s32 $0x8F2B, s0  }
0xbd: {  	[sflag:s0] =	ssyncadd.remote.s32 $0x1  }
0xbe: {  	_ =	sfence.sel $0xFFFF  }
0xbf: {  	[dreg:$0x0] =	wrdreg $0xFFFFFFFF;
	(pc) =	sbr.abs _section_cstart, $3  }
0xc0: {  	[dreg:$0x1] =	wrdreg $0xFFFFFFFF  }
0xc1: {  	_ =	task.clear_ibuf [dreg:s7], $0x2FFFF;
	_ =	strace $0x9FFFFFFF  }
0xc2: {  	(tm) =	ssettm $0x7FFFFFFF  }
0xc3: {  	_ =	shalt  }
tec
execute0_lowered:
.L_overlay_start_1:
0x0: {  	(tag) =	ssettag $0x1  }
0x1: {  	s0 =	rddreg [dreg:$0x0]  }
0x2: {  	s1 =	rddreg [dreg:$0x1]  }
0x3: {  	s2 =	simm.s32 $0x0;
	s3 =	srdreg.scid;
	s5 =	stileid.u32  }
0x4: {  	s13 =	simm.s32 $0x5;
	s21 =	simm.s32 $0x1;
	s24 =	simm.s32 $0xA380  }
0x5: {  	s25 =	simm.s32 $0x2;
	s12 =	simm.s32 $0x16900;
	s14 =	simm.s32 $0x0  }
0x6: {  	[smem:$0x7FF] =	sst s2;
	s4 =	sadd.s32 $0x51A00, s0;
	s3 =	sand.u32 $0x1, s3  }
0x7: {  	s6 =	sshll.u32 s5, $0xD;
	s8 =	ssub.s32 $0x2, s3;
	s3 =	sshll.u32 s3, $0xC  }
0x8: {  	s5 =	sadd.s32 $0x1A1A00, s0;
	s7 =	sadd.s32 $0x1A00, s0;
	s6 =	sor.u32 s3, s6  }
0x9: {  	v2 =	vlaneseq.u32;
	s10 =	sadd.s32 $0x1A1C00, s0;
	s9 =	sshrl.u32 s8, $0x1;
	s30 =	sshrl.u32 s6, $0x3  }
0xa: {  	vm0 =	vmmov $0xffff;
	v3 =	vimm.f32 $1.000000000e+00;
	vm2 =	vcmask $0xF00;
	_ =	strace $0x80000047;
	s29 =	ssub.s32 s8, s9;
	s8 =	sadd.s32 s7, s30  }
0xb: {  	vm1 =	vmmov $0xff;
	v1 =	vshrl.u32 v2, $0x3;
	v0 =	vand.u32 $0x7, v2;
	s9 =	sadd.s32 $0x1A1B00, s0;
	s31 =	smax.u32 s29, $0x1;
	[dreg:$0x3] =	wrdreg s8  }
0xc: {  	v2 =	vor.u32 $0x8, v2;
	v3 =	vsel vm2, $0xBF800000, v3;
	v1 =	vmul.u32 $0x8, v1;
	s11 =	sor.u32 $0x40, s6;
	[dreg:$0x4] =	wrdreg s31;
	s8 =	simm.s32 $0xE700  }
.LBB2_1:
0xd: {  	[dreg:$0x5] =	wrdreg s14  }
0xe: {  	s0 =	rddreg [dreg:$0x3]  }
0xf: {  	[tilespmem:s2], [sflag:$0x5] =	stream.linear.gather [hbm4b:s0+s2], $0x20, $0x38;
	[tilespmem:$0x1AA00] =	vst v63  }
0x10: {  	_ =	swait.ge [sflag:s13], $0x20  }
0x11: {  	[sflag:s13] =	ssyncset.done $0x0  }
0x12: {  	[sflag:s13] =	ssyncadd.s32 $0xFFFFFFE0  }
0x13: {  	v4 =	vld [tilespmem:$0x0];
	_ =	sdelay $0x4  }
0x14: {  	v5 =	vshrl.u32 v4, $0x3  }
0x15: {  	v5 =	vmul.u32 $0x28, v5  }
0x16: {  	v4 =	vand.u32 $0x7, v4  }
0x17: {  	v4 =	vor.u32 v4, v5  }
0x18: {  	v5 =	vperm.xlane v4, v0;
	_ =	sdelay $0x1  }
0x19: {  	v5 =	vadd.s32 v1, v5;
	_ =	sdelay $0x3  }
0x1a: {  	s16 =	simm.s32 $0x100;
	v4 =	vperm.xlane v4, v2  }
0x1b: {  	[tilespmem:s16], [sflag:$0x1] =	stream.indirect_vreg.gather [hbm4b:s5+s2], $0x80, v5, vm0, $0xb8;
	[tilespmem:$0x1AA00] =	vst v63  }
0x1c: {  	s17 =	simm.s32 $0x900;
	v4 =	vadd.s32 v1, v4  }
0x1d: {  	[tilespmem:s17], [sflag:$0x1] =	stream.indirect_vreg.gather [hbm4b:s9+s2], $0x80, v5, vm0, $0xb8;
	[tilespmem:$0x1AA00] =	vst v63  }
0x1e: {  	s18 =	simm.s32 $0x1100  }
0x1f: {  	[tilespmem:s18], [sflag:$0x1] =	stream.indirect_vreg.gather [hbm4b:s10+s2], $0x80, v5, vm1, $0xb8;
	[tilespmem:$0x1AA00] =	vst v63  }
0x20: {  	s19 =	simm.s32 $0x1500  }
0x21: {  	[tilespmem:s19], [sflag:$0x1] =	stream.indirect_vreg.gather [hbm4b:s5+s2], $0x80, v4, vm0, $0xb8;
	[tilespmem:$0x1AA00] =	vst v63  }
0x22: {  	s20 =	simm.s32 $0x1D00  }
0x23: {  	[tilespmem:s20], [sflag:$0x1] =	stream.indirect_vreg.gather [hbm4b:s9+s2], $0x80, v4, vm0, $0xb8;
	[tilespmem:$0x1AA00] =	vst v63  }
0x24: {  	s22 =	simm.s32 $0x2500  }
0x25: {  	[tilespmem:s22], [sflag:$0x1] =	stream.indirect_vreg.gather [hbm4b:s10+s2], $0x80, v4, vm1, $0xb8;
	[tilespmem:$0x1AA00] =	vst v63  }
0x26: {  	v4 =	vld [tilespmem:$0x10];
	_ =	sdelay $0x4  }
0x27: {  	v5 =	vshrl.u32 v4, $0x3  }
0x28: {  	v5 =	vmul.u32 $0x28, v5  }
0x29: {  	v4 =	vand.u32 $0x7, v4  }
0x2a: {  	v4 =	vor.u32 v4, v5  }
0x2b: {  	v5 =	vperm.xlane v4, v0;
	_ =	sdelay $0x1  }
0x2c: {  	v5 =	vadd.s32 v1, v5;
	_ =	sdelay $0x3  }
0x2d: {  	s23 =	simm.s32 $0x2900;
	v4 =	vperm.xlane v4, v2  }
0x2e: {  	[tilespmem:s23], [sflag:$0x1] =	stream.indirect_vreg.gather [hbm4b:s5+s2], $0x80, v5, vm0, $0xb8;
	[tilespmem:$0x1AA00] =	vst v63  }
0x2f: {  	s26 =	simm.s32 $0x3100;
	v4 =	vadd.s32 v1, v4  }
0x30: {  	[tilespmem:s26], [sflag:$0x1] =	stream.indirect_vreg.gather [hbm4b:s9+s2], $0x80, v5, vm0, $0xb8;
	[tilespmem:$0x1AA00] =	vst v63  }
0x31: {  	s28 =	simm.s32 $0x3900  }
0x32: {  	[tilespmem:s28], [sflag:$0x1] =	stream.indirect_vreg.gather [hbm4b:s10+s2], $0x80, v5, vm1, $0xb8;
	[tilespmem:$0x1AA00] =	vst v63  }
0x33: {  	s29 =	simm.s32 $0x3D00  }
0x34: {  	[tilespmem:s29], [sflag:$0x1] =	stream.indirect_vreg.gather [hbm4b:s5+s2], $0x80, v4, vm0, $0xb8;
	[tilespmem:$0x1AA00] =	vst v63  }
0x35: {  	s30 =	simm.s32 $0x4500  }
0x36: {  	[tilespmem:s30], [sflag:$0x1] =	stream.indirect_vreg.gather [hbm4b:s9+s2], $0x80, v4, vm0, $0xb8;
	[tilespmem:$0x1AA00] =	vst v63  }
0x37: {  	s31 =	simm.s32 $0x4D00;
	s26 =	simm.s32 $0x0  }
0x38: {  	[tilespmem:s31], [sflag:$0x1] =	stream.indirect_vreg.gather [hbm4b:s10+s2], $0x80, v4, vm1, $0xb8;
	[tilespmem:$0x1AA00] =	vst v63  }
.LBB2_2:
0x39: {  	s28 =	sshll.u32 s26, $0x6  }
0x3a: {  	s29 =	sor.u32 s6, s28  }
0x3b: {  	s0 =	sshrl.u32 s29, $0x3  }
0x3c: {  	s0 =	sadd.s32 s0, s7  }
0x3d: {  	s3 =	simm.s32 $0x80;
	s0 =	sadd.s32 $0x4, s0  }
0x3e: {  	[tilespmem:s3], [sflag:$0x5] =	stream.linear.gather [hbm4b:s0+s2], $0x20, $0x38;
	[tilespmem:$0x1AA00] =	vst v63  }
0x3f: {  	_ =	swait.ge [sflag:s13], $0x20  }
0x40: {  	[sflag:s13] =	ssyncset.done $0x0  }
0x41: {  	[sflag:s13] =	ssyncadd.s32 $0xFFFFFFE0  }
0x42: {  	v4 =	vld [tilespmem:$0x80];
	_ =	sdelay $0x4  }
0x43: {  	v5 =	vshrl.u32 v4, $0x3  }
0x44: {  	v5 =	vmul.u32 $0x28, v5  }
0x45: {  	v4 =	vand.u32 $0x7, v4  }
0x46: {  	v4 =	vor.u32 v4, v5  }
0x47: {  	v5 =	vperm.xlane v4, v0;
	_ =	sdelay $0x1  }
0x48: {  	v5 =	vadd.s32 v1, v5;
	_ =	sdelay $0x3  }
0x49: {  	s16 =	simm.s32 $0x5100;
	v4 =	vperm.xlane v4, v2  }
0x4a: {  	[tilespmem:s16], [sflag:$0x2] =	stream.indirect_vreg.gather [hbm4b:s5+s2], $0x80, v5, vm0, $0xb8;
	[tilespmem:$0x1AA00] =	vst v63  }
0x4b: {  	s17 =	simm.s32 $0x5900;
	v4 =	vadd.s32 v1, v4  }
0x4c: {  	[tilespmem:s17], [sflag:$0x2] =	stream.indirect_vreg.gather [hbm4b:s9+s2], $0x80, v5, vm0, $0xb8;
	[tilespmem:$0x1AA00] =	vst v63  }
0x4d: {  	s18 =	simm.s32 $0x6100  }
0x4e: {  	[tilespmem:s18], [sflag:$0x2] =	stream.indirect_vreg.gather [hbm4b:s10+s2], $0x80, v5, vm1, $0xb8;
	[tilespmem:$0x1AA00] =	vst v63  }
0x4f: {  	s19 =	simm.s32 $0x6500  }
0x50: {  	[tilespmem:s19], [sflag:$0x2] =	stream.indirect_vreg.gather [hbm4b:s5+s2], $0x80, v4, vm0, $0xb8;
	[tilespmem:$0x1AA00] =	vst v63  }
0x51: {  	s20 =	simm.s32 $0x6D00  }
0x52: {  	[tilespmem:s20], [sflag:$0x2] =	stream.indirect_vreg.gather [hbm4b:s9+s2], $0x80, v4, vm0, $0xb8;
	[tilespmem:$0x1AA00] =	vst v63  }
0x53: {  	s22 =	simm.s32 $0x7500  }
0x54: {  	[tilespmem:s22], [sflag:$0x2] =	stream.indirect_vreg.gather [hbm4b:s10+s2], $0x80, v4, vm1, $0xb8;
	[tilespmem:$0x1AA00] =	vst v63  }
0x55: {  	v4 =	vld [tilespmem:$0x90];
	_ =	sdelay $0x4  }
0x56: {  	v5 =	vshrl.u32 v4, $0x3  }
0x57: {  	v5 =	vmul.u32 $0x28, v5  }
0x58: {  	v4 =	vand.u32 $0x7, v4  }
0x59: {  	v4 =	vor.u32 v4, v5  }
0x5a: {  	v5 =	vperm.xlane v4, v0;
	_ =	sdelay $0x1  }
0x5b: {  	v5 =	vadd.s32 v1, v5;
	_ =	sdelay $0x3  }
0x5c: {  	s23 =	simm.s32 $0x7900;
	v4 =	vperm.xlane v4, v2  }
0x5d: {  	[tilespmem:s23], [sflag:$0x2] =	stream.indirect_vreg.gather [hbm4b:s5+s2], $0x80, v5, vm0, $0xb8;
	[tilespmem:$0x1AA00] =	vst v63  }
0x5e: {  	s3 =	simm.s32 $0x8100;
	v4 =	vadd.s32 v1, v4  }
0x5f: {  	[tilespmem:s3], [sflag:$0x2] =	stream.indirect_vreg.gather [hbm4b:s9+s2], $0x80, v5, vm0, $0xb8;
	[tilespmem:$0x1AA00] =	vst v63  }
0x60: {  	s14 =	simm.s32 $0x8900  }
0x61: {  	[tilespmem:s14], [sflag:$0x2] =	stream.indirect_vreg.gather [hbm4b:s10+s2], $0x80, v5, vm1, $0xb8;
	[tilespmem:$0x1AA00] =	vst v63  }
0x62: {  	s15 =	simm.s32 $0x8D00  }
0x63: {  	[tilespmem:s15], [sflag:$0x2] =	stream.indirect_vreg.gather [hbm4b:s5+s2], $0x80, v4, vm0, $0xb8;
	[tilespmem:$0x1AA00] =	vst v63  }
0x64: {  	s16 =	sshrl.u32 s29, $0x5;
	s17 =	simm.s32 $0x9500  }
0x65: {  	[tilespmem:s17], [sflag:$0x2] =	stream.indirect_vreg.gather [hbm4b:s9+s2], $0x80, v4, vm0, $0xb8;
	[tilespmem:$0x1AA00] =	vst v63  }
0x66: {  	s0 =	smul.u32 $0x50, s16;
	s18 =	simm.s32 $0x9D00  }
0x67: {  	[tilespmem:s18], [sflag:$0x2] =	stream.indirect_vreg.gather [hbm4b:s10+s2], $0x80, v4, vm1, $0xb8;
	[tilespmem:$0x1AA00] =	vst v63  }
0x68: {  	s0 =	sadd.s32 s4, s0;
	s19 =	simm.s32 $0xA100  }
0x69: {  	[tilespmem:s19], [sflag:$0x5] =	stream.linear.gather [hbm4b:s0+s2], $0x280, $0x38;
	[tilespmem:$0x1AA00] =	vst v63  }
0x6a: {  	_ =	swait.ge [sflag:s13], $0x280  }
0x6b: {  	[sflag:s13] =	ssyncset.done $0x0  }
0x6c: {  	[sflag:s13] =	ssyncadd.s32 $0xFFFFFD80  }
0x6d: {  	_ =	swait.ge [sflag:s21], $0x5000  }
0x6e: {  	p0 =	seq.s32 s26, $0x0;
	[sflag:s21] =	ssyncset.done $0x0  }
0x6f: {  	s0 =	simm.s32 @!p0 $0x3;
	[sflag:s21] =	ssyncadd.s32 $0xFFFFB000  }
0x70: {  	_ =	swait.ge @!p0 [sflag:s0], $0x4080  }
0x71: {  	[sflag:s0] =	ssyncset.done @!p0 $0x0  }
0x72: {  	[sflag:s0] =	ssyncadd.s32 @!p0 $0xFFFFBF80  }
0x73: {  	_ =	swait.ge @!p0 [sflag:s0], $0x4080  }
0x74: {  	[sflag:s0] =	ssyncset.done @!p0 $0x0  }
0x75: {  	[sflag:s0] =	ssyncadd.s32 @!p0 $0xFFFFBF80  }
0x76: {  	v36 =	vld [tilespmem:$0xA100]  }
0x77: {  	v35 =	vld [tilespmem:$0xA110]  }
0x78: {  	v34 =	vld [tilespmem:$0xA120]  }
0x79: {  	v33 =	vld [tilespmem:$0xA130]  }
0x7a: {  	v32 =	vld [tilespmem:$0xA140]  }
0x7b: {  	v31 =	vld [tilespmem:$0xA150]  }
0x7c: {  	v30 =	vld [tilespmem:$0xA160]  }
0x7d: {  	v29 =	vld [tilespmem:$0xA170]  }
0x7e: {  	v28 =	vld [tilespmem:$0xA180]  }
0x7f: {  	v27 =	vld [tilespmem:$0xA190]  }
0x80: {  	v26 =	vld [tilespmem:$0xA1A0]  }
0x81: {  	v25 =	vld [tilespmem:$0xA1B0]  }
0x82: {  	v24 =	vld [tilespmem:$0xA1C0]  }
0x83: {  	v23 =	vld [tilespmem:$0xA1D0]  }
0x84: {  	v22 =	vld [tilespmem:$0xA1E0]  }
0x85: {  	v21 =	vld [tilespmem:$0xA1F0]  }
0x86: {  	v20 =	vld [tilespmem:$0xA200]  }
0x87: {  	v19 =	vld [tilespmem:$0xA210]  }
0x88: {  	v18 =	vld [tilespmem:$0xA220]  }
0x89: {  	v17 =	vld [tilespmem:$0xA230]  }
0x8a: {  	s20 =	simm.s32 $0x0;
	v16 =	vld [tilespmem:$0xA240]  }
0x8b: {  	s0 =	smul.u32 $0x5000, s20;
	v15 =	vld [tilespmem:$0xA250]  }
0x8c: {  	s30 =	simm.s32 $0x0;
	v14 =	vld [tilespmem:$0xA260]  }
0x8d: {  	s22 =	sand.u32 $0x380, s30;
	v13 =	vld [tilespmem:$0xA270];
	s0 =	sshra.s32 s0, $0x2  }
0x8e: {  	v12 =	vld [tilespmem:$0xA280];
	s3 =	sor.u32 s22, s0  }
0x8f: {  	v4 =	vld [tilespmem:s3+$0x100]  }
0x90: {  	v11 =	vld [tilespmem:$0xA290]  }
0x91: {  	v10 =	vld [tilespmem:$0xA2A0]  }
0x92: {  	v9 =	vld [tilespmem:$0xA2B0]  }
0x93: {  	v8 =	vld [tilespmem:$0xA2C0]  }
0x94: {  	v7 =	vld [tilespmem:$0xA2D0];
	v37 =	vadd.f32 v4, v36  }
0x95: {  	v6 =	vld [tilespmem:$0xA2E0]  }
0x96: {  	s14 =	simm.s32 $0xA710;
	v5 =	vld [tilespmem:$0xA2F0];
	v38 =	vmul.f32 v3, v37  }
0x97: {  	s0 =	simm.s32 $0x12910;
	v4 =	vld [tilespmem:$0xA300];
	[tilespmem:s14+$0xFFFFFEF0] =	vst v37  }
0x98: {  	[tilespmem:s0+$0xFFFFFEF0] =	vst v38  }
0x99: {  	v37 =	vld [tilespmem:s3+$0x110];
	_ =	sdelay $0x4  }
0x9a: {  	v37 =	vadd.f32 v37, v35;
	_ =	sdelay $0x1  }
0x9b: {  	[tilespmem:s14+$0xFFFFFF00] =	vst v37  }
0x9c: {  	[tilespmem:s0+$0xFFFFFF00] =	vst v37  }
0x9d: {  	v37 =	vld [tilespmem:s3+$0x120];
	_ =	sdelay $0x4  }
0x9e: {  	v37 =	vadd.f32 v37, v34;
	_ =	sdelay $0x1  }
0x9f: {  	[tilespmem:s14+$0xFFFFFF10] =	vst v37  }
0xa0: {  	[tilespmem:s0+$0xFFFFFF10] =	vst v37  }
0xa1: {  	v37 =	vld [tilespmem:s3+$0x130];
	_ =	sdelay $0x4  }
0xa2: {  	v37 =	vadd.f32 v37, v33;
	_ =	sdelay $0x1  }
0xa3: {  	[tilespmem:s14+$0xFFFFFF20] =	vst v37  }
0xa4: {  	[tilespmem:s0+$0xFFFFFF20] =	vst v37  }
0xa5: {  	v37 =	vld [tilespmem:s3+$0x140];
	_ =	sdelay $0x4  }
0xa6: {  	v37 =	vadd.f32 v37, v32;
	_ =	sdelay $0x1  }
0xa7: {  	[tilespmem:s14+$0xFFFFFF30] =	vst v37  }
0xa8: {  	[tilespmem:s0+$0xFFFFFF30] =	vst v37  }
0xa9: {  	v37 =	vld [tilespmem:s3+$0x150];
	_ =	sdelay $0x4  }
0xaa: {  	v37 =	vadd.f32 v37, v31;
	_ =	sdelay $0x1  }
0xab: {  	[tilespmem:s14+$0xFFFFFF40] =	vst v37  }
0xac: {  	[tilespmem:s0+$0xFFFFFF40] =	vst v37  }
0xad: {  	v37 =	vld [tilespmem:s3+$0x160];
	_ =	sdelay $0x4  }
0xae: {  	v37 =	vadd.f32 v37, v30;
	_ =	sdelay $0x1  }
0xaf: {  	[tilespmem:s14+$0xFFFFFF50] =	vst v37  }
0xb0: {  	[tilespmem:s0+$0xFFFFFF50] =	vst v37  }
0xb1: {  	v37 =	vld [tilespmem:s3+$0x170];
	_ =	sdelay $0x4  }
0xb2: {  	v37 =	vadd.f32 v37, v29;
	_ =	sdelay $0x1  }
0xb3: {  	[tilespmem:s14+$0xFFFFFF60] =	vst v37  }
0xb4: {  	[tilespmem:s0+$0xFFFFFF60] =	vst v37  }
0xb5: {  	v37 =	vld [tilespmem:s3+$0x500];
	_ =	sdelay $0x4  }
0xb6: {  	s15 =	sand.u32 $0x3FFFFF80, s30;
	v37 =	vadd.f32 v37, v28  }
0xb7: {  	s19 =	sadd.s32 $0x0, s15  }
0xb8: {  	s18 =	sadd.s32 $0x12800, s19;
	[tilespmem:s19+$0xA680] =	vst v37  }
0xb9: {  	[tilespmem:s18+$0x80] =	vst v37  }
0xba: {  	v37 =	vld [tilespmem:s3+$0x510];
	_ =	sdelay $0x4  }
0xbb: {  	v37 =	vadd.f32 v37, v27;
	_ =	sdelay $0x1  }
0xbc: {  	[tilespmem:s14+$0xFFFFFF80] =	vst v37  }
0xbd: {  	[tilespmem:s0+$0xFFFFFF80] =	vst v37  }
0xbe: {  	v37 =	vld [tilespmem:s3+$0x520];
	_ =	sdelay $0x4  }
0xbf: {  	v37 =	vadd.f32 v37, v26;
	_ =	sdelay $0x1  }
0xc0: {  	[tilespmem:s14+$0xFFFFFF90] =	vst v37  }
0xc1: {  	[tilespmem:s0+$0xFFFFFF90] =	vst v37  }
0xc2: {  	v37 =	vld [tilespmem:s3+$0x530];
	_ =	sdelay $0x4  }
0xc3: {  	v37 =	vadd.f32 v37, v25;
	_ =	sdelay $0x1  }
0xc4: {  	[tilespmem:s14+$0xFFFFFFA0] =	vst v37  }
0xc5: {  	[tilespmem:s0+$0xFFFFFFA0] =	vst v37  }
0xc6: {  	v37 =	vld [tilespmem:s3+$0x540];
	_ =	sdelay $0x4  }
0xc7: {  	v37 =	vadd.f32 v37, v24;
	_ =	sdelay $0x1  }
0xc8: {  	[tilespmem:s14+$0xFFFFFFB0] =	vst v37  }
0xc9: {  	[tilespmem:s0+$0xFFFFFFB0] =	vst v37  }
0xca: {  	v37 =	vld [tilespmem:s3+$0x550];
	_ =	sdelay $0x4  }
0xcb: {  	v37 =	vadd.f32 v37, v23;
	_ =	sdelay $0x1  }
0xcc: {  	[tilespmem:s14+$0xFFFFFFC0] =	vst v37  }
0xcd: {  	[tilespmem:s0+$0xFFFFFFC0] =	vst v37  }
0xce: {  	v37 =	vld [tilespmem:s3+$0x560];
	_ =	sdelay $0x4  }
0xcf: {  	v37 =	vadd.f32 v37, v22;
	_ =	sdelay $0x1  }
0xd0: {  	[tilespmem:s14+$0xFFFFFFD0] =	vst v37  }
0xd1: {  	[tilespmem:s0+$0xFFFFFFD0] =	vst v37  }
0xd2: {  	v37 =	vld [tilespmem:s3+$0x570];
	_ =	sdelay $0x4  }
0xd3: {  	v37 =	vadd.f32 v37, v21;
	_ =	sdelay $0x1  }
0xd4: {  	[tilespmem:s14+$0xFFFFFFE0] =	vst v37  }
0xd5: {  	[tilespmem:s0+$0xFFFFFFE0] =	vst v37  }
0xd6: {  	v37 =	vld [tilespmem:s3+$0x900];
	_ =	sdelay $0x4  }
0xd7: {  	v37 =	vadd.f32 v37, v20;
	_ =	sdelay $0x1  }
0xd8: {  	[tilespmem:s19+$0xA700] =	vst v37  }
0xd9: {  	[tilespmem:s18+$0x100] =	vst v37  }
0xda: {  	v37 =	vld [tilespmem:s3+$0x910];
	_ =	sdelay $0x4  }
0xdb: {  	v37 =	vadd.f32 v37, v19;
	_ =	sdelay $0x1  }
0xdc: {  	[tilespmem:s14+$0x0] =	vst v37  }
0xdd: {  	[tilespmem:s0+$0x0] =	vst v37  }
0xde: {  	v37 =	vld [tilespmem:s3+$0x920];
	_ =	sdelay $0x4  }
0xdf: {  	v37 =	vadd.f32 v37, v18;
	_ =	sdelay $0x1  }
0xe0: {  	[tilespmem:s14+$0x10] =	vst v37  }
0xe1: {  	[tilespmem:s0+$0x10] =	vst v37  }
0xe2: {  	v37 =	vld [tilespmem:s3+$0x930];
	_ =	sdelay $0x4  }
0xe3: {  	v37 =	vadd.f32 v37, v17;
	_ =	sdelay $0x1  }
0xe4: {  	[tilespmem:s14+$0x20] =	vst v37  }
0xe5: {  	[tilespmem:s0+$0x20] =	vst v37  }
0xe6: {  	v37 =	vld [tilespmem:s3+$0x940];
	_ =	sdelay $0x4  }
0xe7: {  	v37 =	vadd.f32 v37, v16;
	_ =	sdelay $0x1  }
0xe8: {  	[tilespmem:s14+$0x30] =	vst v37  }
0xe9: {  	[tilespmem:s0+$0x30] =	vst v37  }
0xea: {  	v37 =	vld [tilespmem:s3+$0x950];
	_ =	sdelay $0x4  }
0xeb: {  	v37 =	vadd.f32 v37, v15;
	_ =	sdelay $0x1  }
0xec: {  	[tilespmem:s14+$0x40] =	vst v37  }
0xed: {  	[tilespmem:s0+$0x40] =	vst v37  }
0xee: {  	v37 =	vld [tilespmem:s3+$0x960];
	_ =	sdelay $0x4  }
0xef: {  	v37 =	vadd.f32 v37, v14;
	_ =	sdelay $0x1  }
0xf0: {  	[tilespmem:s14+$0x50] =	vst v37  }
0xf1: {  	[tilespmem:s0+$0x50] =	vst v37  }
0xf2: {  	v37 =	vld [tilespmem:s3+$0x970];
	_ =	sdelay $0x4  }
0xf3: {  	v37 =	vadd.f32 v37, v13;
	_ =	sdelay $0x1  }
0xf4: {  	[tilespmem:s14+$0x60] =	vst v37  }
0xf5: {  	[tilespmem:s0+$0x60] =	vst v37  }
0xf6: {  	v37 =	vld [tilespmem:s3+$0xD00];
	_ =	sdelay $0x4  }
0xf7: {  	v37 =	vadd.f32 v37, v12;
	_ =	sdelay $0x1  }
0xf8: {  	[tilespmem:s19+$0xA780] =	vst v37  }
0xf9: {  	[tilespmem:s18+$0x180] =	vst v37  }
0xfa: {  	v37 =	vld [tilespmem:s3+$0xD10];
	_ =	sdelay $0x4  }
0xfb: {  	v37 =	vadd.f32 v37, v11;
	_ =	sdelay $0x1  }
0xfc: {  	[tilespmem:s14+$0x80] =	vst v37  }
0xfd: {  	[tilespmem:s0+$0x80] =	vst v37  }
0xfe: {  	v37 =	vld [tilespmem:s3+$0xD20];
	_ =	sdelay $0x4  }
0xff: {  	v37 =	vadd.f32 v37, v10;
	_ =	sdelay $0x1  }
0x100: {  	[tilespmem:s14+$0x90] =	vst v37  }
0x101: {  	[tilespmem:s0+$0x90] =	vst v37  }
0x102: {  	v37 =	vld [tilespmem:s3+$0xD30];
	_ =	sdelay $0x4  }
0x103: {  	v37 =	vadd.f32 v37, v9;
	_ =	sdelay $0x1  }
0x104: {  	[tilespmem:s14+$0xA0] =	vst v37  }
0x105: {  	[tilespmem:s0+$0xA0] =	vst v37  }
0x106: {  	v37 =	vld [tilespmem:s3+$0xD40];
	_ =	sdelay $0x4  }
0x107: {  	v37 =	vadd.f32 v37, v8;
	_ =	sdelay $0x1  }
0x108: {  	[tilespmem:s14+$0xB0] =	vst v37  }
0x109: {  	[tilespmem:s0+$0xB0] =	vst v37  }
0x10a: {  	v37 =	vld [tilespmem:s3+$0xD50];
	_ =	sdelay $0x4  }
0x10b: {  	v37 =	vadd.f32 v37, v7;
	_ =	sdelay $0x1  }
0x10c: {  	[tilespmem:s14+$0xC0] =	vst v37  }
0x10d: {  	[tilespmem:s0+$0xC0] =	vst v37  }
0x10e: {  	v37 =	vld [tilespmem:s3+$0xD60];
	_ =	sdelay $0x4  }
0x10f: {  	v37 =	vadd.f32 v37, v6;
	_ =	sdelay $0x1  }
0x110: {  	[tilespmem:s14+$0xD0] =	vst v37  }
0x111: {  	[tilespmem:s0+$0xD0] =	vst v37  }
0x112: {  	v37 =	vld [tilespmem:s3+$0xD70];
	_ =	sdelay $0x4  }
0x113: {  	v37 =	vadd.f32 v37, v5;
	_ =	sdelay $0x1  }
0x114: {  	[tilespmem:s14+$0xE0] =	vst v37  }
0x115: {  	[tilespmem:s0+$0xE0] =	vst v37  }
0x116: {  	v37 =	vld [tilespmem:s3+$0x1100];
	_ =	sdelay $0x3  }
0x117: {  	s23 =	simm.s32 $0x0  }
0x118: {  	s31 =	sshll.u32 s26, $0x1;
	s17 =	simm.s32 $0x80;
	s3 =	smul.u32 $0x5000, s23;
	v37 =	vadd.f32 v37, v4  }
0x119: {  	s16 =	simm.s32 $0x1;
	s15 =	simm.s32 $0x20;
	s22 =	sand.u32 $0x380, s17  }
0x11a: {  	s14 =	simm.s32 $0x10;
	s23 =	sshra.s32 s3, $0x2;
	s3 =	simm.s32 $0xA914;
	[tilespmem:s19+$0xA800] =	vst v37  }
.LBB2_3:
0x11b: {  	s19 =	sor.u32 s22, s23;
	[tilespmem:s18+$0x200] =	vst v37;
	s30 =	sadd.s32 $0x204, s30;
	s0 =	sadd.s32 $0x204, s0  }
0x11c: {  	p1 =	sne.s32 s15, $0x1F0;
	s18 =	smov.u32 s15;
	s15 =	sadd.s32 $0x10, s15;
	v37 =	vld [tilespmem:s19+$0x100]  }
0x11d: {  	_ =	sdelay $0x3  }
0x11e: {  	v37 =	vadd.f32 v37, v36;
	_ =	sdelay $0x1  }
0x11f: {  	v38 =	vmul.f32 v3, v37  }
0x120: {  	[tilespmem:s3+$0xFFFFFEF0] =	vst v37  }
0x121: {  	[tilespmem:s0+$0xFFFFFEF0] =	vst v38  }
0x122: {  	v37 =	vld [tilespmem:s19+$0x110];
	_ =	sdelay $0x4  }
0x123: {  	v37 =	vadd.f32 v37, v35;
	_ =	sdelay $0x1  }
0x124: {  	[tilespmem:s3+$0xFFFFFF00] =	vst v37  }
0x125: {  	[tilespmem:s0+$0xFFFFFF00] =	vst v37  }
0x126: {  	v37 =	vld [tilespmem:s19+$0x120];
	_ =	sdelay $0x4  }
0x127: {  	v37 =	vadd.f32 v37, v34;
	_ =	sdelay $0x1  }
0x128: {  	[tilespmem:s3+$0xFFFFFF10] =	vst v37  }
0x129: {  	[tilespmem:s0+$0xFFFFFF10] =	vst v37  }
0x12a: {  	v37 =	vld [tilespmem:s19+$0x130];
	_ =	sdelay $0x4  }
0x12b: {  	v37 =	vadd.f32 v37, v33;
	_ =	sdelay $0x1  }
0x12c: {  	[tilespmem:s3+$0xFFFFFF20] =	vst v37  }
0x12d: {  	[tilespmem:s0+$0xFFFFFF20] =	vst v37  }
0x12e: {  	v37 =	vld [tilespmem:s19+$0x140];
	_ =	sdelay $0x4  }
0x12f: {  	v37 =	vadd.f32 v37, v32;
	_ =	sdelay $0x1  }
0x130: {  	[tilespmem:s3+$0xFFFFFF30] =	vst v37  }
0x131: {  	[tilespmem:s0+$0xFFFFFF30] =	vst v37  }
0x132: {  	v37 =	vld [tilespmem:s19+$0x150];
	_ =	sdelay $0x4  }
0x133: {  	v37 =	vadd.f32 v37, v31;
	_ =	sdelay $0x1  }
0x134: {  	[tilespmem:s3+$0xFFFFFF40] =	vst v37  }
0x135: {  	[tilespmem:s0+$0xFFFFFF40] =	vst v37  }
0x136: {  	v37 =	vld [tilespmem:s19+$0x160];
	_ =	sdelay $0x4  }
0x137: {  	v37 =	vadd.f32 v37, v30;
	_ =	sdelay $0x1  }
0x138: {  	[tilespmem:s3+$0xFFFFFF50] =	vst v37  }
0x139: {  	[tilespmem:s0+$0xFFFFFF50] =	vst v37  }
0x13a: {  	v37 =	vld [tilespmem:s19+$0x170];
	_ =	sdelay $0x4  }
0x13b: {  	v37 =	vadd.f32 v37, v29;
	_ =	sdelay $0x1  }
0x13c: {  	[tilespmem:s3+$0xFFFFFF60] =	vst v37  }
0x13d: {  	[tilespmem:s0+$0xFFFFFF60] =	vst v37  }
0x13e: {  	v37 =	vld [tilespmem:s19+$0x500];
	_ =	sdelay $0x4  }
0x13f: {  	s22 =	sshra.s32 s14, $0x2;
	s20 =	sand.u32 $0x3FFFFF80, s30;
	s14 =	smov.u32 s18;
	v37 =	vadd.f32 v37, v28  }
0x140: {  	s20 =	sadd.s32 s22, s20  }
0x141: {  	s18 =	sadd.s32 $0x12800, s20;
	[tilespmem:s20+$0xA680] =	vst v37  }
0x142: {  	[tilespmem:s18+$0x80] =	vst v37  }
0x143: {  	v37 =	vld [tilespmem:s19+$0x510];
	_ =	sdelay $0x4  }
0x144: {  	v37 =	vadd.f32 v37, v27;
	_ =	sdelay $0x1  }
0x145: {  	[tilespmem:s3+$0xFFFFFF80] =	vst v37  }
0x146: {  	[tilespmem:s0+$0xFFFFFF80] =	vst v37  }
0x147: {  	v37 =	vld [tilespmem:s19+$0x520];
	_ =	sdelay $0x4  }
0x148: {  	v37 =	vadd.f32 v37, v26;
	_ =	sdelay $0x1  }
0x149: {  	[tilespmem:s3+$0xFFFFFF90] =	vst v37  }
0x14a: {  	[tilespmem:s0+$0xFFFFFF90] =	vst v37  }
0x14b: {  	v37 =	vld [tilespmem:s19+$0x530];
	_ =	sdelay $0x4  }
0x14c: {  	v37 =	vadd.f32 v37, v25;
	_ =	sdelay $0x1  }
0x14d: {  	[tilespmem:s3+$0xFFFFFFA0] =	vst v37  }
0x14e: {  	[tilespmem:s0+$0xFFFFFFA0] =	vst v37  }
0x14f: {  	v37 =	vld [tilespmem:s19+$0x540];
	_ =	sdelay $0x4  }
0x150: {  	v37 =	vadd.f32 v37, v24;
	_ =	sdelay $0x1  }
0x151: {  	[tilespmem:s3+$0xFFFFFFB0] =	vst v37  }
0x152: {  	[tilespmem:s0+$0xFFFFFFB0] =	vst v37  }
0x153: {  	v37 =	vld [tilespmem:s19+$0x550];
	_ =	sdelay $0x4  }
0x154: {  	v37 =	vadd.f32 v37, v23;
	_ =	sdelay $0x1  }
0x155: {  	[tilespmem:s3+$0xFFFFFFC0] =	vst v37  }
0x156: {  	[tilespmem:s0+$0xFFFFFFC0] =	vst v37  }
0x157: {  	v37 =	vld [tilespmem:s19+$0x560];
	_ =	sdelay $0x4  }
0x158: {  	v37 =	vadd.f32 v37, v22;
	_ =	sdelay $0x1  }
0x159: {  	[tilespmem:s3+$0xFFFFFFD0] =	vst v37  }
0x15a: {  	[tilespmem:s0+$0xFFFFFFD0] =	vst v37  }
0x15b: {  	v37 =	vld [tilespmem:s19+$0x570];
	_ =	sdelay $0x4  }
0x15c: {  	v37 =	vadd.f32 v37, v21;
	_ =	sdelay $0x1  }
0x15d: {  	[tilespmem:s3+$0xFFFFFFE0] =	vst v37  }
0x15e: {  	[tilespmem:s0+$0xFFFFFFE0] =	vst v37  }
0x15f: {  	v37 =	vld [tilespmem:s19+$0x900];
	_ =	sdelay $0x4  }
0x160: {  	v37 =	vadd.f32 v37, v20;
	_ =	sdelay $0x1  }
0x161: {  	[tilespmem:s20+$0xA700] =	vst v37  }
0x162: {  	[tilespmem:s18+$0x100] =	vst v37  }
0x163: {  	v37 =	vld [tilespmem:s19+$0x910];
	_ =	sdelay $0x4  }
0x164: {  	v37 =	vadd.f32 v37, v19;
	_ =	sdelay $0x1  }
0x165: {  	[tilespmem:s3+$0x0] =	vst v37  }
0x166: {  	[tilespmem:s0+$0x0] =	vst v37  }
0x167: {  	v37 =	vld [tilespmem:s19+$0x920];
	_ =	sdelay $0x4  }
0x168: {  	v37 =	vadd.f32 v37, v18;
	_ =	sdelay $0x1  }
0x169: {  	[tilespmem:s3+$0x10] =	vst v37  }
0x16a: {  	[tilespmem:s0+$0x10] =	vst v37  }
0x16b: {  	v37 =	vld [tilespmem:s19+$0x930];
	_ =	sdelay $0x4  }
0x16c: {  	v37 =	vadd.f32 v37, v17;
	_ =	sdelay $0x1  }
0x16d: {  	[tilespmem:s3+$0x20] =	vst v37  }
0x16e: {  	[tilespmem:s0+$0x20] =	vst v37  }
0x16f: {  	v37 =	vld [tilespmem:s19+$0x940];
	_ =	sdelay $0x4  }
0x170: {  	v37 =	vadd.f32 v37, v16;
	_ =	sdelay $0x1  }
0x171: {  	[tilespmem:s3+$0x30] =	vst v37  }
0x172: {  	[tilespmem:s0+$0x30] =	vst v37  }
0x173: {  	v37 =	vld [tilespmem:s19+$0x950];
	_ =	sdelay $0x4  }
0x174: {  	v37 =	vadd.f32 v37, v15;
	_ =	sdelay $0x1  }
0x175: {  	[tilespmem:s3+$0x40] =	vst v37  }
0x176: {  	[tilespmem:s0+$0x40] =	vst v37  }
0x177: {  	v37 =	vld [tilespmem:s19+$0x960];
	_ =	sdelay $0x4  }
0x178: {  	v37 =	vadd.f32 v37, v14;
	_ =	sdelay $0x1  }
0x179: {  	[tilespmem:s3+$0x50] =	vst v37  }
0x17a: {  	[tilespmem:s0+$0x50] =	vst v37  }
0x17b: {  	v37 =	vld [tilespmem:s19+$0x970];
	_ =	sdelay $0x4  }
0x17c: {  	v37 =	vadd.f32 v37, v13;
	_ =	sdelay $0x1  }
0x17d: {  	[tilespmem:s3+$0x60] =	vst v37  }
0x17e: {  	[tilespmem:s0+$0x60] =	vst v37  }
0x17f: {  	v37 =	vld [tilespmem:s19+$0xD00];
	_ =	sdelay $0x4  }
0x180: {  	v37 =	vadd.f32 v37, v12;
	_ =	sdelay $0x1  }
0x181: {  	[tilespmem:s20+$0xA780] =	vst v37  }
0x182: {  	[tilespmem:s18+$0x180] =	vst v37  }
0x183: {  	v37 =	vld [tilespmem:s19+$0xD10];
	_ =	sdelay $0x4  }
0x184: {  	v37 =	vadd.f32 v37, v11;
	_ =	sdelay $0x1  }
0x185: {  	[tilespmem:s3+$0x80] =	vst v37  }
0x186: {  	[tilespmem:s0+$0x80] =	vst v37  }
0x187: {  	v37 =	vld [tilespmem:s19+$0xD20];
	_ =	sdelay $0x4  }
0x188: {  	v37 =	vadd.f32 v37, v10;
	_ =	sdelay $0x1  }
0x189: {  	[tilespmem:s3+$0x90] =	vst v37  }
0x18a: {  	[tilespmem:s0+$0x90] =	vst v37  }
0x18b: {  	v37 =	vld [tilespmem:s19+$0xD30];
	_ =	sdelay $0x4  }
0x18c: {  	v37 =	vadd.f32 v37, v9;
	_ =	sdelay $0x1  }
0x18d: {  	[tilespmem:s3+$0xA0] =	vst v37  }
0x18e: {  	[tilespmem:s0+$0xA0] =	vst v37  }
0x18f: {  	v37 =	vld [tilespmem:s19+$0xD40];
	_ =	sdelay $0x4  }
0x190: {  	v37 =	vadd.f32 v37, v8;
	_ =	sdelay $0x1  }
0x191: {  	[tilespmem:s3+$0xB0] =	vst v37  }
0x192: {  	[tilespmem:s0+$0xB0] =	vst v37  }
0x193: {  	v37 =	vld [tilespmem:s19+$0xD50];
	_ =	sdelay $0x4  }
0x194: {  	v37 =	vadd.f32 v37, v7;
	_ =	sdelay $0x1  }
0x195: {  	[tilespmem:s3+$0xC0] =	vst v37  }
0x196: {  	[tilespmem:s0+$0xC0] =	vst v37  }
0x197: {  	v37 =	vld [tilespmem:s19+$0xD60];
	_ =	sdelay $0x4  }
0x198: {  	v37 =	vadd.f32 v37, v6;
	_ =	sdelay $0x1  }
0x199: {  	[tilespmem:s3+$0xD0] =	vst v37  }
0x19a: {  	[tilespmem:s0+$0xD0] =	vst v37  }
0x19b: {  	v37 =	vld [tilespmem:s19+$0xD70];
	_ =	sdelay $0x4  }
0x19c: {  	v37 =	vadd.f32 v37, v5;
	_ =	sdelay $0x1  }
0x19d: {  	[tilespmem:s3+$0xE0] =	vst v37  }
0x19e: {  	[tilespmem:s0+$0xE0] =	vst v37  }
0x19f: {  	v37 =	vld [tilespmem:s19+$0x1100];
	_ =	sdelay $0x2  }
.Ltmp0:
0x1a0: {  	s16 =	sadd.s32 $0x1, s16;
	(pc) =	sbr.rel @p1 .LBB2_3-.Ltmp0, $4  }
0x1a1: {  	s19 =	sshrl.u32 s16, $0x3  }
0x1a2: {  	s19 =	smul.u32 $0x5000, s19;
	v37 =	vadd.f32 v37, v4  }
0x1a3: {  	s17 =	sadd.s32 $0x80, s17  }
0x1a4: {  	s22 =	sand.u32 $0x380, s17;
	s3 =	sadd.s32 $0x204, s3;
	s23 =	sshra.s32 s19, $0x2;
	[tilespmem:s20+$0xA800] =	vst v37  }
0x1a5: {  	s15 =	sor.u32 s22, s23;
	[tilespmem:s18+$0x200] =	vst v37  }
0x1a6: {  	v37 =	vld [tilespmem:s15+$0x100];
	_ =	sdelay $0x4  }
0x1a7: {  	v36 =	vadd.f32 v37, v36;
	_ =	sdelay $0x1  }
0x1a8: {  	v37 =	vmul.f32 v3, v36  }
0x1a9: {  	s0 =	sadd.s32 $0x204, s0;
	[tilespmem:s3+$0xFFFFFEF0] =	vst v36  }
0x1aa: {  	[tilespmem:s0+$0xFFFFFEF0] =	vst v37  }
0x1ab: {  	v36 =	vld [tilespmem:s15+$0x110];
	_ =	sdelay $0x4  }
0x1ac: {  	v35 =	vadd.f32 v36, v35;
	_ =	sdelay $0x1  }
0x1ad: {  	[tilespmem:s3+$0xFFFFFF00] =	vst v35  }
0x1ae: {  	[tilespmem:s0+$0xFFFFFF00] =	vst v35  }
0x1af: {  	v35 =	vld [tilespmem:s15+$0x120];
	_ =	sdelay $0x4  }
0x1b0: {  	v34 =	vadd.f32 v35, v34;
	_ =	sdelay $0x1  }
0x1b1: {  	[tilespmem:s3+$0xFFFFFF10] =	vst v34  }
0x1b2: {  	[tilespmem:s0+$0xFFFFFF10] =	vst v34  }
0x1b3: {  	v34 =	vld [tilespmem:s15+$0x130];
	_ =	sdelay $0x4  }
0x1b4: {  	v33 =	vadd.f32 v34, v33;
	_ =	sdelay $0x1  }
0x1b5: {  	[tilespmem:s3+$0xFFFFFF20] =	vst v33  }
0x1b6: {  	[tilespmem:s0+$0xFFFFFF20] =	vst v33  }
0x1b7: {  	v33 =	vld [tilespmem:s15+$0x140];
	_ =	sdelay $0x4  }
0x1b8: {  	v32 =	vadd.f32 v33, v32;
	_ =	sdelay $0x1  }
0x1b9: {  	[tilespmem:s3+$0xFFFFFF30] =	vst v32  }
0x1ba: {  	[tilespmem:s0+$0xFFFFFF30] =	vst v32  }
0x1bb: {  	v32 =	vld [tilespmem:s15+$0x150];
	_ =	sdelay $0x4  }
0x1bc: {  	v31 =	vadd.f32 v32, v31;
	_ =	sdelay $0x1  }
0x1bd: {  	[tilespmem:s3+$0xFFFFFF40] =	vst v31  }
0x1be: {  	[tilespmem:s0+$0xFFFFFF40] =	vst v31  }
0x1bf: {  	v31 =	vld [tilespmem:s15+$0x160];
	_ =	sdelay $0x4  }
0x1c0: {  	v30 =	vadd.f32 v31, v30;
	_ =	sdelay $0x1  }
0x1c1: {  	[tilespmem:s3+$0xFFFFFF50] =	vst v30  }
0x1c2: {  	[tilespmem:s0+$0xFFFFFF50] =	vst v30  }
0x1c3: {  	v30 =	vld [tilespmem:s15+$0x170];
	_ =	sdelay $0x4  }
0x1c4: {  	v29 =	vadd.f32 v30, v29;
	_ =	sdelay $0x1  }
0x1c5: {  	[tilespmem:s3+$0xFFFFFF60] =	vst v29  }
0x1c6: {  	[tilespmem:s0+$0xFFFFFF60] =	vst v29  }
0x1c7: {  	v29 =	vld [tilespmem:s15+$0x500];
	_ =	sdelay $0x3  }
0x1c8: {  	s16 =	sadd.s32 $0x204, s30  }
0x1c9: {  	s14 =	sshra.s32 s14, $0x2;
	s16 =	sand.u32 $0x3FFFFF80, s16;
	v28 =	vadd.f32 v29, v28  }
0x1ca: {  	s14 =	sadd.s32 s14, s16  }
0x1cb: {  	s16 =	sadd.s32 $0x12800, s14;
	[tilespmem:s14+$0xA680] =	vst v28  }
0x1cc: {  	[tilespmem:s16+$0x80] =	vst v28  }
0x1cd: {  	v28 =	vld [tilespmem:s15+$0x510];
	_ =	sdelay $0x4  }
0x1ce: {  	v27 =	vadd.f32 v28, v27;
	_ =	sdelay $0x1  }
0x1cf: {  	[tilespmem:s3+$0xFFFFFF80] =	vst v27  }
0x1d0: {  	[tilespmem:s0+$0xFFFFFF80] =	vst v27  }
0x1d1: {  	v27 =	vld [tilespmem:s15+$0x520];
	_ =	sdelay $0x4  }
0x1d2: {  	v26 =	vadd.f32 v27, v26;
	_ =	sdelay $0x1  }
0x1d3: {  	[tilespmem:s3+$0xFFFFFF90] =	vst v26  }
0x1d4: {  	[tilespmem:s0+$0xFFFFFF90] =	vst v26  }
0x1d5: {  	v26 =	vld [tilespmem:s15+$0x530];
	_ =	sdelay $0x4  }
0x1d6: {  	v25 =	vadd.f32 v26, v25;
	_ =	sdelay $0x1  }
0x1d7: {  	[tilespmem:s3+$0xFFFFFFA0] =	vst v25  }
0x1d8: {  	[tilespmem:s0+$0xFFFFFFA0] =	vst v25  }
0x1d9: {  	v25 =	vld [tilespmem:s15+$0x540];
	_ =	sdelay $0x4  }
0x1da: {  	v24 =	vadd.f32 v25, v24;
	_ =	sdelay $0x1  }
0x1db: {  	[tilespmem:s3+$0xFFFFFFB0] =	vst v24  }
0x1dc: {  	[tilespmem:s0+$0xFFFFFFB0] =	vst v24  }
0x1dd: {  	v24 =	vld [tilespmem:s15+$0x550];
	_ =	sdelay $0x4  }
0x1de: {  	v23 =	vadd.f32 v24, v23;
	_ =	sdelay $0x1  }
0x1df: {  	[tilespmem:s3+$0xFFFFFFC0] =	vst v23  }
0x1e0: {  	[tilespmem:s0+$0xFFFFFFC0] =	vst v23  }
0x1e1: {  	v23 =	vld [tilespmem:s15+$0x560];
	_ =	sdelay $0x4  }
0x1e2: {  	v22 =	vadd.f32 v23, v22;
	_ =	sdelay $0x1  }
0x1e3: {  	[tilespmem:s3+$0xFFFFFFD0] =	vst v22  }
0x1e4: {  	[tilespmem:s0+$0xFFFFFFD0] =	vst v22  }
0x1e5: {  	v22 =	vld [tilespmem:s15+$0x570];
	_ =	sdelay $0x4  }
0x1e6: {  	v21 =	vadd.f32 v22, v21;
	_ =	sdelay $0x1  }
0x1e7: {  	[tilespmem:s3+$0xFFFFFFE0] =	vst v21  }
0x1e8: {  	[tilespmem:s0+$0xFFFFFFE0] =	vst v21  }
0x1e9: {  	v21 =	vld [tilespmem:s15+$0x900];
	_ =	sdelay $0x4  }
0x1ea: {  	v20 =	vadd.f32 v21, v20;
	_ =	sdelay $0x1  }
0x1eb: {  	[tilespmem:s14+$0xA700] =	vst v20  }
0x1ec: {  	[tilespmem:s16+$0x100] =	vst v20  }
0x1ed: {  	v20 =	vld [tilespmem:s15+$0x910];
	_ =	sdelay $0x4  }
0x1ee: {  	v19 =	vadd.f32 v20, v19;
	_ =	sdelay $0x1  }
0x1ef: {  	[tilespmem:s3+$0x0] =	vst v19  }
0x1f0: {  	[tilespmem:s0+$0x0] =	vst v19  }
0x1f1: {  	v19 =	vld [tilespmem:s15+$0x920];
	_ =	sdelay $0x4  }
0x1f2: {  	v18 =	vadd.f32 v19, v18;
	_ =	sdelay $0x1  }
0x1f3: {  	[tilespmem:s3+$0x10] =	vst v18  }
0x1f4: {  	[tilespmem:s0+$0x10] =	vst v18  }
0x1f5: {  	v18 =	vld [tilespmem:s15+$0x930];
	_ =	sdelay $0x4  }
0x1f6: {  	v17 =	vadd.f32 v18, v17;
	_ =	sdelay $0x1  }
0x1f7: {  	[tilespmem:s3+$0x20] =	vst v17  }
0x1f8: {  	[tilespmem:s0+$0x20] =	vst v17  }
0x1f9: {  	v17 =	vld [tilespmem:s15+$0x940];
	_ =	sdelay $0x4  }
0x1fa: {  	v16 =	vadd.f32 v17, v16;
	_ =	sdelay $0x1  }
0x1fb: {  	[tilespmem:s3+$0x30] =	vst v16  }
0x1fc: {  	[tilespmem:s0+$0x30] =	vst v16  }
0x1fd: {  	v16 =	vld [tilespmem:s15+$0x950];
	_ =	sdelay $0x4  }
0x1fe: {  	v15 =	vadd.f32 v16, v15;
	_ =	sdelay $0x1  }
0x1ff: {  	[tilespmem:s3+$0x40] =	vst v15  }
0x200: {  	[tilespmem:s0+$0x40] =	vst v15  }
0x201: {  	v15 =	vld [tilespmem:s15+$0x960];
	_ =	sdelay $0x4  }
0x202: {  	v14 =	vadd.f32 v15, v14;
	_ =	sdelay $0x1  }
0x203: {  	[tilespmem:s3+$0x50] =	vst v14  }
0x204: {  	[tilespmem:s0+$0x50] =	vst v14  }
0x205: {  	v14 =	vld [tilespmem:s15+$0x970];
	_ =	sdelay $0x4  }
0x206: {  	v13 =	vadd.f32 v14, v13;
	_ =	sdelay $0x1  }
0x207: {  	[tilespmem:s3+$0x60] =	vst v13  }
0x208: {  	[tilespmem:s0+$0x60] =	vst v13  }
0x209: {  	v13 =	vld [tilespmem:s15+$0xD00];
	_ =	sdelay $0x4  }
0x20a: {  	v12 =	vadd.f32 v13, v12;
	_ =	sdelay $0x1  }
0x20b: {  	[tilespmem:s14+$0xA780] =	vst v12  }
0x20c: {  	[tilespmem:s16+$0x180] =	vst v12  }
0x20d: {  	v12 =	vld [tilespmem:s15+$0xD10];
	_ =	sdelay $0x4  }
0x20e: {  	v11 =	vadd.f32 v12, v11;
	_ =	sdelay $0x1  }
0x20f: {  	[tilespmem:s3+$0x80] =	vst v11  }
0x210: {  	[tilespmem:s0+$0x80] =	vst v11  }
0x211: {  	v11 =	vld [tilespmem:s15+$0xD20];
	_ =	sdelay $0x4  }
0x212: {  	v10 =	vadd.f32 v11, v10;
	_ =	sdelay $0x1  }
0x213: {  	[tilespmem:s3+$0x90] =	vst v10  }
0x214: {  	[tilespmem:s0+$0x90] =	vst v10  }
0x215: {  	v10 =	vld [tilespmem:s15+$0xD30];
	_ =	sdelay $0x4  }
0x216: {  	v9 =	vadd.f32 v10, v9;
	_ =	sdelay $0x1  }
0x217: {  	[tilespmem:s3+$0xA0] =	vst v9  }
0x218: {  	[tilespmem:s0+$0xA0] =	vst v9  }
0x219: {  	v9 =	vld [tilespmem:s15+$0xD40];
	_ =	sdelay $0x4  }
0x21a: {  	v8 =	vadd.f32 v9, v8;
	_ =	sdelay $0x1  }
0x21b: {  	[tilespmem:s3+$0xB0] =	vst v8  }
0x21c: {  	[tilespmem:s0+$0xB0] =	vst v8  }
0x21d: {  	v8 =	vld [tilespmem:s15+$0xD50];
	_ =	sdelay $0x4  }
0x21e: {  	v7 =	vadd.f32 v8, v7;
	_ =	sdelay $0x1  }
0x21f: {  	[tilespmem:s3+$0xC0] =	vst v7  }
0x220: {  	[tilespmem:s0+$0xC0] =	vst v7  }
0x221: {  	v7 =	vld [tilespmem:s15+$0xD60];
	_ =	sdelay $0x4  }
0x222: {  	v6 =	vadd.f32 v7, v6;
	_ =	sdelay $0x1  }
0x223: {  	[tilespmem:s3+$0xD0] =	vst v6  }
0x224: {  	[tilespmem:s0+$0xD0] =	vst v6  }
0x225: {  	v6 =	vld [tilespmem:s15+$0xD70];
	_ =	sdelay $0x4  }
0x226: {  	v5 =	vadd.f32 v6, v5;
	_ =	sdelay $0x1  }
0x227: {  	[tilespmem:s3+$0xE0] =	vst v5  }
0x228: {  	[tilespmem:s0+$0xE0] =	vst v5  }
0x229: {  	v5 =	vld [tilespmem:s15+$0x1100];
	_ =	sdelay $0x4  }
0x22a: {  	s15 =	smul.u32 $0x204, s29;
	v4 =	vadd.f32 v5, v4  }
0x22b: {  	s18 =	sor.u32 $0x1, s31  }
0x22c: {  	p1 =	sgt.u32 s18, $0x7E;
	s0 =	sshrl.u32 s15, $0x3;
	[tilespmem:s14+$0xA800] =	vst v4  }
0x22d: {  	s3 =	sadd.s32 @!p1 s28, s11;
	s0 =	sadd.s32 s1, s0;
	[tilespmem:s16+$0x200] =	vst v4;
	s16 =	simm.s32 $0xA600  }
0x22e: {  	[hbm4b:s0+s2] =	stream.linear.scatter [tilespmem:s16], [sflag:$0x3], $0x4080, $0x38;
	[tilespmem:$0x1AA00] =	vst v63  }
0x22f: {  	s17 =	simm.s32 $0x12800;
	s3 =	sshrl.u32 @!p1 s3, $0x3;
	s0 =	sadd.s32 $0x810000, s0  }
0x230: {  	[hbm4b:s0+s2] =	stream.linear.scatter [tilespmem:s17], [sflag:$0x3], $0x4080, $0x38;
	[tilespmem:$0x1AA00] =	vst v63  }
0x231: {  	s3 =	sadd.s32 @!p1 s7, s3;
	s14 =	simm.s32 @!p1 $0x0  }
0x232: {  	[tilespmem:s14], [sflag:$0x5] =	stream.linear.gather @!p1 [hbm4b:s3+s14], $0x20, $0x38;
	[tilespmem:$0x1AA00] =	vst v63  }
0x233: {  	s3 =	simm.s32 @!p1 $0x5  }
0x234: {  	_ =	swait.ge @!p1 [sflag:s3], $0x20  }
0x235: {  	[sflag:s3] =	ssyncset.done @!p1 $0x0  }
0x236: {  	[sflag:s3] =	ssyncadd.s32 @!p1 $0xFFFFFFE0  }
0x237: {  	v4 =	vld @!p1 [tilespmem:$0x0];
	_ =	sdelay $0x4  }
0x238: {  	v5 =	vshrl.u32 @!p1 v4, $0x3  }
0x239: {  	v5 =	vmul.u32 @!p1 $0x28, v5  }
0x23a: {  	v6 =	vlaneseq.u32 @!p1;
	v4 =	vand.u32 @!p1 $0x7, v4  }
0x23b: {  	v7 =	vshrl.u32 @!p1 v6, $0x3;
	v4 =	vor.u32 @!p1 v4, v5;
	v5 =	vand.u32 @!p1 $0x7, v6  }
0x23c: {  	v7 =	vmul.u32 @!p1 $0x8, v7;
	v8 =	vperm.xlane @!p1 v4, v5;
	_ =	sdelay $0x1  }
0x23d: {  	v8 =	vadd.s32 @!p1 v7, v8;
	_ =	sdelay $0x2  }
0x23e: {  	v6 =	vor.u32 @!p1 $0x8, v6  }
0x23f: {  	vm2 =	vmmov @!p1 $0xffff;
	s3 =	simm.s32 @!p1 $0x100;
	v4 =	vperm.xlane @!p1 v4, v6  }
0x240: {  	[tilespmem:s3], [sflag:$0x1] =	stream.indirect_vreg.gather @!p1 [hbm4b:s5+s14], $0x80, v8, vm2, $0xb8;
	[tilespmem:$0x1AA00] =	vst v63  }
0x241: {  	v4 =	vadd.s32 @!p1 v7, v4;
	s3 =	simm.s32 @!p1 $0x900  }
0x242: {  	[tilespmem:s3], [sflag:$0x1] =	stream.indirect_vreg.gather @!p1 [hbm4b:s9+s14], $0x80, v8, vm2, $0xb8;
	[tilespmem:$0x1AA00] =	vst v63  }
0x243: {  	vm3 =	vmmov @!p1 $0xff;
	s3 =	simm.s32 @!p1 $0x1100  }
0x244: {  	[tilespmem:s3], [sflag:$0x1] =	stream.indirect_vreg.gather @!p1 [hbm4b:s10+s14], $0x80, v8, vm3, $0xb8;
	[tilespmem:$0x1AA00] =	vst v63  }
0x245: {  	s3 =	simm.s32 @!p1 $0x1500  }
0x246: {  	[tilespmem:s3], [sflag:$0x1] =	stream.indirect_vreg.gather @!p1 [hbm4b:s5+s14], $0x80, v4, vm2, $0xb8;
	[tilespmem:$0x1AA00] =	vst v63  }
0x247: {  	s3 =	simm.s32 @!p1 $0x1D00  }
0x248: {  	[tilespmem:s3], [sflag:$0x1] =	stream.indirect_vreg.gather @!p1 [hbm4b:s9+s14], $0x80, v4, vm2, $0xb8;
	[tilespmem:$0x1AA00] =	vst v63  }
0x249: {  	s3 =	simm.s32 @!p1 $0x2500  }
0x24a: {  	[tilespmem:s3], [sflag:$0x1] =	stream.indirect_vreg.gather @!p1 [hbm4b:s10+s14], $0x80, v4, vm3, $0xb8;
	[tilespmem:$0x1AA00] =	vst v63  }
0x24b: {  	v4 =	vld @!p1 [tilespmem:$0x10];
	_ =	sdelay $0x4  }
0x24c: {  	v8 =	vshrl.u32 @!p1 v4, $0x3  }
0x24d: {  	v8 =	vmul.u32 @!p1 $0x28, v8  }
0x24e: {  	v4 =	vand.u32 @!p1 $0x7, v4  }
0x24f: {  	v4 =	vor.u32 @!p1 v4, v8  }
0x250: {  	v5 =	vperm.xlane @!p1 v4, v5;
	_ =	sdelay $0x1  }
0x251: {  	v5 =	vadd.s32 @!p1 v7, v5;
	_ =	sdelay $0x3  }
0x252: {  	s3 =	simm.s32 @!p1 $0x2900;
	v4 =	vperm.xlane @!p1 v4, v6  }
0x253: {  	[tilespmem:s3], [sflag:$0x1] =	stream.indirect_vreg.gather @!p1 [hbm4b:s5+s14], $0x80, v5, vm2, $0xb8;
	[tilespmem:$0x1AA00] =	vst v63  }
0x254: {  	v4 =	vadd.s32 @!p1 v7, v4;
	s3 =	simm.s32 @!p1 $0x3100  }
0x255: {  	[tilespmem:s3], [sflag:$0x1] =	stream.indirect_vreg.gather @!p1 [hbm4b:s9+s14], $0x80, v5, vm2, $0xb8;
	[tilespmem:$0x1AA00] =	vst v63  }
0x256: {  	s0 =	sshll.u32 s18, $0x5;
	s3 =	simm.s32 @!p1 $0x3900  }
0x257: {  	[tilespmem:s3], [sflag:$0x1] =	stream.indirect_vreg.gather @!p1 [hbm4b:s10+s14], $0x80, v5, vm3, $0xb8;
	[tilespmem:$0x1AA00] =	vst v63  }
0x258: {  	s28 =	sadd.s32 s6, s0;
	s0 =	simm.s32 @!p1 $0x3D00  }
0x259: {  	[tilespmem:s0], [sflag:$0x1] =	stream.indirect_vreg.gather @!p1 [hbm4b:s5+s14], $0x80, v4, vm2, $0xb8;
	[tilespmem:$0x1AA00] =	vst v63  }
0x25a: {  	s19 =	sshrl.u32 s28, $0x5;
	s3 =	simm.s32 @!p1 $0x4500  }
0x25b: {  	[tilespmem:s3], [sflag:$0x1] =	stream.indirect_vreg.gather @!p1 [hbm4b:s9+s14], $0x80, v4, vm2, $0xb8;
	[tilespmem:$0x1AA00] =	vst v63  }
0x25c: {  	s0 =	smul.u32 $0x50, s19;
	s3 =	simm.s32 @!p1 $0x4D00  }
0x25d: {  	[tilespmem:s3], [sflag:$0x1] =	stream.indirect_vreg.gather @!p1 [hbm4b:s10+s14], $0x80, v4, vm3, $0xb8;
	[tilespmem:$0x1AA00] =	vst v63  }
0x25e: {  	s0 =	sadd.s32 s4, s0  }
0x25f: {  	[tilespmem:s24], [sflag:$0x5] =	stream.linear.gather [hbm4b:s0+s2], $0x280, $0x38;
	[tilespmem:$0x1AA00] =	vst v63  }
0x260: {  	_ =	swait.ge [sflag:s13], $0x280  }
0x261: {  	[sflag:s13] =	ssyncset.done $0x0  }
0x262: {  	[sflag:s13] =	ssyncadd.s32 $0xFFFFFD80  }
0x263: {  	_ =	swait.ge [sflag:s25], $0x5000  }
0x264: {  	[sflag:s25] =	ssyncset.done $0x0  }
0x265: {  	s0 =	simm.s32 @!p0 $0x4;
	[sflag:s25] =	ssyncadd.s32 $0xFFFFB000  }
0x266: {  	_ =	swait.ge @!p0 [sflag:s0], $0x4080  }
0x267: {  	[sflag:s0] =	ssyncset.done @!p0 $0x0  }
0x268: {  	[sflag:s0] =	ssyncadd.s32 @!p0 $0xFFFFBF80  }
0x269: {  	_ =	swait.ge @!p0 [sflag:s0], $0x4080  }
0x26a: {  	[sflag:s0] =	ssyncset.done @!p0 $0x0  }
0x26b: {  	[sflag:s0] =	ssyncadd.s32 @!p0 $0xFFFFBF80  }
0x26c: {  	v36 =	vld [tilespmem:$0xA380]  }
0x26d: {  	v35 =	vld [tilespmem:$0xA390]  }
0x26e: {  	v34 =	vld [tilespmem:$0xA3A0]  }
0x26f: {  	v33 =	vld [tilespmem:$0xA3B0]  }
0x270: {  	v32 =	vld [tilespmem:$0xA3C0]  }
0x271: {  	v31 =	vld [tilespmem:$0xA3D0]  }
0x272: {  	v30 =	vld [tilespmem:$0xA3E0]  }
0x273: {  	v29 =	vld [tilespmem:$0xA3F0]  }
0x274: {  	v28 =	vld [tilespmem:$0xA400]  }
0x275: {  	v27 =	vld [tilespmem:$0xA410]  }
0x276: {  	v26 =	vld [tilespmem:$0xA420]  }
0x277: {  	v25 =	vld [tilespmem:$0xA430]  }
0x278: {  	v24 =	vld [tilespmem:$0xA440]  }
0x279: {  	v23 =	vld [tilespmem:$0xA450]  }
0x27a: {  	v22 =	vld [tilespmem:$0xA460]  }
0x27b: {  	v21 =	vld [tilespmem:$0xA470]  }
0x27c: {  	v20 =	vld [tilespmem:$0xA480]  }
0x27d: {  	v19 =	vld [tilespmem:$0xA490]  }
0x27e: {  	v18 =	vld [tilespmem:$0xA4A0]  }
0x27f: {  	v17 =	vld [tilespmem:$0xA4B0]  }
0x280: {  	s20 =	simm.s32 $0x0;
	v16 =	vld [tilespmem:$0xA4C0]  }
0x281: {  	s0 =	smul.u32 $0x5000, s20;
	v15 =	vld [tilespmem:$0xA4D0]  }
0x282: {  	s29 =	simm.s32 $0x0;
	v14 =	vld [tilespmem:$0xA4E0]  }
0x283: {  	s22 =	sand.u32 $0x380, s29;
	v13 =	vld [tilespmem:$0xA4F0];
	s0 =	sshra.s32 s0, $0x2  }
0x284: {  	v12 =	vld [tilespmem:$0xA500];
	s3 =	sor.u32 s22, s0  }
0x285: {  	v4 =	vld [tilespmem:s3+$0x5100]  }
0x286: {  	v11 =	vld [tilespmem:$0xA510]  }
0x287: {  	v10 =	vld [tilespmem:$0xA520]  }
0x288: {  	v9 =	vld [tilespmem:$0xA530]  }
0x289: {  	v8 =	vld [tilespmem:$0xA540]  }
0x28a: {  	v7 =	vld [tilespmem:$0xA550];
	v63 =	vadd.f32 v4, v36  }
0x28b: {  	v6 =	vld [tilespmem:$0xA560]  }
0x28c: {  	s23 =	simm.s32 $0xE810;
	v5 =	vld [tilespmem:$0xA570];
	v38 =	vmul.f32 v3, v63  }
0x28d: {  	s0 =	simm.s32 $0x16A10;
	v4 =	vld [tilespmem:$0xA580];
	[tilespmem:s23+$0xFFFFFEF0] =	vst v63  }
0x28e: {  	[tilespmem:s0+$0xFFFFFEF0] =	vst v38  }
0x28f: {  	v37 =	vld [tilespmem:s3+$0x5110];
	_ =	sdelay $0x4  }
0x290: {  	v37 =	vadd.f32 v37, v35;
	_ =	sdelay $0x1  }
0x291: {  	[tilespmem:s23+$0xFFFFFF00] =	vst v37  }
0x292: {  	[tilespmem:s0+$0xFFFFFF00] =	vst v37  }
0x293: {  	v37 =	vld [tilespmem:s3+$0x5120];
	_ =	sdelay $0x4  }
0x294: {  	v37 =	vadd.f32 v37, v34;
	_ =	sdelay $0x1  }
0x295: {  	[tilespmem:s23+$0xFFFFFF10] =	vst v37  }
0x296: {  	[tilespmem:s0+$0xFFFFFF10] =	vst v37  }
0x297: {  	v37 =	vld [tilespmem:s3+$0x5130];
	_ =	sdelay $0x4  }
0x298: {  	v37 =	vadd.f32 v37, v33;
	_ =	sdelay $0x1  }
0x299: {  	[tilespmem:s23+$0xFFFFFF20] =	vst v37  }
0x29a: {  	[tilespmem:s0+$0xFFFFFF20] =	vst v37  }
0x29b: {  	v37 =	vld [tilespmem:s3+$0x5140];
	_ =	sdelay $0x4  }
0x29c: {  	v37 =	vadd.f32 v37, v32;
	_ =	sdelay $0x1  }
0x29d: {  	[tilespmem:s23+$0xFFFFFF30] =	vst v37  }
0x29e: {  	[tilespmem:s0+$0xFFFFFF30] =	vst v37  }
0x29f: {  	v37 =	vld [tilespmem:s3+$0x5150];
	_ =	sdelay $0x4  }
0x2a0: {  	v37 =	vadd.f32 v37, v31;
	_ =	sdelay $0x1  }
0x2a1: {  	[tilespmem:s23+$0xFFFFFF40] =	vst v37  }
0x2a2: {  	[tilespmem:s0+$0xFFFFFF40] =	vst v37  }
0x2a3: {  	v37 =	vld [tilespmem:s3+$0x5160];
	_ =	sdelay $0x4  }
0x2a4: {  	v37 =	vadd.f32 v37, v30;
	_ =	sdelay $0x1  }
0x2a5: {  	[tilespmem:s23+$0xFFFFFF50] =	vst v37  }
0x2a6: {  	[tilespmem:s0+$0xFFFFFF50] =	vst v37  }
0x2a7: {  	v37 =	vld [tilespmem:s3+$0x5170];
	_ =	sdelay $0x4  }
0x2a8: {  	v37 =	vadd.f32 v37, v29;
	_ =	sdelay $0x1  }
0x2a9: {  	[tilespmem:s23+$0xFFFFFF60] =	vst v37  }
0x2aa: {  	[tilespmem:s0+$0xFFFFFF60] =	vst v37  }
0x2ab: {  	v37 =	vld [tilespmem:s3+$0x5500];
	_ =	sdelay $0x4  }
0x2ac: {  	s30 =	sand.u32 $0x3FFFFF80, s29;
	v37 =	vadd.f32 v37, v28  }
0x2ad: {  	s19 =	sadd.s32 $0x0, s30  }
0x2ae: {  	s18 =	sadd.s32 $0x16900, s19;
	[tilespmem:s19+$0xE780] =	vst v37  }
0x2af: {  	[tilespmem:s18+$0x80] =	vst v37  }
0x2b0: {  	v37 =	vld [tilespmem:s3+$0x5510];
	_ =	sdelay $0x4  }
0x2b1: {  	v37 =	vadd.f32 v37, v27;
	_ =	sdelay $0x1  }
0x2b2: {  	[tilespmem:s23+$0xFFFFFF80] =	vst v37  }
0x2b3: {  	[tilespmem:s0+$0xFFFFFF80] =	vst v37  }
0x2b4: {  	v37 =	vld [tilespmem:s3+$0x5520];
	_ =	sdelay $0x4  }
0x2b5: {  	v37 =	vadd.f32 v37, v26;
	_ =	sdelay $0x1  }
0x2b6: {  	[tilespmem:s23+$0xFFFFFF90] =	vst v37  }
0x2b7: {  	[tilespmem:s0+$0xFFFFFF90] =	vst v37  }
0x2b8: {  	v37 =	vld [tilespmem:s3+$0x5530];
	_ =	sdelay $0x4  }
0x2b9: {  	v37 =	vadd.f32 v37, v25;
	_ =	sdelay $0x1  }
0x2ba: {  	[tilespmem:s23+$0xFFFFFFA0] =	vst v37  }
0x2bb: {  	[tilespmem:s0+$0xFFFFFFA0] =	vst v37  }
0x2bc: {  	v37 =	vld [tilespmem:s3+$0x5540];
	_ =	sdelay $0x4  }
0x2bd: {  	v37 =	vadd.f32 v37, v24;
	_ =	sdelay $0x1  }
0x2be: {  	[tilespmem:s23+$0xFFFFFFB0] =	vst v37  }
0x2bf: {  	[tilespmem:s0+$0xFFFFFFB0] =	vst v37  }
0x2c0: {  	v37 =	vld [tilespmem:s3+$0x5550];
	_ =	sdelay $0x4  }
0x2c1: {  	v37 =	vadd.f32 v37, v23;
	_ =	sdelay $0x1  }
0x2c2: {  	[tilespmem:s23+$0xFFFFFFC0] =	vst v37  }
0x2c3: {  	[tilespmem:s0+$0xFFFFFFC0] =	vst v37  }
0x2c4: {  	v37 =	vld [tilespmem:s3+$0x5560];
	_ =	sdelay $0x4  }
0x2c5: {  	v37 =	vadd.f32 v37, v22;
	_ =	sdelay $0x1  }
0x2c6: {  	[tilespmem:s23+$0xFFFFFFD0] =	vst v37  }
0x2c7: {  	[tilespmem:s0+$0xFFFFFFD0] =	vst v37  }
0x2c8: {  	v37 =	vld [tilespmem:s3+$0x5570];
	_ =	sdelay $0x4  }
0x2c9: {  	v37 =	vadd.f32 v37, v21;
	_ =	sdelay $0x1  }
0x2ca: {  	[tilespmem:s23+$0xFFFFFFE0] =	vst v37  }
0x2cb: {  	[tilespmem:s0+$0xFFFFFFE0] =	vst v37  }
0x2cc: {  	v37 =	vld [tilespmem:s3+$0x5900];
	_ =	sdelay $0x4  }
0x2cd: {  	v37 =	vadd.f32 v37, v20;
	_ =	sdelay $0x1  }
0x2ce: {  	[tilespmem:s19+$0xE800] =	vst v37  }
0x2cf: {  	[tilespmem:s18+$0x100] =	vst v37  }
0x2d0: {  	v37 =	vld [tilespmem:s3+$0x5910];
	_ =	sdelay $0x4  }
0x2d1: {  	v37 =	vadd.f32 v37, v19;
	_ =	sdelay $0x1  }
0x2d2: {  	[tilespmem:s23+$0x0] =	vst v37  }
0x2d3: {  	[tilespmem:s0+$0x0] =	vst v37  }
0x2d4: {  	v37 =	vld [tilespmem:s3+$0x5920];
	_ =	sdelay $0x4  }
0x2d5: {  	v37 =	vadd.f32 v37, v18;
	_ =	sdelay $0x1  }
0x2d6: {  	[tilespmem:s23+$0x10] =	vst v37  }
0x2d7: {  	[tilespmem:s0+$0x10] =	vst v37  }
0x2d8: {  	v37 =	vld [tilespmem:s3+$0x5930];
	_ =	sdelay $0x4  }
0x2d9: {  	v37 =	vadd.f32 v37, v17;
	_ =	sdelay $0x1  }
0x2da: {  	[tilespmem:s23+$0x20] =	vst v37  }
0x2db: {  	[tilespmem:s0+$0x20] =	vst v37  }
0x2dc: {  	v37 =	vld [tilespmem:s3+$0x5940];
	_ =	sdelay $0x4  }
0x2dd: {  	v37 =	vadd.f32 v37, v16;
	_ =	sdelay $0x1  }
0x2de: {  	[tilespmem:s23+$0x30] =	vst v37  }
0x2df: {  	[tilespmem:s0+$0x30] =	vst v37  }
0x2e0: {  	v37 =	vld [tilespmem:s3+$0x5950];
	_ =	sdelay $0x4  }
0x2e1: {  	v37 =	vadd.f32 v37, v15;
	_ =	sdelay $0x1  }
0x2e2: {  	[tilespmem:s23+$0x40] =	vst v37  }
0x2e3: {  	[tilespmem:s0+$0x40] =	vst v37  }
0x2e4: {  	v37 =	vld [tilespmem:s3+$0x5960];
	_ =	sdelay $0x4  }
0x2e5: {  	v37 =	vadd.f32 v37, v14;
	_ =	sdelay $0x1  }
0x2e6: {  	[tilespmem:s23+$0x50] =	vst v37  }
0x2e7: {  	[tilespmem:s0+$0x50] =	vst v37  }
0x2e8: {  	v37 =	vld [tilespmem:s3+$0x5970];
	_ =	sdelay $0x4  }
0x2e9: {  	v37 =	vadd.f32 v37, v13;
	_ =	sdelay $0x1  }
0x2ea: {  	[tilespmem:s23+$0x60] =	vst v37  }
0x2eb: {  	[tilespmem:s0+$0x60] =	vst v37  }
0x2ec: {  	v37 =	vld [tilespmem:s3+$0x5D00];
	_ =	sdelay $0x4  }
0x2ed: {  	v37 =	vadd.f32 v37, v12;
	_ =	sdelay $0x1  }
0x2ee: {  	[tilespmem:s19+$0xE880] =	vst v37  }
0x2ef: {  	[tilespmem:s18+$0x180] =	vst v37  }
0x2f0: {  	v37 =	vld [tilespmem:s3+$0x5D10];
	_ =	sdelay $0x4  }
0x2f1: {  	v37 =	vadd.f32 v37, v11;
	_ =	sdelay $0x1  }
0x2f2: {  	[tilespmem:s23+$0x80] =	vst v37  }
0x2f3: {  	[tilespmem:s0+$0x80] =	vst v37  }
0x2f4: {  	v37 =	vld [tilespmem:s3+$0x5D20];
	_ =	sdelay $0x4  }
0x2f5: {  	v37 =	vadd.f32 v37, v10;
	_ =	sdelay $0x1  }
0x2f6: {  	[tilespmem:s23+$0x90] =	vst v37  }
0x2f7: {  	[tilespmem:s0+$0x90] =	vst v37  }
0x2f8: {  	v37 =	vld [tilespmem:s3+$0x5D30];
	_ =	sdelay $0x4  }
0x2f9: {  	v37 =	vadd.f32 v37, v9;
	_ =	sdelay $0x1  }
0x2fa: {  	[tilespmem:s23+$0xA0] =	vst v37  }
0x2fb: {  	[tilespmem:s0+$0xA0] =	vst v37  }
0x2fc: {  	v37 =	vld [tilespmem:s3+$0x5D40];
	_ =	sdelay $0x4  }
0x2fd: {  	v37 =	vadd.f32 v37, v8;
	_ =	sdelay $0x1  }
0x2fe: {  	[tilespmem:s23+$0xB0] =	vst v37  }
0x2ff: {  	[tilespmem:s0+$0xB0] =	vst v37  }
0x300: {  	v37 =	vld [tilespmem:s3+$0x5D50];
	_ =	sdelay $0x4  }
0x301: {  	v37 =	vadd.f32 v37, v7;
	_ =	sdelay $0x1  }
0x302: {  	[tilespmem:s23+$0xC0] =	vst v37  }
0x303: {  	[tilespmem:s0+$0xC0] =	vst v37  }
0x304: {  	v37 =	vld [tilespmem:s3+$0x5D60];
	_ =	sdelay $0x4  }
0x305: {  	v37 =	vadd.f32 v37, v6;
	_ =	sdelay $0x1  }
0x306: {  	[tilespmem:s23+$0xD0] =	vst v37  }
0x307: {  	[tilespmem:s0+$0xD0] =	vst v37  }
0x308: {  	v37 =	vld [tilespmem:s3+$0x5D70];
	_ =	sdelay $0x4  }
0x309: {  	v37 =	vadd.f32 v37, v5;
	_ =	sdelay $0x1  }
0x30a: {  	[tilespmem:s23+$0xE0] =	vst v37  }
0x30b: {  	[tilespmem:s0+$0xE0] =	vst v37  }
0x30c: {  	v37 =	vld [tilespmem:s3+$0x6100];
	_ =	sdelay $0x3  }
0x30d: {  	s31 =	simm.s32 $0x0  }
0x30e: {  	s15 =	simm.s32 $0x20;
	s3 =	smul.u32 $0x5000, s31;
	v37 =	vadd.f32 v37, v4  }
0x30f: {  	s16 =	simm.s32 $0x1;
	s17 =	simm.s32 $0x80;
	s14 =	simm.s32 $0x10  }
0x310: {  	s22 =	sand.u32 $0x380, s17;
	s23 =	sshra.s32 s3, $0x2;
	s3 =	simm.s32 $0xEA14;
	[tilespmem:s19+$0xE900] =	vst v37  }
.LBB2_5:
0x311: {  	s19 =	sor.u32 s22, s23;
	[tilespmem:s18+$0x200] =	vst v37;
	s29 =	sadd.s32 $0x204, s29;
	s0 =	sadd.s32 $0x204, s0  }
0x312: {  	p0 =	sne.s32 s15, $0x1F0;
	s18 =	smov.u32 s15;
	s15 =	sadd.s32 $0x10, s15;
	v37 =	vld [tilespmem:s19+$0x5100]  }
0x313: {  	_ =	sdelay $0x3  }
0x314: {  	v37 =	vadd.f32 v37, v36;
	_ =	sdelay $0x1  }
0x315: {  	v38 =	vmul.f32 v3, v37  }
0x316: {  	[tilespmem:s3+$0xFFFFFEF0] =	vst v37  }
0x317: {  	[tilespmem:s0+$0xFFFFFEF0] =	vst v38  }
0x318: {  	v37 =	vld [tilespmem:s19+$0x5110];
	_ =	sdelay $0x4  }
0x319: {  	v37 =	vadd.f32 v37, v35;
	_ =	sdelay $0x1  }
0x31a: {  	[tilespmem:s3+$0xFFFFFF00] =	vst v37  }
0x31b: {  	[tilespmem:s0+$0xFFFFFF00] =	vst v37  }
0x31c: {  	v37 =	vld [tilespmem:s19+$0x5120];
	_ =	sdelay $0x4  }
0x31d: {  	v37 =	vadd.f32 v37, v34;
	_ =	sdelay $0x1  }
0x31e: {  	[tilespmem:s3+$0xFFFFFF10] =	vst v37  }
0x31f: {  	[tilespmem:s0+$0xFFFFFF10] =	vst v37  }
0x320: {  	v37 =	vld [tilespmem:s19+$0x5130];
	_ =	sdelay $0x4  }
0x321: {  	v37 =	vadd.f32 v37, v33;
	_ =	sdelay $0x1  }
0x322: {  	[tilespmem:s3+$0xFFFFFF20] =	vst v37  }
0x323: {  	[tilespmem:s0+$0xFFFFFF20] =	vst v37  }
0x324: {  	v37 =	vld [tilespmem:s19+$0x5140];
	_ =	sdelay $0x4  }
0x325: {  	v37 =	vadd.f32 v37, v32;
	_ =	sdelay $0x1  }
0x326: {  	[tilespmem:s3+$0xFFFFFF30] =	vst v37  }
0x327: {  	[tilespmem:s0+$0xFFFFFF30] =	vst v37  }
0x328: {  	v37 =	vld [tilespmem:s19+$0x5150];
	_ =	sdelay $0x4  }
0x329: {  	v37 =	vadd.f32 v37, v31;
	_ =	sdelay $0x1  }
0x32a: {  	[tilespmem:s3+$0xFFFFFF40] =	vst v37  }
0x32b: {  	[tilespmem:s0+$0xFFFFFF40] =	vst v37  }
0x32c: {  	v37 =	vld [tilespmem:s19+$0x5160];
	_ =	sdelay $0x4  }
0x32d: {  	v37 =	vadd.f32 v37, v30;
	_ =	sdelay $0x1  }
0x32e: {  	[tilespmem:s3+$0xFFFFFF50] =	vst v37  }
0x32f: {  	[tilespmem:s0+$0xFFFFFF50] =	vst v37  }
0x330: {  	v37 =	vld [tilespmem:s19+$0x5170];
	_ =	sdelay $0x4  }
0x331: {  	v37 =	vadd.f32 v37, v29;
	_ =	sdelay $0x1  }
0x332: {  	[tilespmem:s3+$0xFFFFFF60] =	vst v37  }
0x333: {  	[tilespmem:s0+$0xFFFFFF60] =	vst v37  }
0x334: {  	v37 =	vld [tilespmem:s19+$0x5500];
	_ =	sdelay $0x4  }
0x335: {  	s22 =	sshra.s32 s14, $0x2;
	s20 =	sand.u32 $0x3FFFFF80, s29;
	s14 =	smov.u32 s18;
	v37 =	vadd.f32 v37, v28  }
0x336: {  	s20 =	sadd.s32 s22, s20  }
0x337: {  	s18 =	sadd.s32 $0x16900, s20;
	[tilespmem:s20+$0xE780] =	vst v37  }
0x338: {  	[tilespmem:s18+$0x80] =	vst v37  }
0x339: {  	v37 =	vld [tilespmem:s19+$0x5510];
	_ =	sdelay $0x4  }
0x33a: {  	v37 =	vadd.f32 v37, v27;
	_ =	sdelay $0x1  }
0x33b: {  	[tilespmem:s3+$0xFFFFFF80] =	vst v37  }
0x33c: {  	[tilespmem:s0+$0xFFFFFF80] =	vst v37  }
0x33d: {  	v37 =	vld [tilespmem:s19+$0x5520];
	_ =	sdelay $0x4  }
0x33e: {  	v37 =	vadd.f32 v37, v26;
	_ =	sdelay $0x1  }
0x33f: {  	[tilespmem:s3+$0xFFFFFF90] =	vst v37  }
0x340: {  	[tilespmem:s0+$0xFFFFFF90] =	vst v37  }
0x341: {  	v37 =	vld [tilespmem:s19+$0x5530];
	_ =	sdelay $0x4  }
0x342: {  	v37 =	vadd.f32 v37, v25;
	_ =	sdelay $0x1  }
0x343: {  	[tilespmem:s3+$0xFFFFFFA0] =	vst v37  }
0x344: {  	[tilespmem:s0+$0xFFFFFFA0] =	vst v37  }
0x345: {  	v37 =	vld [tilespmem:s19+$0x5540];
	_ =	sdelay $0x4  }
0x346: {  	v37 =	vadd.f32 v37, v24;
	_ =	sdelay $0x1  }
0x347: {  	[tilespmem:s3+$0xFFFFFFB0] =	vst v37  }
0x348: {  	[tilespmem:s0+$0xFFFFFFB0] =	vst v37  }
0x349: {  	v37 =	vld [tilespmem:s19+$0x5550];
	_ =	sdelay $0x4  }
0x34a: {  	v37 =	vadd.f32 v37, v23;
	_ =	sdelay $0x1  }
0x34b: {  	[tilespmem:s3+$0xFFFFFFC0] =	vst v37  }
0x34c: {  	[tilespmem:s0+$0xFFFFFFC0] =	vst v37  }
0x34d: {  	v37 =	vld [tilespmem:s19+$0x5560];
	_ =	sdelay $0x4  }
0x34e: {  	v37 =	vadd.f32 v37, v22;
	_ =	sdelay $0x1  }
0x34f: {  	[tilespmem:s3+$0xFFFFFFD0] =	vst v37  }
0x350: {  	[tilespmem:s0+$0xFFFFFFD0] =	vst v37  }
0x351: {  	v37 =	vld [tilespmem:s19+$0x5570];
	_ =	sdelay $0x4  }
0x352: {  	v37 =	vadd.f32 v37, v21;
	_ =	sdelay $0x1  }
0x353: {  	[tilespmem:s3+$0xFFFFFFE0] =	vst v37  }
0x354: {  	[tilespmem:s0+$0xFFFFFFE0] =	vst v37  }
0x355: {  	v37 =	vld [tilespmem:s19+$0x5900];
	_ =	sdelay $0x4  }
0x356: {  	v37 =	vadd.f32 v37, v20;
	_ =	sdelay $0x1  }
0x357: {  	[tilespmem:s20+$0xE800] =	vst v37  }
0x358: {  	[tilespmem:s18+$0x100] =	vst v37  }
0x359: {  	v37 =	vld [tilespmem:s19+$0x5910];
	_ =	sdelay $0x4  }
0x35a: {  	v37 =	vadd.f32 v37, v19;
	_ =	sdelay $0x1  }
0x35b: {  	[tilespmem:s3+$0x0] =	vst v37  }
0x35c: {  	[tilespmem:s0+$0x0] =	vst v37  }
0x35d: {  	v37 =	vld [tilespmem:s19+$0x5920];
	_ =	sdelay $0x4  }
0x35e: {  	v37 =	vadd.f32 v37, v18;
	_ =	sdelay $0x1  }
0x35f: {  	[tilespmem:s3+$0x10] =	vst v37  }
0x360: {  	[tilespmem:s0+$0x10] =	vst v37  }
0x361: {  	v37 =	vld [tilespmem:s19+$0x5930];
	_ =	sdelay $0x4  }
0x362: {  	v37 =	vadd.f32 v37, v17;
	_ =	sdelay $0x1  }
0x363: {  	[tilespmem:s3+$0x20] =	vst v37  }
0x364: {  	[tilespmem:s0+$0x20] =	vst v37  }
0x365: {  	v37 =	vld [tilespmem:s19+$0x5940];
	_ =	sdelay $0x4  }
0x366: {  	v37 =	vadd.f32 v37, v16;
	_ =	sdelay $0x1  }
0x367: {  	[tilespmem:s3+$0x30] =	vst v37  }
0x368: {  	[tilespmem:s0+$0x30] =	vst v37  }
0x369: {  	v37 =	vld [tilespmem:s19+$0x5950];
	_ =	sdelay $0x4  }
0x36a: {  	v37 =	vadd.f32 v37, v15;
	_ =	sdelay $0x1  }
0x36b: {  	[tilespmem:s3+$0x40] =	vst v37  }
0x36c: {  	[tilespmem:s0+$0x40] =	vst v37  }
0x36d: {  	v37 =	vld [tilespmem:s19+$0x5960];
	_ =	sdelay $0x4  }
0x36e: {  	v37 =	vadd.f32 v37, v14;
	_ =	sdelay $0x1  }
0x36f: {  	[tilespmem:s3+$0x50] =	vst v37  }
0x370: {  	[tilespmem:s0+$0x50] =	vst v37  }
0x371: {  	v37 =	vld [tilespmem:s19+$0x5970];
	_ =	sdelay $0x4  }
0x372: {  	v37 =	vadd.f32 v37, v13;
	_ =	sdelay $0x1  }
0x373: {  	[tilespmem:s3+$0x60] =	vst v37  }
0x374: {  	[tilespmem:s0+$0x60] =	vst v37  }
0x375: {  	v37 =	vld [tilespmem:s19+$0x5D00];
	_ =	sdelay $0x4  }
0x376: {  	v37 =	vadd.f32 v37, v12;
	_ =	sdelay $0x1  }
0x377: {  	[tilespmem:s20+$0xE880] =	vst v37  }
0x378: {  	[tilespmem:s18+$0x180] =	vst v37  }
0x379: {  	v37 =	vld [tilespmem:s19+$0x5D10];
	_ =	sdelay $0x4  }
0x37a: {  	v37 =	vadd.f32 v37, v11;
	_ =	sdelay $0x1  }
0x37b: {  	[tilespmem:s3+$0x80] =	vst v37  }
0x37c: {  	[tilespmem:s0+$0x80] =	vst v37  }
0x37d: {  	v37 =	vld [tilespmem:s19+$0x5D20];
	_ =	sdelay $0x4  }
0x37e: {  	v37 =	vadd.f32 v37, v10;
	_ =	sdelay $0x1  }
0x37f: {  	[tilespmem:s3+$0x90] =	vst v37  }
0x380: {  	[tilespmem:s0+$0x90] =	vst v37  }
0x381: {  	v37 =	vld [tilespmem:s19+$0x5D30];
	_ =	sdelay $0x4  }
0x382: {  	v37 =	vadd.f32 v37, v9;
	_ =	sdelay $0x1  }
0x383: {  	[tilespmem:s3+$0xA0] =	vst v37  }
0x384: {  	[tilespmem:s0+$0xA0] =	vst v37  }
0x385: {  	v37 =	vld [tilespmem:s19+$0x5D40];
	_ =	sdelay $0x4  }
0x386: {  	v37 =	vadd.f32 v37, v8;
	_ =	sdelay $0x1  }
0x387: {  	[tilespmem:s3+$0xB0] =	vst v37  }
0x388: {  	[tilespmem:s0+$0xB0] =	vst v37  }
0x389: {  	v37 =	vld [tilespmem:s19+$0x5D50];
	_ =	sdelay $0x4  }
0x38a: {  	v37 =	vadd.f32 v37, v7;
	_ =	sdelay $0x1  }
0x38b: {  	[tilespmem:s3+$0xC0] =	vst v37  }
0x38c: {  	[tilespmem:s0+$0xC0] =	vst v37  }
0x38d: {  	v37 =	vld [tilespmem:s19+$0x5D60];
	_ =	sdelay $0x4  }
0x38e: {  	v37 =	vadd.f32 v37, v6;
	_ =	sdelay $0x1  }
0x38f: {  	[tilespmem:s3+$0xD0] =	vst v37  }
0x390: {  	[tilespmem:s0+$0xD0] =	vst v37  }
0x391: {  	v37 =	vld [tilespmem:s19+$0x5D70];
	_ =	sdelay $0x4  }
0x392: {  	v37 =	vadd.f32 v37, v5;
	_ =	sdelay $0x1  }
0x393: {  	[tilespmem:s3+$0xE0] =	vst v37  }
0x394: {  	[tilespmem:s0+$0xE0] =	vst v37  }
0x395: {  	v37 =	vld [tilespmem:s19+$0x6100];
	_ =	sdelay $0x2  }
.Ltmp1:
0x396: {  	s16 =	sadd.s32 $0x1, s16;
	(pc) =	sbr.rel @p0 .LBB2_5-.Ltmp1, $4  }
0x397: {  	s19 =	sshrl.u32 s16, $0x3  }
0x398: {  	s19 =	smul.u32 $0x5000, s19;
	v37 =	vadd.f32 v37, v4  }
0x399: {  	s17 =	sadd.s32 $0x80, s17  }
0x39a: {  	s22 =	sand.u32 $0x380, s17;
	s3 =	sadd.s32 $0x204, s3;
	s23 =	sshra.s32 s19, $0x2;
	[tilespmem:s20+$0xE900] =	vst v37  }
0x39b: {  	s15 =	sor.u32 s22, s23;
	[tilespmem:s18+$0x200] =	vst v37  }
0x39c: {  	v37 =	vld [tilespmem:s15+$0x5100];
	_ =	sdelay $0x4  }
0x39d: {  	v36 =	vadd.f32 v37, v36;
	_ =	sdelay $0x1  }
0x39e: {  	v37 =	vmul.f32 v3, v36  }
0x39f: {  	s0 =	sadd.s32 $0x204, s0;
	[tilespmem:s3+$0xFFFFFEF0] =	vst v36  }
0x3a0: {  	[tilespmem:s0+$0xFFFFFEF0] =	vst v37  }
0x3a1: {  	v36 =	vld [tilespmem:s15+$0x5110];
	_ =	sdelay $0x4  }
0x3a2: {  	v35 =	vadd.f32 v36, v35;
	_ =	sdelay $0x1  }
0x3a3: {  	[tilespmem:s3+$0xFFFFFF00] =	vst v35  }
0x3a4: {  	[tilespmem:s0+$0xFFFFFF00] =	vst v35  }
0x3a5: {  	v35 =	vld [tilespmem:s15+$0x5120];
	_ =	sdelay $0x4  }
0x3a6: {  	v34 =	vadd.f32 v35, v34;
	_ =	sdelay $0x1  }
0x3a7: {  	[tilespmem:s3+$0xFFFFFF10] =	vst v34  }
0x3a8: {  	[tilespmem:s0+$0xFFFFFF10] =	vst v34  }
0x3a9: {  	v34 =	vld [tilespmem:s15+$0x5130];
	_ =	sdelay $0x4  }
0x3aa: {  	v33 =	vadd.f32 v34, v33;
	_ =	sdelay $0x1  }
0x3ab: {  	[tilespmem:s3+$0xFFFFFF20] =	vst v33  }
0x3ac: {  	[tilespmem:s0+$0xFFFFFF20] =	vst v33  }
0x3ad: {  	v33 =	vld [tilespmem:s15+$0x5140];
	_ =	sdelay $0x4  }
0x3ae: {  	v32 =	vadd.f32 v33, v32;
	_ =	sdelay $0x1  }
0x3af: {  	[tilespmem:s3+$0xFFFFFF30] =	vst v32  }
0x3b0: {  	[tilespmem:s0+$0xFFFFFF30] =	vst v32  }
0x3b1: {  	v32 =	vld [tilespmem:s15+$0x5150];
	_ =	sdelay $0x4  }
0x3b2: {  	v31 =	vadd.f32 v32, v31;
	_ =	sdelay $0x1  }
0x3b3: {  	[tilespmem:s3+$0xFFFFFF40] =	vst v31  }
0x3b4: {  	[tilespmem:s0+$0xFFFFFF40] =	vst v31  }
0x3b5: {  	v31 =	vld [tilespmem:s15+$0x5160];
	_ =	sdelay $0x4  }
0x3b6: {  	v30 =	vadd.f32 v31, v30;
	_ =	sdelay $0x1  }
0x3b7: {  	[tilespmem:s3+$0xFFFFFF50] =	vst v30  }
0x3b8: {  	[tilespmem:s0+$0xFFFFFF50] =	vst v30  }
0x3b9: {  	v30 =	vld [tilespmem:s15+$0x5170];
	_ =	sdelay $0x4  }
0x3ba: {  	v29 =	vadd.f32 v30, v29;
	_ =	sdelay $0x1  }
0x3bb: {  	[tilespmem:s3+$0xFFFFFF60] =	vst v29  }
0x3bc: {  	[tilespmem:s0+$0xFFFFFF60] =	vst v29  }
0x3bd: {  	v29 =	vld [tilespmem:s15+$0x5500];
	_ =	sdelay $0x3  }
0x3be: {  	s16 =	sadd.s32 $0x204, s29  }
0x3bf: {  	s14 =	sshra.s32 s14, $0x2;
	s16 =	sand.u32 $0x3FFFFF80, s16;
	v28 =	vadd.f32 v29, v28  }
0x3c0: {  	s14 =	sadd.s32 s14, s16  }
0x3c1: {  	s16 =	sadd.s32 $0x16900, s14;
	[tilespmem:s14+$0xE780] =	vst v28  }
0x3c2: {  	[tilespmem:s16+$0x80] =	vst v28  }
0x3c3: {  	v28 =	vld [tilespmem:s15+$0x5510];
	_ =	sdelay $0x4  }
0x3c4: {  	v27 =	vadd.f32 v28, v27;
	_ =	sdelay $0x1  }
0x3c5: {  	[tilespmem:s3+$0xFFFFFF80] =	vst v27  }
0x3c6: {  	[tilespmem:s0+$0xFFFFFF80] =	vst v27  }
0x3c7: {  	v27 =	vld [tilespmem:s15+$0x5520];
	_ =	sdelay $0x4  }
0x3c8: {  	v26 =	vadd.f32 v27, v26;
	_ =	sdelay $0x1  }
0x3c9: {  	[tilespmem:s3+$0xFFFFFF90] =	vst v26  }
0x3ca: {  	[tilespmem:s0+$0xFFFFFF90] =	vst v26  }
0x3cb: {  	v26 =	vld [tilespmem:s15+$0x5530];
	_ =	sdelay $0x4  }
0x3cc: {  	v25 =	vadd.f32 v26, v25;
	_ =	sdelay $0x1  }
0x3cd: {  	[tilespmem:s3+$0xFFFFFFA0] =	vst v25  }
0x3ce: {  	[tilespmem:s0+$0xFFFFFFA0] =	vst v25  }
0x3cf: {  	v25 =	vld [tilespmem:s15+$0x5540];
	_ =	sdelay $0x4  }
0x3d0: {  	v24 =	vadd.f32 v25, v24;
	_ =	sdelay $0x1  }
0x3d1: {  	[tilespmem:s3+$0xFFFFFFB0] =	vst v24  }
0x3d2: {  	[tilespmem:s0+$0xFFFFFFB0] =	vst v24  }
0x3d3: {  	v24 =	vld [tilespmem:s15+$0x5550];
	_ =	sdelay $0x4  }
0x3d4: {  	v23 =	vadd.f32 v24, v23;
	_ =	sdelay $0x1  }
0x3d5: {  	[tilespmem:s3+$0xFFFFFFC0] =	vst v23  }
0x3d6: {  	[tilespmem:s0+$0xFFFFFFC0] =	vst v23  }
0x3d7: {  	v23 =	vld [tilespmem:s15+$0x5560];
	_ =	sdelay $0x4  }
0x3d8: {  	v22 =	vadd.f32 v23, v22;
	_ =	sdelay $0x1  }
0x3d9: {  	[tilespmem:s3+$0xFFFFFFD0] =	vst v22  }
0x3da: {  	[tilespmem:s0+$0xFFFFFFD0] =	vst v22  }
0x3db: {  	v22 =	vld [tilespmem:s15+$0x5570];
	_ =	sdelay $0x4  }
0x3dc: {  	v21 =	vadd.f32 v22, v21;
	_ =	sdelay $0x1  }
0x3dd: {  	[tilespmem:s3+$0xFFFFFFE0] =	vst v21  }
0x3de: {  	[tilespmem:s0+$0xFFFFFFE0] =	vst v21  }
0x3df: {  	v21 =	vld [tilespmem:s15+$0x5900];
	_ =	sdelay $0x4  }
0x3e0: {  	v20 =	vadd.f32 v21, v20;
	_ =	sdelay $0x1  }
0x3e1: {  	[tilespmem:s14+$0xE800] =	vst v20  }
0x3e2: {  	[tilespmem:s16+$0x100] =	vst v20  }
0x3e3: {  	v20 =	vld [tilespmem:s15+$0x5910];
	_ =	sdelay $0x4  }
0x3e4: {  	v19 =	vadd.f32 v20, v19;
	_ =	sdelay $0x1  }
0x3e5: {  	[tilespmem:s3+$0x0] =	vst v19  }
0x3e6: {  	[tilespmem:s0+$0x0] =	vst v19  }
0x3e7: {  	v19 =	vld [tilespmem:s15+$0x5920];
	_ =	sdelay $0x4  }
0x3e8: {  	v18 =	vadd.f32 v19, v18;
	_ =	sdelay $0x1  }
0x3e9: {  	[tilespmem:s3+$0x10] =	vst v18  }
0x3ea: {  	[tilespmem:s0+$0x10] =	vst v18  }
0x3eb: {  	v18 =	vld [tilespmem:s15+$0x5930];
	_ =	sdelay $0x4  }
0x3ec: {  	v17 =	vadd.f32 v18, v17;
	_ =	sdelay $0x1  }
0x3ed: {  	[tilespmem:s3+$0x20] =	vst v17  }
0x3ee: {  	[tilespmem:s0+$0x20] =	vst v17  }
0x3ef: {  	v17 =	vld [tilespmem:s15+$0x5940];
	_ =	sdelay $0x4  }
0x3f0: {  	v16 =	vadd.f32 v17, v16;
	_ =	sdelay $0x1  }
0x3f1: {  	[tilespmem:s3+$0x30] =	vst v16  }
0x3f2: {  	[tilespmem:s0+$0x30] =	vst v16  }
0x3f3: {  	v16 =	vld [tilespmem:s15+$0x5950];
	_ =	sdelay $0x4  }
0x3f4: {  	v15 =	vadd.f32 v16, v15;
	_ =	sdelay $0x1  }
0x3f5: {  	[tilespmem:s3+$0x40] =	vst v15  }
0x3f6: {  	[tilespmem:s0+$0x40] =	vst v15  }
0x3f7: {  	v15 =	vld [tilespmem:s15+$0x5960];
	_ =	sdelay $0x4  }
0x3f8: {  	v14 =	vadd.f32 v15, v14;
	_ =	sdelay $0x1  }
0x3f9: {  	[tilespmem:s3+$0x50] =	vst v14  }
0x3fa: {  	[tilespmem:s0+$0x50] =	vst v14  }
0x3fb: {  	v14 =	vld [tilespmem:s15+$0x5970];
	_ =	sdelay $0x4  }
0x3fc: {  	v13 =	vadd.f32 v14, v13;
	_ =	sdelay $0x1  }
0x3fd: {  	[tilespmem:s3+$0x60] =	vst v13  }
0x3fe: {  	[tilespmem:s0+$0x60] =	vst v13  }
0x3ff: {  	v13 =	vld [tilespmem:s15+$0x5D00];
	_ =	sdelay $0x4  }
0x400: {  	v12 =	vadd.f32 v13, v12;
	_ =	sdelay $0x1  }
0x401: {  	[tilespmem:s14+$0xE880] =	vst v12  }
0x402: {  	[tilespmem:s16+$0x180] =	vst v12  }
0x403: {  	v12 =	vld [tilespmem:s15+$0x5D10];
	_ =	sdelay $0x4  }
0x404: {  	v11 =	vadd.f32 v12, v11;
	_ =	sdelay $0x1  }
0x405: {  	[tilespmem:s3+$0x80] =	vst v11  }
0x406: {  	[tilespmem:s0+$0x80] =	vst v11  }
0x407: {  	v11 =	vld [tilespmem:s15+$0x5D20];
	_ =	sdelay $0x4  }
0x408: {  	v10 =	vadd.f32 v11, v10;
	_ =	sdelay $0x1  }
0x409: {  	[tilespmem:s3+$0x90] =	vst v10  }
0x40a: {  	[tilespmem:s0+$0x90] =	vst v10  }
0x40b: {  	v10 =	vld [tilespmem:s15+$0x5D30];
	_ =	sdelay $0x4  }
0x40c: {  	v9 =	vadd.f32 v10, v9;
	_ =	sdelay $0x1  }
0x40d: {  	[tilespmem:s3+$0xA0] =	vst v9  }
0x40e: {  	[tilespmem:s0+$0xA0] =	vst v9  }
0x40f: {  	v9 =	vld [tilespmem:s15+$0x5D40];
	_ =	sdelay $0x4  }
0x410: {  	v8 =	vadd.f32 v9, v8;
	_ =	sdelay $0x1  }
0x411: {  	[tilespmem:s3+$0xB0] =	vst v8  }
0x412: {  	[tilespmem:s0+$0xB0] =	vst v8  }
0x413: {  	v8 =	vld [tilespmem:s15+$0x5D50];
	_ =	sdelay $0x4  }
0x414: {  	v7 =	vadd.f32 v8, v7;
	_ =	sdelay $0x1  }
0x415: {  	[tilespmem:s3+$0xC0] =	vst v7  }
0x416: {  	[tilespmem:s0+$0xC0] =	vst v7  }
0x417: {  	v7 =	vld [tilespmem:s15+$0x5D60];
	_ =	sdelay $0x4  }
0x418: {  	v6 =	vadd.f32 v7, v6;
	_ =	sdelay $0x1  }
0x419: {  	[tilespmem:s3+$0xD0] =	vst v6  }
0x41a: {  	[tilespmem:s0+$0xD0] =	vst v6  }
0x41b: {  	v6 =	vld [tilespmem:s15+$0x5D70];
	_ =	sdelay $0x4  }
0x41c: {  	v5 =	vadd.f32 v6, v5;
	_ =	sdelay $0x1  }
0x41d: {  	[tilespmem:s3+$0xE0] =	vst v5  }
0x41e: {  	[tilespmem:s0+$0xE0] =	vst v5  }
0x41f: {  	v5 =	vld [tilespmem:s15+$0x6100];
	_ =	sdelay $0x4  }
0x420: {  	s31 =	smul.u32 $0x204, s28;
	s26 =	sadd.s32 $0x1, s26;
	v4 =	vadd.f32 v5, v4  }
0x421: {  	p0 =	sne.s32 s26, $0x40  }
.Ltmp2:
0x422: {  	s0 =	sshrl.u32 s31, $0x3;
	[tilespmem:s14+$0xE900] =	vst v4;
	(pc) =	sbr.rel @p0 .LBB2_2-.Ltmp2, $4  }
0x423: {  	s0 =	sadd.s32 s1, s0;
	[tilespmem:s16+$0x200] =	vst v4  }
0x424: {  	[hbm4b:s0+s2] =	stream.linear.scatter [tilespmem:s8], [sflag:$0x4], $0x4080, $0x38;
	[tilespmem:$0x1AA00] =	vst v63  }
0x425: {  	s0 =	sadd.s32 $0x810000, s0  }
0x426: {  	[hbm4b:s0+s2] =	stream.linear.scatter [tilespmem:s12], [sflag:$0x4], $0x4080, $0x38;
	[tilespmem:$0x1AA00] =	vst v63  }
0x427: {  	s0 =	simm.s32 $0x3  }
0x428: {  	_ =	swait.ge [sflag:s0], $0x4080  }
0x429: {  	[sflag:s0] =	ssyncset.done $0x0  }
0x42a: {  	[sflag:s0] =	ssyncadd.s32 $0xFFFFBF80  }
0x42b: {  	_ =	swait.ge [sflag:s0], $0x4080  }
0x42c: {  	[sflag:s0] =	ssyncset.done $0x0  }
0x42d: {  	s3 =	simm.s32 $0x4;
	[sflag:s0] =	ssyncadd.s32 $0xFFFFBF80  }
0x42e: {  	_ =	swait.ge [sflag:s3], $0x4080  }
0x42f: {  	[sflag:s3] =	ssyncset.done $0x0  }
0x430: {  	[sflag:s3] =	ssyncadd.s32 $0xFFFFBF80  }
0x431: {  	_ =	swait.ge [sflag:s3], $0x4080  }
0x432: {  	s14 =	rddreg [dreg:$0x5]  }
0x433: {  	s31 =	rddreg [dreg:$0x4];
	s14 =	sadd.s32 $0x1, s14  }
0x434: {  	p0 =	sne.s32 s14, s31  }
.Ltmp3:
0x435: {  	_ = 	snop;
	(pc) =	sbr.rel @p0 .LBB2_1-.Ltmp3, $3  }
0x436: {  	_ =	sdelay $0x1  }
0x437: {  	[sflag:s3] =	ssyncset.done $0x0  }
0x438: {  	[sflag:s3] =	ssyncadd.s32 $0xFFFFBF80  }
0x439: {  	_ =	sfence.sel $0x180000  }
0x43a: {  	[bflag:$0x0] =	sbarrier.arrive $0xFFFF  }
0x43b: {  	_ =	strace $0x90000047  }
0x43c: {  	s0 =	stileid.u32;
	[bflag:$0x2] =	sbarrier.arrive $0xFFFF  }
0x43d: {  	p0 =	sne.s32 s0, $0x0;
	s0 =	rddreg [dreg:$0x2]  }
0x43e: {  	s0 =	sadd.s32 @!p0 $0x100000, s0  }
0x43f: {  	[sflag:s0] =	ssyncadd.tile.s32 @!p0 $0x1;
	_ =	shalt  }
.Lfunc_end2:
_tile_overlayer_lowered:
.L_overlay_start_2:
0x440: {  	(tag) =	ssettag $0x2  }
0x441: {  	s0 =	rddreg [dreg:$0x0];
	s2 =	stileid.u32  }
0x442: {  	s1 =	rddreg [dreg:$0x1];
	p0 =	sne.s32 s2, $0x0  }
0x443: {  	s3 =	rddreg [dreg:$0x2];
	[bflag:$0x3] =	sbarrier.arrive $0xFFFF;
	s2 =	simm.s32 @!p0 $0x1C05  }
0x444: {  	[timem:s3], [sflag:s2] =	dma.local @!p0 [hbm:s0], s1  }
0x445: {  	s0 =	simm.s32 @!p0 $0x5  }
0x446: {  	_ =	swait.ge @!p0 [sflag:s0], s1  }
0x447: {  	s1 =	ssub.s32 @!p0 $0x0, s1;
	[sflag:s0] =	ssyncset.done @!p0 $0x0  }
0x448: {  	[sflag:s0] =	ssyncadd.s32 @!p0 s1  }
0x449: {  	[bflag:$0x3] =	sbarrier.arrive $0xFFFF  }
0x44a: {  	_ =	shalt  }

// kernel: sparse-core-data-format-call.cloned.1.call-start
scs
called_computation_lowered:
.L_overlay_start_0:
0x0: {  	s2 =	sld [smem:$0x3FD9]  }
0x1: {  	s3 =	sld [smem:$0x3FFE];
	_ =	sdelay $0x1  }
0x2: {  	s1 =	srdreg.scid  }
0x3: {  	s0 =	sand.u32 $0x1, s1  }
0x4: {  	s18 =	sshll.u32 s0, $0xA;
	s2 =	sadd.s32 s3, s2  }
0x5: {  	s2 =	sadd.s32 s2, s18  }
0x6: {  	[smem:$0x3FC2] =	sst s2  }
0x7: {  	_ = 	snop  }
0x8: {  	s2 =	sld [smem:$0x3FD0];
	(tm) =	ssettm $0x1  }
0x9: {  	s19 =	sld [smem:$0x3FFB];
	_ =	sdelay $0x3  }
0xa: {  	_ =	strace s19  }
0xb: {  	s3 =	sld [smem:$0x3FFC];
	_ =	sdelay $0x3  }
0xc: {  	_ =	strace s3  }
0xd: {  	s3 =	sld [smem:$0x3FFD];
	_ =	sdelay $0x3  }
0xe: {  	_ =	strace s3  }
0xf: {  	_ =	strace $0x8FFFFFFF  }
0x10: {  	s20 =	sld [smem:$0x3FDB];
	_ =	sdelay $0x1  }
0x11: {  	s4 =	simm.s32 $_scs_section_size  }
0x12: {  	s5 =	simm.s32 $_size__tile_overlayer_lowered;
	s6 =	simm.s32 $_tile_overlayer_lowered  }
0x13: {  	s23 =	simm.s32 $0x1BFF;
	s22 =	sshll.u32 s6, $0x1;
	s3 =	sadd.s32 s4, s20  }
0x14: {  	s7 =	simm.s32 $0x0;
	s21 =	sshll.u32 s5, $0x1;
	s5 =	sadd.s32 s22, s3  }
0x15: {  	[timem:s7], [sflag:s23] =	dma.local [hbm:s5], s21  }
0x16: {  	_ =	swait.ge [sflag:s23], s21  }
0x17: {  	s4 =	ssub.s32 $0x0, s21;
	[sflag:s23] =	ssyncset.done $0x0  }
0x18: {  	[sflag:s23] =	ssyncadd.s32 s4;
	_ =	sdelay $0x1  }
0x19: {  	s24 =	simm.s32 $0x1B8B  }
0x1a: {  	_ =	swait.ge [sflag:s24], $0x1  }
0x1b: {  	[sflag:s24] =	ssyncset.done $0x0  }
0x1c: {  	s26 =	simm.s32 $0x1B8E;
	s25 =	sld [smem:$0x3FFE];
	[sflag:s24] =	ssyncadd.s32 $0xFFFFFFFF  }
0x1d: {  	s27 =	simm.s32 $execute0_lowered;
	[smem:$0x3FD2] =	sst s26  }
0x1e: {  	s5 =	sshll.u32 s27, $0x1;
	_ =	strace $0x80000049;
	[dreg:$0x1] =	wrdreg $0xFFFFFFFF  }
0x1f: {  	s28 =	simm.s32 $_size_execute0_lowered;
	s3 =	sadd.s32 s3, s5;
	[dreg:$0x0] =	wrdreg $0x0  }
0x20: {  	s5 =	sshll.u32 s28, $0x1;
	[dreg:$0x2] =	wrdreg s3  }
0x21: {  	[dreg:$0x3] =	wrdreg s5  }
0x22: {  	[dreg:$0x4] =	wrdreg $0xC0  }
0x23: {  	_ =	task [dreg:s7], $0x5FFFF  }
0x24: {  	[dreg:$0x1] =	wrdreg $0xFFFFFFFF  }
0x25: {  	[dreg:$0x0] =	wrdreg $0x60  }
0x26: {  	[dreg:$0x2] =	wrdreg s25  }
0x27: {  	[dreg:$0x3] =	wrdreg s2  }
0x28: {  	[dreg:$0x4] =	wrdreg $0x9  }
0x29: {  	_ =	task.clear_ibuf [dreg:s7], $0x5FFFF;
	_ =	strace $0x90000049  }
0x2a: {  	s29 =	simm.s32 $0x9;
	_ =	strace $0x8000004B  }
0x2b: {  	_ =	swait.ge [sflag:s29], $0x1  }
0x2c: {  	[sflag:s29] =	ssyncadd.s32 $0xFFFFFFFF  }
0x2d: {  	_ =	strace $0x9000004B  }
0x2e: {  	_ =	sfence  }
0x2f: {  	s30 =	sld [smem:$0x0];
	_ =	sdelay $0x2  }
0x30: {  	s31 =	sshll.u32 s1, $0xD;
	s1 =	sshrl.u32 s1, $0x2  }
0x31: {  	s3 =	sand.u32 $0x4000, s31;
	s1 =	sadd.s32 s1, s30  }
0x32: {  	s0 =	sor.u32 s3, s0;
	s1 =	sshll.u32 s1, $0x11  }
0x33: {  	s0 =	sor.u32 s1, s0  }
0x34: {  	s0 =	sadd.s32 $0x8F2B, s0  }
0x35: {  	[sflag:s0] =	ssyncadd.remote.s32 $0x1  }
0x36: {  	_ =	sfence.sel $0xFFFF  }
0x37: {  	[dreg:$0x0] =	wrdreg $0xFFFFFFFF;
	(pc) =	sbr.abs _section_cstart, $3  }
0x38: {  	[dreg:$0x1] =	wrdreg $0xFFFFFFFF  }
0x39: {  	_ =	task.clear_ibuf [dreg:s7], $0x2FFFF;
	_ =	strace $0x9FFFFFFF  }
0x3a: {  	(tm) =	ssettm $0x7FFFFFFF  }
0x3b: {  	_ =	shalt  }
tec
execute0_lowered:
.L_overlay_start_1:
0x0: {  	(tag) =	ssettag $0x1  }
0x1: {  	s0 =	srdreg.scid  }
0x2: {  	s1 =	sshll.u32 s0, $0x4  }
0x3: {  	s6 =	rddreg [dreg:$0x0];
	s0 =	stileid.u32;
	s1 =	sand.u32 $0x10, s1  }
0x4: {  	s3 =	rddreg [dreg:$0x1];
	s1 =	sor.u32 s0, s1  }
0x5: {  	s5 =	simm.s32 $0x1;
	s31 =	simm.s32 $0x2;
	s2 =	sshll.u32 s1, $0x7  }
0x6: {  	s15 =	simm.s32 $0x0;
	s8 =	simm.s32 $0x200000;
	s4 =	ssub.s32 $0x40000, s2  }
0x7: {  	s14 =	simm.s32 $0x0;
	s9 =	simm.s32 $0x0;
	s30 =	sand.u32 $0xF80, s4  }
0x8: {  	s10 =	simm.s32 $0x0;
	s11 =	simm.s32 $0x0;
	p0 =	sne.s32 s30, $0x0  }
.Ltmp0:
0x9: {  	s7 =	sshrl.u32 s4, $0xC;
	s5 =	simm.s32 @!p0 $0x0;
	(pc) =	sbr.rel .LBB1_1-.Ltmp0, $4  }
0xa: {  	s13 =	simm.s32 $0x0;
	s1 =	rddreg [dreg:$0x2];
	s5 =	sadd.s32 s5, s7  }
0xb: {  	_ =	strace $0x8000004A;
	s4 =	simm.s32 $0x1;
	s5 =	smul.u32 $0x5, s5  }
0xc: {  	s6 =	sadd.s32 $0x1A00, s6;
	s12 =	smov.u32 s2;
	[sflag:s4] =	ssyncpa.u1 $0x0  }
0xd: {  	[sflag:s31] =	ssyncpa.u1 $0x0;
	p0 =	por $0x0, $0x0;
	s7 =	sadd.s32 $0x1, s5  }
.LBB1_4:
0xe: {  	s21 =	sshll.u32 s9, $0x12;
	s22 =	sshll.u32 s10, $0x3;
	s20 =	sshra.s32 s20, $0x2  }
0xf: {  	s28 =	sand.u32 $0x78, s10;
	s29 =	sshll.u32 s9, $0x7;
	p1 =	sgt.s32 s9, $0x188  }
0x10: {  	s25 =	sshra.s32 s9, $0x1F;
	s31 =	sshra.s32 s10, $0x1F;
	s21 =	sand.u32 $0xFFE00000, s21  }
0x11: {  	s23 =	sand.u32 $0xFFFFFC00, s22;
	s19 =	sadd.s32 s20, s19;
	s22 =	sand.u32 $0x3FC00, s22  }
0x12: {  	v5 =	vld [tilespmem:s17+$0xFFFFFFD0];
	[tilespmem:s18+$0x2040 ss:$0x81] =	vst.msk $0xffff, v4;
	s25 =	sand.u32 s25, s9;
	s27 =	sadd.s32 s23, s21;
	s23 =	sand.u32 $0x380, s29  }
0x13: {  	v58 =	vld [tilespmem:s17+$0xFFFFFFE0];
	[tilespmem:s18+$0x2850 ss:$0x81] =	vst.msk $0xffff, v3;
	s21 =	sor.u32 s28, s22;
	s22 =	smov.u32 s9;
	s20 =	sshrl.u32 s27, $0x12  }
0x14: {  	v59 =	vld [tilespmem:s17+$0xFFFFFFF0];
	[tilespmem:s18+$0x3060 ss:$0x81] =	vst.msk $0xffff, v2;
	s22 =	simm.s32 @!p1 $0x188;
	p1 =	sgt.s32 s10, $0x3FF80;
	s24 =	smul.u32 $0xFC1, s20  }
0x15: {  	v60 =	vld [tilespmem:s17+$0x0];
	[tilespmem:s18+$0x0 ss:$0x81] =	vst.msk $0xffff, v1;
	s21 =	sor.u32 s23, s21;
	s30 =	ssub.s32 s22, s25;
	s22 =	smov.u32 s10  }
0x16: {  	v61 =	vld [tilespmem:s17+$0x10];
	[tilespmem:s19+$0x3870 ss:$0x81] =	vst.msk $0xffff, v0;
	s25 =	sand.u32 s31, s10;
	s22 =	simm.s32 @!p1 $0x3FF80;
	s24 =	sshrl.u32 s24, $0x15  }
0x17: {  	v62 =	vld [tilespmem:s17+$0x20];
	[tilespmem:s19+$0x810 ss:$0x81] =	vst.msk $0xffff, v5;
	s26 =	sadd.s32 $0xFFFFFE78, s30;
	s22 =	ssub.s32 s22, s25;
	s24 =	smul.u32 $0x208, s24  }
0x18: {  	v63 =	vld [tilespmem:s17+$0xFFFFFFC0];
	[tilespmem:s19+$0x1020 ss:$0x81] =	vst.msk $0xffff, v58;
	s18 =	ssub.s32 $0x208, s30;
	p1 =	sgt.s32 s26, $0x7F;
	s28 =	sadd.s32 $0xFFFC0080, s22  }
0x19: {  	[tilespmem:s19+$0x1830 ss:$0x81] =	vst.msk $0xffff, v59;
	p2 =	sgt.s32 s28, $0x7F;
	s27 =	ssub.s32 s20, s24;
	s20 =	ssub.s32 $0x40000, s22  }
0x1a: {  	s29 =	sshrl.u32 s21, $0x3;
	[tilespmem:s19+$0x2040 ss:$0x81] =	vst.msk $0xffff, v60;
	s18 =	simm.s32 @p1 $0x0;
	s20 =	simm.s32 @p2 $0x0  }
0x1b: {  	[tilespmem:s19+$0x2850 ss:$0x81] =	vst.msk $0xffff, v61;
	s30 =	sand.u32 $0x7, s10;
	s17 =	sand.u32 $0xFFFF, s27;
	s18 =	smul.u32 s20, s18  }
0x1c: {  	[tilespmem:s19+$0x3060 ss:$0x81] =	vst.msk $0xffff, v62;
	s21 =	sshll.u32 s30, $0x12;
	s17 =	sshll.u32 s17, $0xF;
	s20 =	sadd.s32 s3, s29  }
0x1d: {  	[tilespmem:s19+$0x0 ss:$0x81] =	vst.msk $0xffff, v63;
	s31 =	sor.u32 $0x400, s21;
	s17 =	sadd.s32 s17, s20;
	s18 =	sand.u32 $0x3FFFFFFF, s18  }
0x1e: {  	[hbm4b:s17+s31] =	stream.strided.scatter [tilespmem:s16], [sflag:$0x2], s18, s8, s31, $0x20;
	[tilespmem:$0x10100] =	vst v63  }
.LBB1_5:
0x1f: {  	p1 =	slt.u32 s13, $0x2  }
0x20: {  	s17 =	smov.u32 s15;
	p2 =	sgt.s32 @!p1 s15, $0x188;
	s16 =	sshra.s32 @!p1 s15, $0x1F  }
0x21: {  	p3 =	sgt.s32 @!p1 s14, $0x3FF80;
	s18 =	sshra.s32 @!p1 s14, $0x1F;
	p2 =	por !p2, p1  }
0x22: {  	s15 =	sand.u32 @!p1 s16, s15;
	p3 =	por !p3, p1;
	s16 =	smov.u32 s14  }
0x23: {  	s14 =	sand.u32 @!p1 s18, s14;
	s17 =	simm.s32 @p2 $0x188;
	s16 =	simm.s32 @p3 $0x3FF80  }
0x24: {  	s15 =	ssub.s32 @!p1 s17, s15;
	s14 =	ssub.s32 @!p1 s16, s14  }
0x25: {  	s18 =	smov.u32 s12;
	s16 =	sadd.s32 @!p1 $0xFFFFFE78, s15;
	s17 =	sadd.s32 @!p1 $0xFFFC0080, s14  }
0x26: {  	s15 =	ssub.s32 @!p1 $0x208, s15;
	p2 =	sgt.s32 @!p1 s16, $0x7F;
	p3 =	sgt.s32 @!p1 s17, $0x7F  }
0x27: {  	s14 =	ssub.s32 @!p1 $0x40000, s14;
	p2 =	por !p2, p1;
	p3 =	por !p3, p1  }
0x28: {  	s16 =	sadd.s32 $0x80, s11;
	s15 =	simm.s32 @!p2 $0x0;
	s14 =	simm.s32 @!p3 $0x0  }
0x29: {  	p2 =	sgt.s32 s16, $0x203;
	s14 =	smul.u32 @!p1 s14, s15;
	s15 =	sadd.s32 $0x1000, s12  }
0x2a: {  	s18 =	smov.u32 @p2 s15  }
0x2b: {  	s16 =	simm.s32 @p2 $0x0;
	p2 =	sgt.s32 s18, $0x3FFFF  }
0x2c: {  	s18 =	smov.u32 @p2 s2;
	p2 =	sne.s32 s13, s7  }
.Ltmp1:
0x2d: {  	p0 =	por !p0, !p0;
	s17 =	simm.s32 @!p1 $0x2;
	(pc) =	sbr.rel @!p2 .LBB1_6-.Ltmp1, $4  }
0x2e: {  	s15 =	smov.u32 s9;
	s9 =	smov.u32 s11;
	s14 =	sand.u32 @!p1 $0x3FFFFFFF, s14  }
0x2f: {  	s11 =	smov.u32 s16;
	_ =	swait.ge @!p1 [sflag:s17], s14;
	s19 =	ssub.s32 @!p1 $0x0, s14  }
0x30: {  	s14 =	smov.u32 s10;
	s13 =	sadd.s32 $0x1, s13;
	[sflag:s17] =	ssyncset.done @!p1 $0x0  }
0x31: {  	s10 =	smov.u32 s12;
	s12 =	smov.u32 s18;
	[sflag:s17] =	ssyncadd.s32 @!p1 s19  }
.LBB1_1:
0x32: {  	p1 =	sge.u32 s13, s5  }
0x33: {  	s16 =	sshrl.u32 @!p1 s12, $0x3  }
0x34: {  	s17 =	sshll.u32 @!p1 s11, $0x3;
	s16 =	smul.u32 @!p1 $0x1400, s16  }
0x35: {  	s18 =	sshll.u32 @!p1 s12, $0x7;
	s17 =	sand.u32 @!p1 $0xFFFFFC00, s17  }
0x36: {  	s16 =	sadd.s32 @!p1 s16, s17;
	s17 =	sand.u32 @!p1 $0x380, s18  }
0x37: {  	s18 =	sand.u32 @!p1 $0x7F, s11;
	s16 =	sor.u32 @!p1 s17, s16  }
0x38: {  	s17 =	sor.u32 @!p1 s18, s16  }
0x39: {  	s18 =	smulhi.u32 @!p1 $0xCCCCCCCD, s17;
	_ =	sdelay $0x1  }
0x3a: {  	s16 =	smulhi.u32 @!p1 $0xCCCCCCCD, s16;
	s18 =	sshrl.u32 @!p1 s18, $0x9  }
0x3b: {  	s18 =	smul.u32 @!p1 $0x280, s18  }
0x3c: {  	s31 =	sadd.s32 $0xFFFFFFFF, s13;
	s19 =	sxor.u32 @!p1 $0xFFFFFFFF, s13;
	s16 =	sshrl.u32 @!p1 s16, $0x9  }
0x3d: {  	s19 =	sshll.u32 @!p1 s19, $0xE;
	s16 =	sand.u32 @!p1 $0x3FFFF, s16;
	s17 =	ssub.s32 @!p1 s17, s18  }
0x3e: {  	s16 =	smul.u32 @!p1 $0x50, s16;
	s18 =	sshrl.u32 @!p1 s17, $0x3;
	s17 =	sand.u32 @!p1 $0x7, s17  }
0x3f: {  	s19 =	sand.u32 @!p1 $0x4000, s19;
	s18 =	sadd.s32 @!p1 s6, s18;
	s17 =	sshll.u32 @!p1 s17, $0x12  }
0x40: {  	s16 =	sadd.s32 @!p1 s16, s18;
	s17 =	sor.u32 @!p1 $0x400, s17;
	s18 =	simm.s32 @!p1 $0x1400  }
0x41: {  	[tilespmem:s19], [sflag:$0x1] =	stream.strided.gather @!p1 [hbm4b:s16+s17], $0x4000, s18, s17, $0x38;
	[tilespmem:$0x10100] =	vst v63  }
0x42: {  	p1 =	sge.u32 s31, s5  }
.Ltmp2:
0x43: {  	_ = 	snop;
	(pc) =	sbr.rel @p1 .LBB1_5-.Ltmp2, $1  }
0x44: {  	_ =	sdelay $0x3  }
0x45: {  	s16 =	simm.s32 $0x1  }
0x46: {  	_ =	swait.ge [sflag:s4], $0x4000;
	s16 =	simm.s32 @!p0 $0x0  }
0x47: {  	[sflag:s4] =	ssyncset.done $0x0;
	s17 =	sshll.u32 s16, $0xE  }
0x48: {  	[sflag:s4] =	ssyncadd.s32 $0xFFFFC000;
	s17 =	sor.u32 $0x40, s17  }
0x49: {  	s16 =	smul.u32 $0x10200, s16;
	v0 =	vld [tilespmem:s17+$0x30]  }
0x4a: {  	v1 =	vld [tilespmem:s17+$0xFFFFFFD0]  }
0x4b: {  	s16 =	sshrl.u32 s16, $0x2;
	v5 =	vld [tilespmem:s17+$0xFFFFFFE0]  }
0x4c: {  	v6 =	vld [tilespmem:s17+$0xFFFFFFF0];
	s19 =	sor.u32 $0x8000, s16  }
0x4d: {  	s31 =	sand.u32 $0x1, s13;
	v4 =	vld [tilespmem:s17+$0x0];
	s18 =	sadd.s32 $0x0, s19  }
0x4e: {  	v3 =	vld [tilespmem:s17+$0x10];
	s16 =	smul.u32 $0x10200, s31;
	[tilespmem:s18+$0x3870 ss:$0x81] =	vst.msk $0xffff, v0  }
0x4f: {  	v2 =	vld [tilespmem:s17+$0x20];
	[tilespmem:s18+$0x810 ss:$0x81] =	vst.msk $0xffff, v1  }
0x50: {  	s16 =	sshrl.u32 s16, $0x2;
	v1 =	vld [tilespmem:s17+$0xFFFFFFC0];
	[tilespmem:s18+$0x1020 ss:$0x81] =	vst.msk $0xffff, v5;
	s17 =	sadd.s32 $0x80, s17  }
0x51: {  	s20 =	simm.s32 $0x4;
	s21 =	simm.s32 $0x8;
	s16 =	sor.u32 $0x8000, s16;
	[tilespmem:s18+$0x1830 ss:$0x81] =	vst.msk $0xffff, v6;
	v0 =	vld [tilespmem:s17+$0x30]  }
.LBB1_3:
0x52: {  	p1 =	sne.s32 s21, $0x1FC;
	v5 =	vld [tilespmem:s17+$0xFFFFFFD0];
	[tilespmem:s18+$0x2040 ss:$0x81] =	vst.msk $0xffff, v4  }
0x53: {  	v6 =	vld [tilespmem:s17+$0xFFFFFFE0];
	[tilespmem:s18+$0x2850 ss:$0x81] =	vst.msk $0xffff, v3  }
0x54: {  	s22 =	sshra.s32 s20, $0x2;
	s20 =	smov.u32 s21;
	v7 =	vld [tilespmem:s17+$0xFFFFFFF0];
	[tilespmem:s18+$0x3060 ss:$0x81] =	vst.msk $0xffff, v2  }
.Ltmp3:
0x55: {  	v4 =	vld [tilespmem:s17+$0x0];
	[tilespmem:s18+$0x0 ss:$0x81] =	vst.msk $0xffff, v1;
	s18 =	sadd.s32 s22, s19;
	(pc) =	sbr.rel @p1 .LBB1_3-.Ltmp3, $4  }
0x56: {  	v3 =	vld [tilespmem:s17+$0x10];
	[tilespmem:s18+$0x3870 ss:$0x81] =	vst.msk $0xffff, v0  }
0x57: {  	[tilespmem:s18+$0x810 ss:$0x81] =	vst.msk $0xffff, v5;
	v2 =	vld [tilespmem:s17+$0x20]  }
0x58: {  	v1 =	vld [tilespmem:s17+$0xFFFFFFC0];
	[tilespmem:s18+$0x1020 ss:$0x81] =	vst.msk $0xffff, v6;
	s17 =	sadd.s32 $0x80, s17  }
0x59: {  	s21 =	sadd.s32 $0x4, s21;
	v0 =	vld [tilespmem:s17+$0x30];
	[tilespmem:s18+$0x1830 ss:$0x81] =	vst.msk $0xffff, v7  }
.Ltmp4:
0x5a: {  	_ = 	snop;
	(pc) =	sbr.rel .LBB1_4-.Ltmp4, $1  }
0x5b: {  	_ =	sdelay $0x3  }
.LBB1_6:
0x5c: {  	_ =	sfence.sel $0x180000  }
0x5d: {  	s2 =	simm.s32 $0x1;
	[bflag:$0x0] =	sbarrier.arrive $0xFFFF  }
0x5e: {  	s31 =	simm.s32 $0x2;
	[sflag:s2] =	ssyncpa.u1 $0x1  }
0x5f: {  	[sflag:s31] =	ssyncpa.u1 $0x1  }
0x60: {  	p0 =	sne.s32 s0, $0x0;
	_ =	strace $0x9000004A  }
0x61: {  	s0 =	sadd.s32 @!p0 $0x100000, s1;
	[bflag:$0x2] =	sbarrier.arrive $0xFFFF  }
0x62: {  	[sflag:s0] =	ssyncadd.tile.s32 @!p0 $0x1;
	_ =	shalt  }
.Lfunc_end1:
_tile_overlayer_lowered:
.L_overlay_start_2:
0x63: {  	(tag) =	ssettag $0x2  }
0x64: {  	s0 =	rddreg [dreg:$0x0];
	s2 =	stileid.u32  }
0x65: {  	s1 =	rddreg [dreg:$0x1];
	p0 =	sne.s32 s2, $0x0  }
0x66: {  	s3 =	rddreg [dreg:$0x2];
	[bflag:$0x3] =	sbarrier.arrive $0xFFFF;
	s2 =	simm.s32 @!p0 $0x1C01  }
0x67: {  	[timem:s3], [sflag:s2] =	dma.local @!p0 [hbm:s0], s1  }
0x68: {  	s0 =	simm.s32 @!p0 $0x1  }
0x69: {  	_ =	swait.ge @!p0 [sflag:s0], s1  }
0x6a: {  	s1 =	ssub.s32 @!p0 $0x0, s1;
	[sflag:s0] =	ssyncset.done @!p0 $0x0  }
0x6b: {  	[sflag:s0] =	ssyncadd.s32 @!p0 s1  }
0x6c: {  	[bflag:$0x3] =	sbarrier.arrive $0xFFFF  }
0x6d: {  	_ =	shalt  }

</sc_bundles>
